<compile_context>
chip_gen: v7x
topology: tpu7x:2x2x1
jax: 0.10.2.dev20260603
libtpu: 0.0.44.dev20260713+nightly
codegen_flags: <defaults>
</compile_context>

<pallas_src>
import jax
import jax.numpy as jnp
from jax import lax
from jax.experimental import pallas as pl
from jax.experimental.pallas import tpu as pltpu
from jax.experimental.pallas import tpu_sc as plsc

B, L, R = 4096, 7, 10
CDIM = 100
DW = 128
NLR = L + R
CPAD = 112
NW = 32
QW = B // NW
NQ = 8
NCHUNK = B // NQ
CH_W = QW // NQ
NROW = NLR * NQ
NSEG = 2
SEG = NROW // NSEG


def _rsqrt_vec(n):
    n = jnp.maximum(n, 1e-24)
    i = lax.bitcast_convert_type(n, jnp.int32)
    i = jnp.int32(0x5F3759DF) - (i >> 1)
    y = lax.bitcast_convert_type(i, jnp.float32)
    for _ in range(3):
        y = y * (1.5 - 0.5 * n * y * y)
    return y


def _gather_q_body(idx_hbm, tab_hbm, out_hbm, idx_v, rows_v, sem):
    wid = lax.axis_index("s") * 2 + lax.axis_index("c")
    base = wid * QW
    pltpu.sync_copy(idx_hbm.at[pl.ds(base, QW)], idx_v)
    pltpu.async_copy(tab_hbm.at[idx_v], rows_v, sem).wait()
    pltpu.sync_copy(rows_v, out_hbm.at[pl.ds(base, QW)])


_gather_q = pl.kernel(
    _gather_q_body,
    mesh=plsc.VectorSubcoreMesh(core_axis_name="c", subcore_axis_name="s"),
    compiler_params=pltpu.CompilerParams(use_tc_tiling_on_sc=False, needs_layout_passes=False),
    out_type=jax.ShapeDtypeStruct((B, CPAD), jnp.float32),
    scratch_types=[
        pltpu.VMEM((QW,), jnp.int32),
        pltpu.VMEM((QW, CPAD), jnp.float32),
        pltpu.SemaphoreType.DMA,
    ],
)


def _proj_body(q_ref, lw_ref, rw_ref, ul_ref, ur_ref):
    q = q_ref[...]
    s = jnp.sum(q * q, axis=1, keepdims=True)
    qn = q / jnp.maximum(jnp.sqrt(s), 1e-12)
    ul_ref[...] = jnp.dot(qn, lw_ref[...], preferred_element_type=jnp.float32)
    ur_ref[...] = jnp.dot(qn, rw_ref[...], preferred_element_type=jnp.float32)


_proj = pl.pallas_call(
    _proj_body,
    grid=(8,),
    in_specs=[
        pl.BlockSpec((B // 8, CPAD), lambda i: (i, 0)),
        pl.BlockSpec((CPAD, CPAD), lambda i: (0, 0)),
        pl.BlockSpec((CPAD, CPAD), lambda i: (0, 0)),
    ],
    out_specs=[
        pl.BlockSpec((B // 8, CPAD), lambda i: (i, 0)),
        pl.BlockSpec((B // 8, CPAD), lambda i: (i, 0)),
    ],
    out_shape=[
        jax.ShapeDtypeStruct((B, CPAD), jnp.float32),
        jax.ShapeDtypeStruct((B, CPAD), jnp.float32),
    ],
)


def _main_body(ce_hbm, wvec_hbm, cidx_hbm, widx_hbm, ul_hbm, ur_hbm, gp_hbm,
               out_hbm,
               cidx_v, widx_v, crows_a, crows_b, wrows_a, wrows_b,
               ul_v, ur_v, gp_v, out_v,
               sem_ca, sem_cb, sem_wa, sem_wb):
    wid = lax.axis_index("s") * 2 + lax.axis_index("c")
    c0 = wid * CH_W
    pltpu.sync_copy(gp_hbm, gp_v)
    pltpu.sync_copy(cidx_hbm.at[pl.ds(c0, CH_W)], cidx_v)
    pltpu.sync_copy(widx_hbm.at[pl.ds(c0, CH_W)], widx_v)
    pltpu.sync_copy(ul_hbm.at[pl.ds(wid * QW, QW)], ul_v)
    pltpu.sync_copy(ur_hbm.at[pl.ds(wid * QW, QW)], ur_v)

    iota = lax.iota(jnp.int32, 16)
    lmask = iota < L
    rmask = iota < R

    g0l = gp_v[0, :]
    g0r = gp_v[1, :]
    g1l = gp_v[2, :]
    g1r = gp_v[3, :]
    gbv = gp_v[4, :]
    gb0 = gbv[0]
    gb1 = gbv[1]

    def fire(cl, crows, wrows, sem_c, sem_w):
        cl = jnp.minimum(cl, CH_W - 1)
        for j in range(NSEG):
            pltpu.async_copy(ce_hbm.at[cidx_v.at[cl, j]],
                             crows.at[pl.ds(j * SEG, SEG)], sem_c)
        for j in range(NSEG):
            pltpu.async_copy(wvec_hbm.at[widx_v.at[cl, j]],
                             wrows.at[pl.ds(j * SEG, SEG)], sem_w)

    def drain(cl, crows, wrows, sem_c, sem_w):
        cl = jnp.minimum(cl, CH_W - 1)
        for j in range(NSEG):
            pltpu.make_async_copy(ce_hbm.at[cidx_v.at[cl, j]],
                                  crows.at[pl.ds(j * SEG, SEG)], sem_c).wait()
        for j in range(NSEG):
            pltpu.make_async_copy(wvec_hbm.at[widx_v.at[cl, j]],
                                  wrows.at[pl.ds(j * SEG, SEG)], sem_w).wait()

    def compute(cl, crows, wrows):
        def q_body(q, _):
            lq = cl * NQ + q
            ulc = [ul_v[lq, pl.ds(k * 16, 16)] for k in range(7)]
            urc = [ur_v[lq, pl.ds(k * 16, 16)] for k in range(7)]

            def srow(i, roff, uc, carry):
                sv, nv = carry
                r = (roff + i) * NQ + q
                acc_s = jnp.zeros((16,), jnp.float32)
                acc_n = jnp.zeros((16,), jnp.float32)
                for k in range(7):
                    rv = crows[r, pl.ds(k * 16, 16)]
                    acc_s = acc_s + rv * uc[k]
                    acc_n = acc_n + rv * rv
                sv = jnp.where(iota == i, jnp.full((16,), jnp.sum(acc_s)), sv)
                nv = jnp.where(iota == i, jnp.full((16,), jnp.sum(acc_n)), nv)
                return sv, nv

            zeros = jnp.zeros((16,), jnp.float32)
            sl, nl = lax.fori_loop(
                0, L, lambda i, cy: srow(i, 0, ulc, cy), (zeros, zeros))
            sr, nr = lax.fori_loop(
                0, R, lambda i, cy: srow(i, L, urc, cy), (zeros, zeros))

            zl = jnp.where(lmask, sl * _rsqrt_vec(nl), -1e9)
            zr = jnp.where(rmask, sr * _rsqrt_vec(nr), -1e9)
            el = jnp.exp(zl - jnp.max(zl))
            er = jnp.exp(zr - jnp.max(zr))
            la = el / jnp.full((16,), jnp.sum(el))
            ra = er / jnp.full((16,), jnp.sum(er))
            gl0 = jnp.sum(la * g0l) + jnp.sum(ra * g0r) + gb0
            gl1 = jnp.sum(la * g1l) + jnp.sum(ra * g1r) + gb1
            ev = jnp.exp(jnp.full((16,), gl1 - gl0, jnp.float32))
            a0 = 1.0 / (1.0 + ev)
            la_s = la * a0
            ra_s = ra * (1.0 - a0)

            def pool(i, accs, wvv, roff):
                w = jnp.sum(jnp.where(iota == i, wvv, 0.0))
                r = (roff + i) * NQ + q
                return tuple(accs[k] + w * wrows[r, pl.ds(k * 16, 16)]
                             for k in range(8))

            accs0 = tuple(jnp.zeros((16,), jnp.float32) for _ in range(8))
            accs = lax.fori_loop(0, L, lambda i, a: pool(i, a, la_s, 0), accs0)
            accs = lax.fori_loop(0, R, lambda i, a: pool(i, a, ra_s, L), accs)
            for k in range(8):
                out_v[lq, pl.ds(k * 16, 16)] = accs[k]
            return 0

        lax.fori_loop(0, NQ, q_body, 0)

    fire(0, crows_a, wrows_a, sem_ca, sem_wa)

    def step(s, _):
        ca = 2 * s
        cb = 2 * s + 1
        fire(cb, crows_b, wrows_b, sem_cb, sem_wb)
        drain(ca, crows_a, wrows_a, sem_ca, sem_wa)
        compute(ca, crows_a, wrows_a)
        fire(ca + 2, crows_a, wrows_a, sem_ca, sem_wa)
        drain(cb, crows_b, wrows_b, sem_cb, sem_wb)
        compute(cb, crows_b, wrows_b)
        return 0

    lax.fori_loop(0, CH_W // 2, step, 0)
    drain(CH_W - 1, crows_a, wrows_a, sem_ca, sem_wa)

    pltpu.sync_copy(out_v, out_hbm.at[pl.ds(wid * QW, QW)])


_char_main = pl.kernel(
    _main_body,
    mesh=plsc.VectorSubcoreMesh(core_axis_name="c", subcore_axis_name="s"),
    compiler_params=pltpu.CompilerParams(use_tc_tiling_on_sc=False, needs_layout_passes=False),
    out_type=jax.ShapeDtypeStruct((B, DW), jnp.float32),
    scratch_types=[
        pltpu.VMEM((CH_W, NSEG, SEG), jnp.int32),
        pltpu.VMEM((CH_W, NSEG, SEG), jnp.int32),
        pltpu.VMEM((NROW, CPAD), jnp.float32),
        pltpu.VMEM((NROW, CPAD), jnp.float32),
        pltpu.VMEM((NROW, DW), jnp.float32),
        pltpu.VMEM((NROW, DW), jnp.float32),
        pltpu.VMEM((QW, CPAD), jnp.float32),
        pltpu.VMEM((QW, CPAD), jnp.float32),
        pltpu.VMEM((8, 16), jnp.float32),
        pltpu.VMEM((QW, DW), jnp.float32),
        pltpu.SemaphoreType.DMA,
        pltpu.SemaphoreType.DMA,
        pltpu.SemaphoreType.DMA,
        pltpu.SemaphoreType.DMA,
    ],
)


def kernel(ce_raw, qidx, lixs_char, rixs_char, lixs_w, rixs_w, wvec, lW, rW, gW, gb):
    qidx = qidx.astype(jnp.int32)
    cidx = jnp.concatenate([lixs_char, rixs_char], axis=1).astype(jnp.int32)
    widx = jnp.concatenate([lixs_w, rixs_w], axis=1).astype(jnp.int32)
    cidx_ch = cidx.reshape(NCHUNK, NQ, NLR).transpose(0, 2, 1).reshape(NCHUNK, NSEG, SEG)
    widx_ch = widx.reshape(NCHUNK, NQ, NLR).transpose(0, 2, 1).reshape(NCHUNK, NSEG, SEG)
    cep = jnp.pad(ce_raw, ((0, 0), (0, CPAD - CDIM)))
    lWp = jnp.pad(lW.T, ((0, CPAD - CDIM), (0, CPAD - CDIM)))
    rWp = jnp.pad(rW.T, ((0, CPAD - CDIM), (0, CPAD - CDIM)))
    gp = jnp.zeros((8, 16), jnp.float32)
    gp = gp.at[0, :L].set(gW[:L, 0]).at[1, :R].set(gW[L:, 0])
    gp = gp.at[2, :L].set(gW[:L, 1]).at[3, :R].set(gW[L:, 1])
    gp = gp.at[4, 0].set(gb[0]).at[4, 1].set(gb[1])
    qraw = _gather_q(qidx, cep)
    ul, ur = _proj(qraw, lWp, rWp)
    return _char_main(cep, wvec, cidx_ch, widx_ch, ul, ur, gp)

# --- scband reference (transcript-rebuilt; emitter-appended) ---
"""Pipeline reference for scband-char-30322469110372 (READ-ONLY COPY).

The authoritative reference and input builder live on the scoring server;
editing this copy changes nothing except your own understanding.
"""

import jax, jax.numpy as jnp
import numpy as np

B, L, R = 4096, 7, 10
CDIM = 100
U = 65536
V = 100000
DW = 128


def _l2_normalize(x, axis=-1, eps=1e-12):
    # mirrors torch nn.functional.normalize
    n = jnp.sqrt(jnp.sum(x * x, axis=axis, keepdims=True))
    return x / jnp.maximum(n, eps)


def _masked_softmax(scores, mask, axis):
    # memory_efficient masked softmax: fill masked positions with large negative
    scores = jnp.where(mask, scores, -1e9)
    return jax.nn.softmax(scores, axis=axis)


def setup_inputs(seed: int = 0) -> dict:
    key = jax.random.key(seed)
    ks = jax.random.split(key, 12)
    ce_raw = jax.random.normal(ks[0], (U, CDIM), dtype=jnp.float32)
    qidx = jax.random.randint(ks[1], (B,), 0, U, dtype=jnp.int64 if jax.config.jax_enable_x64 else jnp.int32)
    lixs_char = jax.random.randint(ks[2], (B, L), 0, U)
    rixs_char = jax.random.randint(ks[3], (B, R), 0, U)
    lixs_w = jax.random.randint(ks[4], (B, L), 0, V)
    rixs_w = jax.random.randint(ks[5], (B, R), 0, V)
    # learned parameters
    wvec = jax.random.normal(ks[6], (V, DW), dtype=jnp.float32)
    lW = jax.random.uniform(ks[7], (CDIM, CDIM), minval=-0.1, maxval=0.1, dtype=jnp.float32)
    rW = jax.random.uniform(ks[8], (CDIM, CDIM), minval=-0.1, maxval=0.1, dtype=jnp.float32)
    lim = 1.0 / np.sqrt(L + R)
    gW = jax.random.uniform(ks[9], (L + R, 2), minval=-lim, maxval=lim, dtype=jnp.float32)
    gb = jax.random.uniform(ks[10], (2,), minval=-lim, maxval=lim, dtype=jnp.float32)
    return {
        'ce_raw': ce_raw, 'qidx': qidx,
        'lixs_char': lixs_char, 'rixs_char': rixs_char,
        'lixs_w': lixs_w, 'rixs_w': rixs_w,
        'wvec': wvec, 'lW': lW, 'rW': rW, 'gW': gW, 'gb': gb,
    }


def reference(ce_raw, qidx, lixs_char, rixs_char, lixs_w, rixs_w, wvec, lW, rW, gW, gb):
    # ce = normalize(charcnn(words)); here charcnn output is ce_raw
    ce = _l2_normalize(ce_raw, axis=-1)
    qce = ce[qidx][:, :, None]                      # [B, cdim, 1]
    lmask = (lixs_char >= 0)[:, :, None]            # [B, L, 1]
    rmask = (rixs_char >= 0)[:, :, None]            # [B, R, 1]
    # attention scores: ce[ixs] @ W @ qce
    l_scores = jnp.matmul(jnp.matmul(ce[lixs_char], lW), qce)   # [B, L, 1]
    r_scores = jnp.matmul(jnp.matmul(ce[rixs_char], rW), qce)   # [B, R, 1]
    la = _masked_softmax(l_scores, lmask, axis=-2)  # [B, L, 1]
    ra = _masked_softmax(r_scores, rmask, axis=-2)  # [B, R, 1]
    # weighted pooling over word vectors
    le = jnp.sum(la * wvec[lixs_w], axis=-2)        # [B, DW]
    re = jnp.sum(ra * wvec[rixs_w], axis=-2)        # [B, DW]
    # gate over the two pooled embeddings
    gate_in = jnp.concatenate([la, ra], axis=-2)[:, :, 0]       # [B, L+R]
    a = jax.nn.softmax(gate_in @ gW + gb, axis=-1)  # [B, 2]
    e = jnp.sum(a[:, :, None] * jnp.stack([le, re], axis=-2), axis=-2)  # [B, DW]
    return e


if False:  # reference __main__ guard neutralized (emitter)
    out = reference(**setup_inputs())
    print(out.shape, out.dtype)

if __name__ == "__main__":
    import jax
    _d = setup_inputs()
    print(jax.jit(kernel)(*tuple(_d.values())))

</pallas_src>

<mosaic_0001>
#map = affine_map<(d0, d1) -> (0)>
#map1 = affine_map<(d0, d1) -> (0, 0)>
module attributes {stable_mosaic.version = 14 : i64} {
  func.func @_gather_q_body(%arg0: i32, %arg1: i32, %arg2: memref<4096xi32, #tpu.memory_space<hbm>>, %arg3: memref<65536x112xf32, #tpu.memory_space<hbm>>, %arg4: memref<4096x112xf32, #tpu.memory_space<hbm>>, %arg5: memref<128xi32, #tpu.memory_space<vmem>>, %arg6: memref<128x112xf32, #tpu.memory_space<vmem>>, %arg7: memref<!tpu.dma_semaphore, #tpu.memory_space<semaphore_mem>>) attributes {dimension_semantics = [#tpu.dimension_semantics<core_parallel>, #tpu.dimension_semantics<subcore_parallel>], iteration_bounds = array<i64: 2, 16>, scalar_prefetch = 0 : i64, scratch_operands = 3 : i64, tpu.core_type = #tpu.core_type<sc_vector_subcore>, window_params = [{transform_indices = #map}, {transform_indices = #map1}, {transform_indices = #map1}]} {
    %mul3A = arith.constant 2 : i32
    %mul3A_0 = arith.muli %arg1, %mul3A : i32
    %add3A = arith.addi %mul3A_0, %arg0 : i32
    %mul3A_1 = arith.constant 128 : i32
    %mul3A_2 = arith.muli %add3A, %mul3A_1 : i32
    "tpu.region"() ({
      %run_scoped3A = tpu.sem_alloc : memref<!tpu.dma_semaphore, #tpu.memory_space<semaphore_mem>>
      %dma_start3A_7 = tpu.memref_slice %arg2[%mul3A_2] : memref<4096xi32, #tpu.memory_space<hbm>> -> memref<128xi32, #tpu.memory_space<hbm>>
      %dma_start3A_8 = tpu.memref_slice %arg2[%mul3A_2] : memref<4096xi32, #tpu.memory_space<hbm>> -> memref<128xi32, #tpu.memory_space<hbm>>
      tpu.enqueue_dma source(%dma_start3A_8 : memref<128xi32, #tpu.memory_space<hbm>>) target(%arg5 : memref<128xi32, #tpu.memory_space<vmem>>) target_semaphore(%run_scoped3A : memref<!tpu.dma_semaphore, #tpu.memory_space<semaphore_mem>>)
      %dma_wait3A_9 = tpu.memref_slice %arg2[%mul3A_2] : memref<4096xi32, #tpu.memory_space<hbm>> -> memref<128xi32, #tpu.memory_space<hbm>>
      %dma_wait3A_10 = tpu.memref_slice %arg2[%mul3A_2] : memref<4096xi32, #tpu.memory_space<hbm>> -> memref<128xi32, #tpu.memory_space<hbm>>
      tpu.wait_dma2 semaphore(%run_scoped3A : memref<!tpu.dma_semaphore, #tpu.memory_space<semaphore_mem>>) src(%dma_wait3A_10 : memref<128xi32, #tpu.memory_space<hbm>>) dst(%arg5 : memref<128xi32, #tpu.memory_space<vmem>>)
      tpu.yield
    }) : () -> ()
    %dma_start3A = arith.constant 0 : i32
    %dma_start3A_3 = arith.constant 0 : i32
    %dma_start3A_4 = tpu.memref_slice %arg3[%dma_start3A, %dma_start3A_3] : memref<65536x112xf32, #tpu.memory_space<hbm>> -> memref<65536x112xf32, #tpu.memory_space<hbm>>
    tpu.enqueue_indirect_dma source(%dma_start3A_4 : memref<65536x112xf32, #tpu.memory_space<hbm>>) target(%arg6 : memref<128x112xf32, #tpu.memory_space<vmem>>) offsets(%arg5 : memref<128xi32, #tpu.memory_space<vmem>>) semaphore(%arg7 : memref<!tpu.dma_semaphore, #tpu.memory_space<semaphore_mem>>)
    %dma_wait3A = arith.constant 0 : i32
    %dma_wait3A_5 = arith.constant 0 : i32
    %dma_wait3A_6 = tpu.memref_slice %arg3[%dma_wait3A, %dma_wait3A_5] : memref<65536x112xf32, #tpu.memory_space<hbm>> -> memref<65536x112xf32, #tpu.memory_space<hbm>>
    tpu.wait_indirect_dma semaphore(%arg7 : memref<!tpu.dma_semaphore, #tpu.memory_space<semaphore_mem>>) src(%dma_wait3A_6 : memref<65536x112xf32, #tpu.memory_space<hbm>>) dst(%arg6 : memref<128x112xf32, #tpu.memory_space<vmem>>)
    "tpu.region"() ({
      %run_scoped3A = tpu.sem_alloc : memref<!tpu.dma_semaphore, #tpu.memory_space<semaphore_mem>>
      %dma_start3A_7 = arith.constant 0 : i32
      %dma_start3A_8 = tpu.memref_slice %arg4[%mul3A_2, %dma_start3A_7] : memref<4096x112xf32, #tpu.memory_space<hbm>> -> memref<128x112xf32, #tpu.memory_space<hbm>>
      %dma_start3A_9 = arith.constant 0 : i32
      %dma_start3A_10 = tpu.memref_slice %arg4[%mul3A_2, %dma_start3A_9] : memref<4096x112xf32, #tpu.memory_space<hbm>> -> memref<128x112xf32, #tpu.memory_space<hbm>>
      tpu.enqueue_dma source(%arg6 : memref<128x112xf32, #tpu.memory_space<vmem>>) target(%dma_start3A_10 : memref<128x112xf32, #tpu.memory_space<hbm>>) target_semaphore(%run_scoped3A : memref<!tpu.dma_semaphore, #tpu.memory_space<semaphore_mem>>)
      %dma_wait3A_11 = arith.constant 0 : i32
      %dma_wait3A_12 = tpu.memref_slice %arg4[%mul3A_2, %dma_wait3A_11] : memref<4096x112xf32, #tpu.memory_space<hbm>> -> memref<128x112xf32, #tpu.memory_space<hbm>>
      %dma_wait3A_13 = arith.constant 0 : i32
      %dma_wait3A_14 = tpu.memref_slice %arg4[%mul3A_2, %dma_wait3A_13] : memref<4096x112xf32, #tpu.memory_space<hbm>> -> memref<128x112xf32, #tpu.memory_space<hbm>>
      tpu.wait_dma2 semaphore(%run_scoped3A : memref<!tpu.dma_semaphore, #tpu.memory_space<semaphore_mem>>) src(%arg6 : memref<128x112xf32, #tpu.memory_space<vmem>>) dst(%dma_wait3A_14 : memref<128x112xf32, #tpu.memory_space<hbm>>)
      tpu.yield
    }) : () -> ()
    return
  }
}

#map = affine_map<(d0, d1) -> (0, 0)>
#map1 = affine_map<(d0, d1) -> (0, 0, 0)>
module attributes {stable_mosaic.version = 14 : i64} {
  func.func @_main_body(%arg0: i32, %arg1: i32, %arg2: memref<65536x112xf32, #tpu.memory_space<hbm>>, %arg3: memref<100000x128xf32, #tpu.memory_space<hbm>>, %arg4: memref<512x2x68xi32, #tpu.memory_space<hbm>>, %arg5: memref<512x2x68xi32, #tpu.memory_space<hbm>>, %arg6: memref<4096x112xf32, #tpu.memory_space<hbm>>, %arg7: memref<4096x112xf32, #tpu.memory_space<hbm>>, %arg8: memref<8x16xf32, #tpu.memory_space<hbm>>, %arg9: memref<4096x128xf32, #tpu.memory_space<hbm>>, %arg10: memref<16x2x68xi32, #tpu.memory_space<vmem>>, %arg11: memref<16x2x68xi32, #tpu.memory_space<vmem>>, %arg12: memref<136x112xf32, #tpu.memory_space<vmem>>, %arg13: memref<136x112xf32, #tpu.memory_space<vmem>>, %arg14: memref<136x128xf32, #tpu.memory_space<vmem>>, %arg15: memref<136x128xf32, #tpu.memory_space<vmem>>, %arg16: memref<128x112xf32, #tpu.memory_space<vmem>>, %arg17: memref<128x112xf32, #tpu.memory_space<vmem>>, %arg18: memref<8x16xf32, #tpu.memory_space<vmem>>, %arg19: memref<128x128xf32, #tpu.memory_space<vmem>>, %arg20: memref<!tpu.dma_semaphore, #tpu.memory_space<semaphore_mem>>, %arg21: memref<!tpu.dma_semaphore, #tpu.memory_space<semaphore_mem>>, %arg22: memref<!tpu.dma_semaphore, #tpu.memory_space<semaphore_mem>>, %arg23: memref<!tpu.dma_semaphore, #tpu.memory_space<semaphore_mem>>) attributes {dimension_semantics = [#tpu.dimension_semantics<core_parallel>, #tpu.dimension_semantics<subcore_parallel>], iteration_bounds = array<i64: 2, 16>, scalar_prefetch = 0 : i64, scratch_operands = 14 : i64, tpu.core_type = #tpu.core_type<sc_vector_subcore>, window_params = [{transform_indices = #map}, {transform_indices = #map}, {transform_indices = #map1}, {transform_indices = #map1}, {transform_indices = #map}, {transform_indices = #map}, {transform_indices = #map}, {transform_indices = #map}]} {
    %mul3A = arith.constant 2 : i32
    %mul3A_0 = arith.muli %arg1, %mul3A : i32
    %add3A = arith.addi %mul3A_0, %arg0 : i32
    %mul3A_1 = arith.constant 16 : i32
    %mul3A_2 = arith.muli %add3A, %mul3A_1 : i32
    "tpu.region"() ({
      %run_scoped3A = tpu.sem_alloc : memref<!tpu.dma_semaphore, #tpu.memory_space<semaphore_mem>>
      tpu.enqueue_dma source(%arg8 : memref<8x16xf32, #tpu.memory_space<hbm>>) target(%arg18 : memref<8x16xf32, #tpu.memory_space<vmem>>) target_semaphore(%run_scoped3A : memref<!tpu.dma_semaphore, #tpu.memory_space<semaphore_mem>>)
      tpu.wait_dma2 semaphore(%run_scoped3A : memref<!tpu.dma_semaphore, #tpu.memory_space<semaphore_mem>>) src(%arg8 : memref<8x16xf32, #tpu.memory_space<hbm>>) dst(%arg18 : memref<8x16xf32, #tpu.memory_space<vmem>>)
      tpu.yield
    }) : () -> ()
    "tpu.region"() ({
      %run_scoped3A = tpu.sem_alloc : memref<!tpu.dma_semaphore, #tpu.memory_space<semaphore_mem>>
      %dma_start3A_124 = arith.constant 0 : i32
      %dma_start3A_125 = arith.constant 0 : i32
      %dma_start3A_126 = tpu.memref_slice %arg4[%mul3A_2, %dma_start3A_124, %dma_start3A_125] : memref<512x2x68xi32, #tpu.memory_space<hbm>> -> memref<16x2x68xi32, #tpu.memory_space<hbm>>
      %dma_start3A_127 = arith.constant 0 : i32
      %dma_start3A_128 = arith.constant 0 : i32
      %dma_start3A_129 = tpu.memref_slice %arg4[%mul3A_2, %dma_start3A_127, %dma_start3A_128] : memref<512x2x68xi32, #tpu.memory_space<hbm>> -> memref<16x2x68xi32, #tpu.memory_space<hbm>>
      tpu.enqueue_dma source(%dma_start3A_129 : memref<16x2x68xi32, #tpu.memory_space<hbm>>) target(%arg10 : memref<16x2x68xi32, #tpu.memory_space<vmem>>) target_semaphore(%run_scoped3A : memref<!tpu.dma_semaphore, #tpu.memory_space<semaphore_mem>>)
      %dma_wait3A_130 = arith.constant 0 : i32
      %dma_wait3A_131 = arith.constant 0 : i32
      %dma_wait3A_132 = tpu.memref_slice %arg4[%mul3A_2, %dma_wait3A_130, %dma_wait3A_131] : memref<512x2x68xi32, #tpu.memory_space<hbm>> -> memref<16x2x68xi32, #tpu.memory_space<hbm>>
      %dma_wait3A_133 = arith.constant 0 : i32
      %dma_wait3A_134 = arith.constant 0 : i32
      %dma_wait3A_135 = tpu.memref_slice %arg4[%mul3A_2, %dma_wait3A_133, %dma_wait3A_134] : memref<512x2x68xi32, #tpu.memory_space<hbm>> -> memref<16x2x68xi32, #tpu.memory_space<hbm>>
      tpu.wait_dma2 semaphore(%run_scoped3A : memref<!tpu.dma_semaphore, #tpu.memory_space<semaphore_mem>>) src(%dma_wait3A_135 : memref<16x2x68xi32, #tpu.memory_space<hbm>>) dst(%arg10 : memref<16x2x68xi32, #tpu.memory_space<vmem>>)
      tpu.yield
    }) : () -> ()
    "tpu.region"() ({
      %run_scoped3A = tpu.sem_alloc : memref<!tpu.dma_semaphore, #tpu.memory_space<semaphore_mem>>
      %dma_start3A_124 = arith.constant 0 : i32
      %dma_start3A_125 = arith.constant 0 : i32
      %dma_start3A_126 = tpu.memref_slice %arg5[%mul3A_2, %dma_start3A_124, %dma_start3A_125] : memref<512x2x68xi32, #tpu.memory_space<hbm>> -> memref<16x2x68xi32, #tpu.memory_space<hbm>>
      %dma_start3A_127 = arith.constant 0 : i32
      %dma_start3A_128 = arith.constant 0 : i32
      %dma_start3A_129 = tpu.memref_slice %arg5[%mul3A_2, %dma_start3A_127, %dma_start3A_128] : memref<512x2x68xi32, #tpu.memory_space<hbm>> -> memref<16x2x68xi32, #tpu.memory_space<hbm>>
      tpu.enqueue_dma source(%dma_start3A_129 : memref<16x2x68xi32, #tpu.memory_space<hbm>>) target(%arg11 : memref<16x2x68xi32, #tpu.memory_space<vmem>>) target_semaphore(%run_scoped3A : memref<!tpu.dma_semaphore, #tpu.memory_space<semaphore_mem>>)
      %dma_wait3A_130 = arith.constant 0 : i32
      %dma_wait3A_131 = arith.constant 0 : i32
      %dma_wait3A_132 = tpu.memref_slice %arg5[%mul3A_2, %dma_wait3A_130, %dma_wait3A_131] : memref<512x2x68xi32, #tpu.memory_space<hbm>> -> memref<16x2x68xi32, #tpu.memory_space<hbm>>
      %dma_wait3A_133 = arith.constant 0 : i32
      %dma_wait3A_134 = arith.constant 0 : i32
      %dma_wait3A_135 = tpu.memref_slice %arg5[%mul3A_2, %dma_wait3A_133, %dma_wait3A_134] : memref<512x2x68xi32, #tpu.memory_space<hbm>> -> memref<16x2x68xi32, #tpu.memory_space<hbm>>
      tpu.wait_dma2 semaphore(%run_scoped3A : memref<!tpu.dma_semaphore, #tpu.memory_space<semaphore_mem>>) src(%dma_wait3A_135 : memref<16x2x68xi32, #tpu.memory_space<hbm>>) dst(%arg11 : memref<16x2x68xi32, #tpu.memory_space<vmem>>)
      tpu.yield
    }) : () -> ()
    %mul3A_3 = arith.constant 128 : i32
    %mul3A_4 = arith.muli %add3A, %mul3A_3 : i32
    "tpu.region"() ({
      %run_scoped3A = tpu.sem_alloc : memref<!tpu.dma_semaphore, #tpu.memory_space<semaphore_mem>>
      %dma_start3A_124 = arith.constant 0 : i32
      %dma_start3A_125 = tpu.memref_slice %arg6[%mul3A_4, %dma_start3A_124] : memref<4096x112xf32, #tpu.memory_space<hbm>> -> memref<128x112xf32, #tpu.memory_space<hbm>>
      %dma_start3A_126 = arith.constant 0 : i32
      %dma_start3A_127 = tpu.memref_slice %arg6[%mul3A_4, %dma_start3A_126] : memref<4096x112xf32, #tpu.memory_space<hbm>> -> memref<128x112xf32, #tpu.memory_space<hbm>>
      tpu.enqueue_dma source(%dma_start3A_127 : memref<128x112xf32, #tpu.memory_space<hbm>>) target(%arg16 : memref<128x112xf32, #tpu.memory_space<vmem>>) target_semaphore(%run_scoped3A : memref<!tpu.dma_semaphore, #tpu.memory_space<semaphore_mem>>)
      %dma_wait3A_128 = arith.constant 0 : i32
      %dma_wait3A_129 = tpu.memref_slice %arg6[%mul3A_4, %dma_wait3A_128] : memref<4096x112xf32, #tpu.memory_space<hbm>> -> memref<128x112xf32, #tpu.memory_space<hbm>>
      %dma_wait3A_130 = arith.constant 0 : i32
      %dma_wait3A_131 = tpu.memref_slice %arg6[%mul3A_4, %dma_wait3A_130] : memref<4096x112xf32, #tpu.memory_space<hbm>> -> memref<128x112xf32, #tpu.memory_space<hbm>>
      tpu.wait_dma2 semaphore(%run_scoped3A : memref<!tpu.dma_semaphore, #tpu.memory_space<semaphore_mem>>) src(%dma_wait3A_131 : memref<128x112xf32, #tpu.memory_space<hbm>>) dst(%arg16 : memref<128x112xf32, #tpu.memory_space<vmem>>)
      tpu.yield
    }) : () -> ()
    %mul3A_5 = arith.constant 128 : i32
    %mul3A_6 = arith.muli %add3A, %mul3A_5 : i32
    "tpu.region"() ({
      %run_scoped3A = tpu.sem_alloc : memref<!tpu.dma_semaphore, #tpu.memory_space<semaphore_mem>>
      %dma_start3A_124 = arith.constant 0 : i32
      %dma_start3A_125 = tpu.memref_slice %arg7[%mul3A_6, %dma_start3A_124] : memref<4096x112xf32, #tpu.memory_space<hbm>> -> memref<128x112xf32, #tpu.memory_space<hbm>>
      %dma_start3A_126 = arith.constant 0 : i32
      %dma_start3A_127 = tpu.memref_slice %arg7[%mul3A_6, %dma_start3A_126] : memref<4096x112xf32, #tpu.memory_space<hbm>> -> memref<128x112xf32, #tpu.memory_space<hbm>>
      tpu.enqueue_dma source(%dma_start3A_127 : memref<128x112xf32, #tpu.memory_space<hbm>>) target(%arg17 : memref<128x112xf32, #tpu.memory_space<vmem>>) target_semaphore(%run_scoped3A : memref<!tpu.dma_semaphore, #tpu.memory_space<semaphore_mem>>)
      %dma_wait3A_128 = arith.constant 0 : i32
      %dma_wait3A_129 = tpu.memref_slice %arg7[%mul3A_6, %dma_wait3A_128] : memref<4096x112xf32, #tpu.memory_space<hbm>> -> memref<128x112xf32, #tpu.memory_space<hbm>>
      %dma_wait3A_130 = arith.constant 0 : i32
      %dma_wait3A_131 = tpu.memref_slice %arg7[%mul3A_6, %dma_wait3A_130] : memref<4096x112xf32, #tpu.memory_space<hbm>> -> memref<128x112xf32, #tpu.memory_space<hbm>>
      tpu.wait_dma2 semaphore(%run_scoped3A : memref<!tpu.dma_semaphore, #tpu.memory_space<semaphore_mem>>) src(%dma_wait3A_131 : memref<128x112xf32, #tpu.memory_space<hbm>>) dst(%arg17 : memref<128x112xf32, #tpu.memory_space<vmem>>)
      tpu.yield
    }) : () -> ()
    %iota3A = tpu.iota {dimensions = array<i32: 0>} : vector<16xi32>
    %lt3A = arith.constant 7 : i32
    %lt3A_7 = vector.broadcast %lt3A : i32 to vector<16xi32>
    %lt3A_8 = arith.cmpi slt, %iota3A, %lt3A_7 : vector<16xi32>
    %lt3A_9 = arith.constant 10 : i32
    %lt3A_10 = vector.broadcast %lt3A_9 : i32 to vector<16xi32>
    %lt3A_11 = arith.cmpi slt, %iota3A, %lt3A_10 : vector<16xi32>
    %get3A = arith.constant 0 : i32
    %get3A_12 = arith.index_cast %get3A : i32 to index
    %get3A_13 = arith.constant 0 : index
    %get3A_14 = tpu.vector_load %arg18[%get3A_12, %get3A_13] {strides = array<i32>} : memref<8x16xf32, #tpu.memory_space<vmem>>, vector<16xf32>,
    %get3A_15 = arith.constant 1 : i32
    %get3A_16 = arith.index_cast %get3A_15 : i32 to index
    %get3A_17 = arith.constant 0 : index
    %get3A_18 = tpu.vector_load %arg18[%get3A_16, %get3A_17] {strides = array<i32>} : memref<8x16xf32, #tpu.memory_space<vmem>>, vector<16xf32>,
    %get3A_19 = arith.constant 2 : i32
    %get3A_20 = arith.index_cast %get3A_19 : i32 to index
    %get3A_21 = arith.constant 0 : index
    %get3A_22 = tpu.vector_load %arg18[%get3A_20, %get3A_21] {strides = array<i32>} : memref<8x16xf32, #tpu.memory_space<vmem>>, vector<16xf32>,
    %get3A_23 = arith.constant 3 : i32
    %get3A_24 = arith.index_cast %get3A_23 : i32 to index
    %get3A_25 = arith.constant 0 : index
    %get3A_26 = tpu.vector_load %arg18[%get3A_24, %get3A_25] {strides = array<i32>} : memref<8x16xf32, #tpu.memory_space<vmem>>, vector<16xf32>,
    %get3A_27 = arith.constant 4 : i32
    %get3A_28 = arith.index_cast %get3A_27 : i32 to index
    %get3A_29 = arith.constant 0 : index
    %get3A_30 = tpu.vector_load %arg18[%get3A_28, %get3A_29] {strides = array<i32>} : memref<8x16xf32, #tpu.memory_space<vmem>>, vector<16xf32>,
    %slice3A = vector.extract_strided_slice %get3A_30 {offsets = [0], sizes = [1], strides = [1]} : vector<16xf32> to vector<1xf32>
    %squeeze3A = vector.extract %slice3A[0] : f32 from vector<1xf32>
    %slice3A_31 = vector.extract_strided_slice %get3A_30 {offsets = [1], sizes = [1], strides = [1]} : vector<16xf32> to vector<1xf32>
    %squeeze3A_32 = vector.extract %slice3A_31[0] : f32 from vector<1xf32>
    %min3A = arith.constant 0 : i32
    %min3A_33 = arith.constant 15 : i32
    %min3A_34 = arith.minsi %min3A, %min3A_33 : i32
    %dma_start3A = arith.constant 0 : i32
    %dma_start3A_35 = arith.constant 0 : i32
    %dma_start3A_36 = arith.constant 0 : i32
    %dma_start3A_37 = tpu.memref_slice %arg12[%dma_start3A_35, %dma_start3A_36] : memref<136x112xf32, #tpu.memory_space<vmem>> -> memref<68x112xf32, #tpu.memory_space<vmem>>
    %dma_start3A_38 = arith.constant 0 : i32
    %dma_start3A_39 = tpu.memref_slice %arg10[%min3A_34, %dma_start3A, %dma_start3A_38] : memref<16x2x68xi32, #tpu.memory_space<vmem>> -> memref<1x1x68xi32, #tpu.memory_space<vmem>>
    %dma_start3A_40 = tpu.memref_squeeze %dma_start3A_39 : memref<1x1x68xi32, #tpu.memory_space<vmem>> -> memref<68xi32, #tpu.memory_space<vmem>>
    %dma_start3A_41 = arith.constant 0 : i32
    %dma_start3A_42 = arith.constant 0 : i32
    %dma_start3A_43 = tpu.memref_slice %arg2[%dma_start3A_41, %dma_start3A_42] : memref<65536x112xf32, #tpu.memory_space<hbm>> -> memref<65536x112xf32, #tpu.memory_space<hbm>>
    tpu.enqueue_indirect_dma source(%dma_start3A_43 : memref<65536x112xf32, #tpu.memory_space<hbm>>) target(%dma_start3A_37 : memref<68x112xf32, #tpu.memory_space<vmem>>) offsets(%dma_start3A_40 : memref<68xi32, #tpu.memory_space<vmem>>) semaphore(%arg20 : memref<!tpu.dma_semaphore, #tpu.memory_space<semaphore_mem>>)
    %dma_start3A_44 = arith.constant 1 : i32
    %dma_start3A_45 = arith.constant 68 : i32
    %dma_start3A_46 = arith.constant 0 : i32
    %dma_start3A_47 = tpu.memref_slice %arg12[%dma_start3A_45, %dma_start3A_46] : memref<136x112xf32, #tpu.memory_space<vmem>> -> memref<68x112xf32, #tpu.memory_space<vmem>>
    %dma_start3A_48 = arith.constant 0 : i32
    %dma_start3A_49 = tpu.memref_slice %arg10[%min3A_34, %dma_start3A_44, %dma_start3A_48] : memref<16x2x68xi32, #tpu.memory_space<vmem>> -> memref<1x1x68xi32, #tpu.memory_space<vmem>>
    %dma_start3A_50 = tpu.memref_squeeze %dma_start3A_49 : memref<1x1x68xi32, #tpu.memory_space<vmem>> -> memref<68xi32, #tpu.memory_space<vmem>>
    %dma_start3A_51 = arith.constant 0 : i32
    %dma_start3A_52 = arith.constant 0 : i32
    %dma_start3A_53 = tpu.memref_slice %arg2[%dma_start3A_51, %dma_start3A_52] : memref<65536x112xf32, #tpu.memory_space<hbm>> -> memref<65536x112xf32, #tpu.memory_space<hbm>>
    tpu.enqueue_indirect_dma source(%dma_start3A_53 : memref<65536x112xf32, #tpu.memory_space<hbm>>) target(%dma_start3A_47 : memref<68x112xf32, #tpu.memory_space<vmem>>) offsets(%dma_start3A_50 : memref<68xi32, #tpu.memory_space<vmem>>) semaphore(%arg20 : memref<!tpu.dma_semaphore, #tpu.memory_space<semaphore_mem>>)
    %dma_start3A_54 = arith.constant 0 : i32
    %dma_start3A_55 = arith.constant 0 : i32
    %dma_start3A_56 = arith.constant 0 : i32
    %dma_start3A_57 = tpu.memref_slice %arg14[%dma_start3A_55, %dma_start3A_56] : memref<136x128xf32, #tpu.memory_space<vmem>> -> memref<68x128xf32, #tpu.memory_space<vmem>>
    %dma_start3A_58 = arith.constant 0 : i32
    %dma_start3A_59 = tpu.memref_slice %arg11[%min3A_34, %dma_start3A_54, %dma_start3A_58] : memref<16x2x68xi32, #tpu.memory_space<vmem>> -> memref<1x1x68xi32, #tpu.memory_space<vmem>>
    %dma_start3A_60 = tpu.memref_squeeze %dma_start3A_59 : memref<1x1x68xi32, #tpu.memory_space<vmem>> -> memref<68xi32, #tpu.memory_space<vmem>>
    %dma_start3A_61 = arith.constant 0 : i32
    %dma_start3A_62 = arith.constant 0 : i32
    %dma_start3A_63 = tpu.memref_slice %arg3[%dma_start3A_61, %dma_start3A_62] : memref<100000x128xf32, #tpu.memory_space<hbm>> -> memref<100000x128xf32, #tpu.memory_space<hbm>>
    tpu.enqueue_indirect_dma source(%dma_start3A_63 : memref<100000x128xf32, #tpu.memory_space<hbm>>) target(%dma_start3A_57 : memref<68x128xf32, #tpu.memory_space<vmem>>) offsets(%dma_start3A_60 : memref<68xi32, #tpu.memory_space<vmem>>) semaphore(%arg22 : memref<!tpu.dma_semaphore, #tpu.memory_space<semaphore_mem>>)
    %dma_start3A_64 = arith.constant 1 : i32
    %dma_start3A_65 = arith.constant 68 : i32
    %dma_start3A_66 = arith.constant 0 : i32
    %dma_start3A_67 = tpu.memref_slice %arg14[%dma_start3A_65, %dma_start3A_66] : memref<136x128xf32, #tpu.memory_space<vmem>> -> memref<68x128xf32, #tpu.memory_space<vmem>>
    %dma_start3A_68 = arith.constant 0 : i32
    %dma_start3A_69 = tpu.memref_slice %arg11[%min3A_34, %dma_start3A_64, %dma_start3A_68] : memref<16x2x68xi32, #tpu.memory_space<vmem>> -> memref<1x1x68xi32, #tpu.memory_space<vmem>>
    %dma_start3A_70 = tpu.memref_squeeze %dma_start3A_69 : memref<1x1x68xi32, #tpu.memory_space<vmem>> -> memref<68xi32, #tpu.memory_space<vmem>>
    %dma_start3A_71 = arith.constant 0 : i32
    %dma_start3A_72 = arith.constant 0 : i32
    %dma_start3A_73 = tpu.memref_slice %arg3[%dma_start3A_71, %dma_start3A_72] : memref<100000x128xf32, #tpu.memory_space<hbm>> -> memref<100000x128xf32, #tpu.memory_space<hbm>>
    tpu.enqueue_indirect_dma source(%dma_start3A_73 : memref<100000x128xf32, #tpu.memory_space<hbm>>) target(%dma_start3A_67 : memref<68x128xf32, #tpu.memory_space<vmem>>) offsets(%dma_start3A_70 : memref<68xi32, #tpu.memory_space<vmem>>) semaphore(%arg22 : memref<!tpu.dma_semaphore, #tpu.memory_space<semaphore_mem>>)
    %scan3A = arith.constant 0 : i32
    %scan3A_74 = arith.constant 0 : i32
    %scan3A_75 = arith.constant 8 : i32
    %scan3A_76 = arith.addi %scan3A_74, %scan3A_75 : i32
    %scan3A_77 = arith.constant 1 : i32
    %scan3A_78 = scf.for %scan3A_124 = %scan3A_74 to %scan3A_76 step %scan3A_77 iter_args(%scan3A_125 = %scan3A) -> (i32)  : i32 {
      %mul3A_126 = arith.constant 2 : i32
      %mul3A_127 = arith.muli %mul3A_126, %scan3A_124 : i32
      %mul3A_128 = arith.constant 2 : i32
      %mul3A_129 = arith.muli %mul3A_128, %scan3A_124 : i32
      %add3A_130 = arith.constant 1 : i32
      %add3A_131 = arith.addi %mul3A_129, %add3A_130 : i32
      %min3A_132 = arith.constant 15 : i32
      %min3A_133 = arith.minsi %add3A_131, %min3A_132 : i32
      %dma_start3A_134 = arith.constant 0 : i32
      %dma_start3A_135 = arith.constant 0 : i32
      %dma_start3A_136 = arith.constant 0 : i32
      %dma_start3A_137 = tpu.memref_slice %arg13[%dma_start3A_135, %dma_start3A_136] : memref<136x112xf32, #tpu.memory_space<vmem>> -> memref<68x112xf32, #tpu.memory_space<vmem>>
      %dma_start3A_138 = arith.constant 0 : i32
      %dma_start3A_139 = tpu.memref_slice %arg10[%min3A_133, %dma_start3A_134, %dma_start3A_138] : memref<16x2x68xi32, #tpu.memory_space<vmem>> -> memref<1x1x68xi32, #tpu.memory_space<vmem>>
      %dma_start3A_140 = tpu.memref_squeeze %dma_start3A_139 : memref<1x1x68xi32, #tpu.memory_space<vmem>> -> memref<68xi32, #tpu.memory_space<vmem>>
      %dma_start3A_141 = arith.constant 0 : i32
      %dma_start3A_142 = arith.constant 0 : i32
      %dma_start3A_143 = tpu.memref_slice %arg2[%dma_start3A_141, %dma_start3A_142] : memref<65536x112xf32, #tpu.memory_space<hbm>> -> memref<65536x112xf32, #tpu.memory_space<hbm>>
      tpu.enqueue_indirect_dma source(%dma_start3A_143 : memref<65536x112xf32, #tpu.memory_space<hbm>>) target(%dma_start3A_137 : memref<68x112xf32, #tpu.memory_space<vmem>>) offsets(%dma_start3A_140 : memref<68xi32, #tpu.memory_space<vmem>>) semaphore(%arg21 : memref<!tpu.dma_semaphore, #tpu.memory_space<semaphore_mem>>)
      %dma_start3A_144 = arith.constant 1 : i32
      %dma_start3A_145 = arith.constant 68 : i32
      %dma_start3A_146 = arith.constant 0 : i32
      %dma_start3A_147 = tpu.memref_slice %arg13[%dma_start3A_145, %dma_start3A_146] : memref<136x112xf32, #tpu.memory_space<vmem>> -> memref<68x112xf32, #tpu.memory_space<vmem>>
      %dma_start3A_148 = arith.constant 0 : i32
      %dma_start3A_149 = tpu.memref_slice %arg10[%min3A_133, %dma_start3A_144, %dma_start3A_148] : memref<16x2x68xi32, #tpu.memory_space<vmem>> -> memref<1x1x68xi32, #tpu.memory_space<vmem>>
      %dma_start3A_150 = tpu.memref_squeeze %dma_start3A_149 : memref<1x1x68xi32, #tpu.memory_space<vmem>> -> memref<68xi32, #tpu.memory_space<vmem>>
      %dma_start3A_151 = arith.constant 0 : i32
      %dma_start3A_152 = arith.constant 0 : i32
      %dma_start3A_153 = tpu.memref_slice %arg2[%dma_start3A_151, %dma_start3A_152] : memref<65536x112xf32, #tpu.memory_space<hbm>> -> memref<65536x112xf32, #tpu.memory_space<hbm>>
      tpu.enqueue_indirect_dma source(%dma_start3A_153 : memref<65536x112xf32, #tpu.memory_space<hbm>>) target(%dma_start3A_147 : memref<68x112xf32, #tpu.memory_space<vmem>>) offsets(%dma_start3A_150 : memref<68xi32, #tpu.memory_space<vmem>>) semaphore(%arg21 : memref<!tpu.dma_semaphore, #tpu.memory_space<semaphore_mem>>)
      %dma_start3A_154 = arith.constant 0 : i32
      %dma_start3A_155 = arith.constant 0 : i32
      %dma_start3A_156 = arith.constant 0 : i32
      %dma_start3A_157 = tpu.memref_slice %arg15[%dma_start3A_155, %dma_start3A_156] : memref<136x128xf32, #tpu.memory_space<vmem>> -> memref<68x128xf32, #tpu.memory_space<vmem>>
      %dma_start3A_158 = arith.constant 0 : i32
      %dma_start3A_159 = tpu.memref_slice %arg11[%min3A_133, %dma_start3A_154, %dma_start3A_158] : memref<16x2x68xi32, #tpu.memory_space<vmem>> -> memref<1x1x68xi32, #tpu.memory_space<vmem>>
      %dma_start3A_160 = tpu.memref_squeeze %dma_start3A_159 : memref<1x1x68xi32, #tpu.memory_space<vmem>> -> memref<68xi32, #tpu.memory_space<vmem>>
      %dma_start3A_161 = arith.constant 0 : i32
      %dma_start3A_162 = arith.constant 0 : i32
      %dma_start3A_163 = tpu.memref_slice %arg3[%dma_start3A_161, %dma_start3A_162] : memref<100000x128xf32, #tpu.memory_space<hbm>> -> memref<100000x128xf32, #tpu.memory_space<hbm>>
      tpu.enqueue_indirect_dma source(%dma_start3A_163 : memref<100000x128xf32, #tpu.memory_space<hbm>>) target(%dma_start3A_157 : memref<68x128xf32, #tpu.memory_space<vmem>>) offsets(%dma_start3A_160 : memref<68xi32, #tpu.memory_space<vmem>>) semaphore(%arg23 : memref<!tpu.dma_semaphore, #tpu.memory_space<semaphore_mem>>)
      %dma_start3A_164 = arith.constant 1 : i32
      %dma_start3A_165 = arith.constant 68 : i32
      %dma_start3A_166 = arith.constant 0 : i32
      %dma_start3A_167 = tpu.memref_slice %arg15[%dma_start3A_165, %dma_start3A_166] : memref<136x128xf32, #tpu.memory_space<vmem>> -> memref<68x128xf32, #tpu.memory_space<vmem>>
      %dma_start3A_168 = arith.constant 0 : i32
      %dma_start3A_169 = tpu.memref_slice %arg11[%min3A_133, %dma_start3A_164, %dma_start3A_168] : memref<16x2x68xi32, #tpu.memory_space<vmem>> -> memref<1x1x68xi32, #tpu.memory_space<vmem>>
      %dma_start3A_170 = tpu.memref_squeeze %dma_start3A_169 : memref<1x1x68xi32, #tpu.memory_space<vmem>> -> memref<68xi32, #tpu.memory_space<vmem>>
      %dma_start3A_171 = arith.constant 0 : i32
      %dma_start3A_172 = arith.constant 0 : i32
      %dma_start3A_173 = tpu.memref_slice %arg3[%dma_start3A_171, %dma_start3A_172] : memref<100000x128xf32, #tpu.memory_space<hbm>> -> memref<100000x128xf32, #tpu.memory_space<hbm>>
      tpu.enqueue_indirect_dma source(%dma_start3A_173 : memref<100000x128xf32, #tpu.memory_space<hbm>>) target(%dma_start3A_167 : memref<68x128xf32, #tpu.memory_space<vmem>>) offsets(%dma_start3A_170 : memref<68xi32, #tpu.memory_space<vmem>>) semaphore(%arg23 : memref<!tpu.dma_semaphore, #tpu.memory_space<semaphore_mem>>)
      %min3A_174 = arith.constant 15 : i32
      %min3A_175 = arith.minsi %mul3A_127, %min3A_174 : i32
      %dma_wait3A_176 = arith.constant 0 : i32
      %dma_wait3A_177 = arith.constant 0 : i32
      %dma_wait3A_178 = arith.constant 0 : i32
      %dma_wait3A_179 = tpu.memref_slice %arg12[%dma_wait3A_177, %dma_wait3A_178] : memref<136x112xf32, #tpu.memory_space<vmem>> -> memref<68x112xf32, #tpu.memory_space<vmem>>
      %dma_wait3A_180 = arith.constant 0 : i32
      %dma_wait3A_181 = tpu.memref_slice %arg10[%min3A_175, %dma_wait3A_176, %dma_wait3A_180] : memref<16x2x68xi32, #tpu.memory_space<vmem>> -> memref<1x1x68xi32, #tpu.memory_space<vmem>>
      %dma_wait3A_182 = tpu.memref_squeeze %dma_wait3A_181 : memref<1x1x68xi32, #tpu.memory_space<vmem>> -> memref<68xi32, #tpu.memory_space<vmem>>
      %dma_wait3A_183 = arith.constant 0 : i32
      %dma_wait3A_184 = arith.constant 0 : i32
      %dma_wait3A_185 = tpu.memref_slice %arg2[%dma_wait3A_183, %dma_wait3A_184] : memref<65536x112xf32, #tpu.memory_space<hbm>> -> memref<65536x112xf32, #tpu.memory_space<hbm>>
      tpu.wait_indirect_dma semaphore(%arg20 : memref<!tpu.dma_semaphore, #tpu.memory_space<semaphore_mem>>) src(%dma_wait3A_185 : memref<65536x112xf32, #tpu.memory_space<hbm>>) dst(%dma_wait3A_179 : memref<68x112xf32, #tpu.memory_space<vmem>>)
      %dma_wait3A_186 = arith.constant 1 : i32
      %dma_wait3A_187 = arith.constant 68 : i32
      %dma_wait3A_188 = arith.constant 0 : i32
      %dma_wait3A_189 = tpu.memref_slice %arg12[%dma_wait3A_187, %dma_wait3A_188] : memref<136x112xf32, #tpu.memory_space<vmem>> -> memref<68x112xf32, #tpu.memory_space<vmem>>
      %dma_wait3A_190 = arith.constant 0 : i32
      %dma_wait3A_191 = tpu.memref_slice %arg10[%min3A_175, %dma_wait3A_186, %dma_wait3A_190] : memref<16x2x68xi32, #tpu.memory_space<vmem>> -> memref<1x1x68xi32, #tpu.memory_space<vmem>>
      %dma_wait3A_192 = tpu.memref_squeeze %dma_wait3A_191 : memref<1x1x68xi32, #tpu.memory_space<vmem>> -> memref<68xi32, #tpu.memory_space<vmem>>
      %dma_wait3A_193 = arith.constant 0 : i32
      %dma_wait3A_194 = arith.constant 0 : i32
      %dma_wait3A_195 = tpu.memref_slice %arg2[%dma_wait3A_193, %dma_wait3A_194] : memref<65536x112xf32, #tpu.memory_space<hbm>> -> memref<65536x112xf32, #tpu.memory_space<hbm>>
      tpu.wait_indirect_dma semaphore(%arg20 : memref<!tpu.dma_semaphore, #tpu.memory_space<semaphore_mem>>) src(%dma_wait3A_195 : memref<65536x112xf32, #tpu.memory_space<hbm>>) dst(%dma_wait3A_189 : memref<68x112xf32, #tpu.memory_space<vmem>>)
      %dma_wait3A_196 = arith.constant 0 : i32
      %dma_wait3A_197 = arith.constant 0 : i32
      %dma_wait3A_198 = arith.constant 0 : i32
      %dma_wait3A_199 = tpu.memref_slice %arg14[%dma_wait3A_197, %dma_wait3A_198] : memref<136x128xf32, #tpu.memory_space<vmem>> -> memref<68x128xf32, #tpu.memory_space<vmem>>
      %dma_wait3A_200 = arith.constant 0 : i32
      %dma_wait3A_201 = tpu.memref_slice %arg11[%min3A_175, %dma_wait3A_196, %dma_wait3A_200] : memref<16x2x68xi32, #tpu.memory_space<vmem>> -> memref<1x1x68xi32, #tpu.memory_space<vmem>>
      %dma_wait3A_202 = tpu.memref_squeeze %dma_wait3A_201 : memref<1x1x68xi32, #tpu.memory_space<vmem>> -> memref<68xi32, #tpu.memory_space<vmem>>
      %dma_wait3A_203 = arith.constant 0 : i32
      %dma_wait3A_204 = arith.constant 0 : i32
      %dma_wait3A_205 = tpu.memref_slice %arg3[%dma_wait3A_203, %dma_wait3A_204] : memref<100000x128xf32, #tpu.memory_space<hbm>> -> memref<100000x128xf32, #tpu.memory_space<hbm>>
      tpu.wait_indirect_dma semaphore(%arg22 : memref<!tpu.dma_semaphore, #tpu.memory_space<semaphore_mem>>) src(%dma_wait3A_205 : memref<100000x128xf32, #tpu.memory_space<hbm>>) dst(%dma_wait3A_199 : memref<68x128xf32, #tpu.memory_space<vmem>>)
      %dma_wait3A_206 = arith.constant 1 : i32
      %dma_wait3A_207 = arith.constant 68 : i32
      %dma_wait3A_208 = arith.constant 0 : i32
      %dma_wait3A_209 = tpu.memref_slice %arg14[%dma_wait3A_207, %dma_wait3A_208] : memref<136x128xf32, #tpu.memory_space<vmem>> -> memref<68x128xf32, #tpu.memory_space<vmem>>
      %dma_wait3A_210 = arith.constant 0 : i32
      %dma_wait3A_211 = tpu.memref_slice %arg11[%min3A_175, %dma_wait3A_206, %dma_wait3A_210] : memref<16x2x68xi32, #tpu.memory_space<vmem>> -> memref<1x1x68xi32, #tpu.memory_space<vmem>>
      %dma_wait3A_212 = tpu.memref_squeeze %dma_wait3A_211 : memref<1x1x68xi32, #tpu.memory_space<vmem>> -> memref<68xi32, #tpu.memory_space<vmem>>
      %dma_wait3A_213 = arith.constant 0 : i32
      %dma_wait3A_214 = arith.constant 0 : i32
      %dma_wait3A_215 = tpu.memref_slice %arg3[%dma_wait3A_213, %dma_wait3A_214] : memref<100000x128xf32, #tpu.memory_space<hbm>> -> memref<100000x128xf32, #tpu.memory_space<hbm>>
      tpu.wait_indirect_dma semaphore(%arg22 : memref<!tpu.dma_semaphore, #tpu.memory_space<semaphore_mem>>) src(%dma_wait3A_215 : memref<100000x128xf32, #tpu.memory_space<hbm>>) dst(%dma_wait3A_209 : memref<68x128xf32, #tpu.memory_space<vmem>>)
      %scan3A_216 = arith.constant 0 : i32
      %scan3A_217 = arith.constant 0 : i32
      %scan3A_218 = arith.constant 8 : i32
      %scan3A_219 = arith.addi %scan3A_217, %scan3A_218 : i32
      %scan3A_220 = arith.constant 1 : i32
      %scan3A_221 = scf.for %scan3A_317 = %scan3A_217 to %scan3A_219 step %scan3A_220 iter_args(%scan3A_318 = %scan3A_216) -> (i32)  : i32 {
        %mul3A_319 = arith.constant 8 : i32
        %mul3A_320 = arith.muli %mul3A_127, %mul3A_319 : i32
        %add3A_321 = arith.addi %mul3A_320, %scan3A_317 : i32
        %get3A_322 = arith.index_cast %add3A_321 : i32 to index
        %get3A_323 = arith.constant 0 : index
        %get3A_324 = tpu.vector_load %arg16[%get3A_322, %get3A_323] {strides = array<i32>} : memref<128x112xf32, #tpu.memory_space<vmem>>, vector<16xf32>,
        %get3A_325 = arith.index_cast %add3A_321 : i32 to index
        %get3A_326 = arith.constant 16 : index
        %get3A_327 = tpu.vector_load %arg16[%get3A_325, %get3A_326] {strides = array<i32>} : memref<128x112xf32, #tpu.memory_space<vmem>>, vector<16xf32>,
        %get3A_328 = arith.index_cast %add3A_321 : i32 to index
        %get3A_329 = arith.constant 32 : index
        %get3A_330 = tpu.vector_load %arg16[%get3A_328, %get3A_329] {strides = array<i32>} : memref<128x112xf32, #tpu.memory_space<vmem>>, vector<16xf32>,
        %get3A_331 = arith.index_cast %add3A_321 : i32 to index
        %get3A_332 = arith.constant 48 : index
        %get3A_333 = tpu.vector_load %arg16[%get3A_331, %get3A_332] {strides = array<i32>} : memref<128x112xf32, #tpu.memory_space<vmem>>, vector<16xf32>,
        %get3A_334 = arith.index_cast %add3A_321 : i32 to index
        %get3A_335 = arith.constant 64 : index
        %get3A_336 = tpu.vector_load %arg16[%get3A_334, %get3A_335] {strides = array<i32>} : memref<128x112xf32, #tpu.memory_space<vmem>>, vector<16xf32>,
        %get3A_337 = arith.index_cast %add3A_321 : i32 to index
        %get3A_338 = arith.constant 80 : index
        %get3A_339 = tpu.vector_load %arg16[%get3A_337, %get3A_338] {strides = array<i32>} : memref<128x112xf32, #tpu.memory_space<vmem>>, vector<16xf32>,
        %get3A_340 = arith.index_cast %add3A_321 : i32 to index
        %get3A_341 = arith.constant 96 : index
        %get3A_342 = tpu.vector_load %arg16[%get3A_340, %get3A_341] {strides = array<i32>} : memref<128x112xf32, #tpu.memory_space<vmem>>, vector<16xf32>,
        %get3A_343 = arith.index_cast %add3A_321 : i32 to index
        %get3A_344 = arith.constant 0 : index
        %get3A_345 = tpu.vector_load %arg17[%get3A_343, %get3A_344] {strides = array<i32>} : memref<128x112xf32, #tpu.memory_space<vmem>>, vector<16xf32>,
        %get3A_346 = arith.index_cast %add3A_321 : i32 to index
        %get3A_347 = arith.constant 16 : index
        %get3A_348 = tpu.vector_load %arg17[%get3A_346, %get3A_347] {strides = array<i32>} : memref<128x112xf32, #tpu.memory_space<vmem>>, vector<16xf32>,
        %get3A_349 = arith.index_cast %add3A_321 : i32 to index
        %get3A_350 = arith.constant 32 : index
        %get3A_351 = tpu.vector_load %arg17[%get3A_349, %get3A_350] {strides = array<i32>} : memref<128x112xf32, #tpu.memory_space<vmem>>, vector<16xf32>,
        %get3A_352 = arith.index_cast %add3A_321 : i32 to index
        %get3A_353 = arith.constant 48 : index
        %get3A_354 = tpu.vector_load %arg17[%get3A_352, %get3A_353] {strides = array<i32>} : memref<128x112xf32, #tpu.memory_space<vmem>>, vector<16xf32>,
        %get3A_355 = arith.index_cast %add3A_321 : i32 to index
        %get3A_356 = arith.constant 64 : index
        %get3A_357 = tpu.vector_load %arg17[%get3A_355, %get3A_356] {strides = array<i32>} : memref<128x112xf32, #tpu.memory_space<vmem>>, vector<16xf32>,
        %get3A_358 = arith.index_cast %add3A_321 : i32 to index
        %get3A_359 = arith.constant 80 : index
        %get3A_360 = tpu.vector_load %arg17[%get3A_358, %get3A_359] {strides = array<i32>} : memref<128x112xf32, #tpu.memory_space<vmem>>, vector<16xf32>,
        %get3A_361 = arith.index_cast %add3A_321 : i32 to index
        %get3A_362 = arith.constant 96 : index
        %get3A_363 = tpu.vector_load %arg17[%get3A_361, %get3A_362] {strides = array<i32>} : memref<128x112xf32, #tpu.memory_space<vmem>>, vector<16xf32>,
        %broadcast_in_dim3A = arith.constant 0.000000e+00 : f32
        %broadcast_in_dim3A_364 = vector.broadcast %broadcast_in_dim3A : f32 to vector<16xf32>
        %scan3A_365 = arith.constant 0 : i32
        %scan3A_366 = arith.constant 7 : i32
        %scan3A_367 = arith.addi %scan3A_365, %scan3A_366 : i32
        %scan3A_368 = arith.constant 1 : i32
        %scan3A_369:2 = scf.for %scan3A_567 = %scan3A_365 to %scan3A_367 step %scan3A_368 iter_args(%scan3A_568 = %broadcast_in_dim3A_364, %scan3A_569 = %broadcast_in_dim3A_364) -> (vector<16xf32>, vector<16xf32>)  : i32 {
          %add3A_570 = arith.constant 0 : i32
          %add3A_571 = arith.addi %add3A_570, %scan3A_567 : i32
          %mul3A_572 = arith.constant 8 : i32
          %mul3A_573 = arith.muli %add3A_571, %mul3A_572 : i32
          %add3A_574 = arith.addi %mul3A_573, %scan3A_317 : i32
          %broadcast_in_dim3A_575 = arith.constant 0.000000e+00 : f32
          %broadcast_in_dim3A_576 = vector.broadcast %broadcast_in_dim3A_575 : f32 to vector<16xf32>
          %broadcast_in_dim3A_577 = arith.constant 0.000000e+00 : f32
          %broadcast_in_dim3A_578 = vector.broadcast %broadcast_in_dim3A_577 : f32 to vector<16xf32>
          %get3A_579 = arith.index_cast %add3A_574 : i32 to index
          %get3A_580 = arith.constant 0 : index
          %get3A_581 = tpu.vector_load %arg12[%get3A_579, %get3A_580] {strides = array<i32>} : memref<136x112xf32, #tpu.memory_space<vmem>>, vector<16xf32>,
          %mul3A_582 = arith.mulf %get3A_581, %get3A_324 : vector<16xf32>
          %add3A_583 = arith.addf %broadcast_in_dim3A_576, %mul3A_582 : vector<16xf32>
          %mul3A_584 = arith.mulf %get3A_581, %get3A_581 : vector<16xf32>
          %add3A_585 = arith.addf %broadcast_in_dim3A_578, %mul3A_584 : vector<16xf32>
          %get3A_586 = arith.index_cast %add3A_574 : i32 to index
          %get3A_587 = arith.constant 16 : index
          %get3A_588 = tpu.vector_load %arg12[%get3A_586, %get3A_587] {strides = array<i32>} : memref<136x112xf32, #tpu.memory_space<vmem>>, vector<16xf32>,
          %mul3A_589 = arith.mulf %get3A_588, %get3A_327 : vector<16xf32>
          %add3A_590 = arith.addf %add3A_583, %mul3A_589 : vector<16xf32>
          %mul3A_591 = arith.mulf %get3A_588, %get3A_588 : vector<16xf32>
          %add3A_592 = arith.addf %add3A_585, %mul3A_591 : vector<16xf32>
          %get3A_593 = arith.index_cast %add3A_574 : i32 to index
          %get3A_594 = arith.constant 32 : index
          %get3A_595 = tpu.vector_load %arg12[%get3A_593, %get3A_594] {strides = array<i32>} : memref<136x112xf32, #tpu.memory_space<vmem>>, vector<16xf32>,
          %mul3A_596 = arith.mulf %get3A_595, %get3A_330 : vector<16xf32>
          %add3A_597 = arith.addf %add3A_590, %mul3A_596 : vector<16xf32>
          %mul3A_598 = arith.mulf %get3A_595, %get3A_595 : vector<16xf32>
          %add3A_599 = arith.addf %add3A_592, %mul3A_598 : vector<16xf32>
          %get3A_600 = arith.index_cast %add3A_574 : i32 to index
          %get3A_601 = arith.constant 48 : index
          %get3A_602 = tpu.vector_load %arg12[%get3A_600, %get3A_601] {strides = array<i32>} : memref<136x112xf32, #tpu.memory_space<vmem>>, vector<16xf32>,
          %mul3A_603 = arith.mulf %get3A_602, %get3A_333 : vector<16xf32>
          %add3A_604 = arith.addf %add3A_597, %mul3A_603 : vector<16xf32>
          %mul3A_605 = arith.mulf %get3A_602, %get3A_602 : vector<16xf32>
          %add3A_606 = arith.addf %add3A_599, %mul3A_605 : vector<16xf32>
          %get3A_607 = arith.index_cast %add3A_574 : i32 to index
          %get3A_608 = arith.constant 64 : index
          %get3A_609 = tpu.vector_load %arg12[%get3A_607, %get3A_608] {strides = array<i32>} : memref<136x112xf32, #tpu.memory_space<vmem>>, vector<16xf32>,
          %mul3A_610 = arith.mulf %get3A_609, %get3A_336 : vector<16xf32>
          %add3A_611 = arith.addf %add3A_604, %mul3A_610 : vector<16xf32>
          %mul3A_612 = arith.mulf %get3A_609, %get3A_609 : vector<16xf32>
          %add3A_613 = arith.addf %add3A_606, %mul3A_612 : vector<16xf32>
          %get3A_614 = arith.index_cast %add3A_574 : i32 to index
          %get3A_615 = arith.constant 80 : index
          %get3A_616 = tpu.vector_load %arg12[%get3A_614, %get3A_615] {strides = array<i32>} : memref<136x112xf32, #tpu.memory_space<vmem>>, vector<16xf32>,
          %mul3A_617 = arith.mulf %get3A_616, %get3A_339 : vector<16xf32>
          %add3A_618 = arith.addf %add3A_611, %mul3A_617 : vector<16xf32>
          %mul3A_619 = arith.mulf %get3A_616, %get3A_616 : vector<16xf32>
          %add3A_620 = arith.addf %add3A_613, %mul3A_619 : vector<16xf32>
          %get3A_621 = arith.index_cast %add3A_574 : i32 to index
          %get3A_622 = arith.constant 96 : index
          %get3A_623 = tpu.vector_load %arg12[%get3A_621, %get3A_622] {strides = array<i32>} : memref<136x112xf32, #tpu.memory_space<vmem>>, vector<16xf32>,
          %mul3A_624 = arith.mulf %get3A_623, %get3A_342 : vector<16xf32>
          %add3A_625 = arith.addf %add3A_618, %mul3A_624 : vector<16xf32>
          %mul3A_626 = arith.mulf %get3A_623, %get3A_623 : vector<16xf32>
          %add3A_627 = arith.addf %add3A_620, %mul3A_626 : vector<16xf32>
          %eq3A = vector.broadcast %scan3A_567 : i32 to vector<16xi32>
          %eq3A_628 = arith.cmpi eq, %iota3A, %eq3A : vector<16xi32>
          %reduce_sum3A_629 = arith.constant true
          %reduce_sum3A_630 = vector.broadcast %reduce_sum3A_629 : i1 to vector<16xi1>
          %reduce_sum3A_631 = tpu.scan <sum>, %add3A_625 masked %reduce_sum3A_630 : vector<16xf32>, vector<16xi1> -> vector<16xf32>
          %reduce_sum3A_632 = vector.extract %reduce_sum3A_631[15] : f32 from vector<16xf32>
          %broadcast_in_dim3A_633 = vector.broadcast %reduce_sum3A_632 : f32 to vector<16xf32>
          %select_n3A_634 = arith.select %eq3A_628, %broadcast_in_dim3A_633, %scan3A_568 : vector<16xi1>, vector<16xf32>
          %eq3A_635 = vector.broadcast %scan3A_567 : i32 to vector<16xi32>
          %eq3A_636 = arith.cmpi eq, %iota3A, %eq3A_635 : vector<16xi32>
          %reduce_sum3A_637 = arith.constant true
          %reduce_sum3A_638 = vector.broadcast %reduce_sum3A_637 : i1 to vector<16xi1>
          %reduce_sum3A_639 = tpu.scan <sum>, %add3A_627 masked %reduce_sum3A_638 : vector<16xf32>, vector<16xi1> -> vector<16xf32>
          %reduce_sum3A_640 = vector.extract %reduce_sum3A_639[15] : f32 from vector<16xf32>
          %broadcast_in_dim3A_641 = vector.broadcast %reduce_sum3A_640 : f32 to vector<16xf32>
          %select_n3A_642 = arith.select %eq3A_636, %broadcast_in_dim3A_641, %scan3A_569 : vector<16xi1>, vector<16xf32>
          scf.yield %select_n3A_634, %select_n3A_642 : vector<16xf32>, vector<16xf32>
        }
        %scan3A_370 = arith.constant 7 : i32
        %scan3A_371 = arith.constant 0 : i32
        %scan3A_372 = arith.constant 10 : i32
        %scan3A_373 = arith.addi %scan3A_371, %scan3A_372 : i32
        %scan3A_374 = arith.constant 1 : i32
        %scan3A_375:2 = scf.for %scan3A_567 = %scan3A_371 to %scan3A_373 step %scan3A_374 iter_args(%scan3A_568 = %broadcast_in_dim3A_364, %scan3A_569 = %broadcast_in_dim3A_364) -> (vector<16xf32>, vector<16xf32>)  : i32 {
          %add3A_570 = arith.constant 7 : i32
          %add3A_571 = arith.addi %add3A_570, %scan3A_567 : i32
          %mul3A_572 = arith.constant 8 : i32
          %mul3A_573 = arith.muli %add3A_571, %mul3A_572 : i32
          %add3A_574 = arith.addi %mul3A_573, %scan3A_317 : i32
          %broadcast_in_dim3A_575 = arith.constant 0.000000e+00 : f32
          %broadcast_in_dim3A_576 = vector.broadcast %broadcast_in_dim3A_575 : f32 to vector<16xf32>
          %broadcast_in_dim3A_577 = arith.constant 0.000000e+00 : f32
          %broadcast_in_dim3A_578 = vector.broadcast %broadcast_in_dim3A_577 : f32 to vector<16xf32>
          %get3A_579 = arith.index_cast %add3A_574 : i32 to index
          %get3A_580 = arith.constant 0 : index
          %get3A_581 = tpu.vector_load %arg12[%get3A_579, %get3A_580] {strides = array<i32>} : memref<136x112xf32, #tpu.memory_space<vmem>>, vector<16xf32>,
          %mul3A_582 = arith.mulf %get3A_581, %get3A_345 : vector<16xf32>
          %add3A_583 = arith.addf %broadcast_in_dim3A_576, %mul3A_582 : vector<16xf32>
          %mul3A_584 = arith.mulf %get3A_581, %get3A_581 : vector<16xf32>
          %add3A_585 = arith.addf %broadcast_in_dim3A_578, %mul3A_584 : vector<16xf32>
          %get3A_586 = arith.index_cast %add3A_574 : i32 to index
          %get3A_587 = arith.constant 16 : index
          %get3A_588 = tpu.vector_load %arg12[%get3A_586, %get3A_587] {strides = array<i32>} : memref<136x112xf32, #tpu.memory_space<vmem>>, vector<16xf32>,
          %mul3A_589 = arith.mulf %get3A_588, %get3A_348 : vector<16xf32>
          %add3A_590 = arith.addf %add3A_583, %mul3A_589 : vector<16xf32>
          %mul3A_591 = arith.mulf %get3A_588, %get3A_588 : vector<16xf32>
          %add3A_592 = arith.addf %add3A_585, %mul3A_591 : vector<16xf32>
          %get3A_593 = arith.index_cast %add3A_574 : i32 to index
          %get3A_594 = arith.constant 32 : index
          %get3A_595 = tpu.vector_load %arg12[%get3A_593, %get3A_594] {strides = array<i32>} : memref<136x112xf32, #tpu.memory_space<vmem>>, vector<16xf32>,
          %mul3A_596 = arith.mulf %get3A_595, %get3A_351 : vector<16xf32>
          %add3A_597 = arith.addf %add3A_590, %mul3A_596 : vector<16xf32>
          %mul3A_598 = arith.mulf %get3A_595, %get3A_595 : vector<16xf32>
          %add3A_599 = arith.addf %add3A_592, %mul3A_598 : vector<16xf32>
          %get3A_600 = arith.index_cast %add3A_574 : i32 to index
          %get3A_601 = arith.constant 48 : index
          %get3A_602 = tpu.vector_load %arg12[%get3A_600, %get3A_601] {strides = array<i32>} : memref<136x112xf32, #tpu.memory_space<vmem>>, vector<16xf32>,
          %mul3A_603 = arith.mulf %get3A_602, %get3A_354 : vector<16xf32>
          %add3A_604 = arith.addf %add3A_597, %mul3A_603 : vector<16xf32>
          %mul3A_605 = arith.mulf %get3A_602, %get3A_602 : vector<16xf32>
          %add3A_606 = arith.addf %add3A_599, %mul3A_605 : vector<16xf32>
          %get3A_607 = arith.index_cast %add3A_574 : i32 to index
          %get3A_608 = arith.constant 64 : index
          %get3A_609 = tpu.vector_load %arg12[%get3A_607, %get3A_608] {strides = array<i32>} : memref<136x112xf32, #tpu.memory_space<vmem>>, vector<16xf32>,
          %mul3A_610 = arith.mulf %get3A_609, %get3A_357 : vector<16xf32>
          %add3A_611 = arith.addf %add3A_604, %mul3A_610 : vector<16xf32>
          %mul3A_612 = arith.mulf %get3A_609, %get3A_609 : vector<16xf32>
          %add3A_613 = arith.addf %add3A_606, %mul3A_612 : vector<16xf32>
          %get3A_614 = arith.index_cast %add3A_574 : i32 to index
          %get3A_615 = arith.constant 80 : index
          %get3A_616 = tpu.vector_load %arg12[%get3A_614, %get3A_615] {strides = array<i32>} : memref<136x112xf32, #tpu.memory_space<vmem>>, vector<16xf32>,
          %mul3A_617 = arith.mulf %get3A_616, %get3A_360 : vector<16xf32>
          %add3A_618 = arith.addf %add3A_611, %mul3A_617 : vector<16xf32>
          %mul3A_619 = arith.mulf %get3A_616, %get3A_616 : vector<16xf32>
          %add3A_620 = arith.addf %add3A_613, %mul3A_619 : vector<16xf32>
          %get3A_621 = arith.index_cast %add3A_574 : i32 to index
          %get3A_622 = arith.constant 96 : index
          %get3A_623 = tpu.vector_load %arg12[%get3A_621, %get3A_622] {strides = array<i32>} : memref<136x112xf32, #tpu.memory_space<vmem>>, vector<16xf32>,
          %mul3A_624 = arith.mulf %get3A_623, %get3A_363 : vector<16xf32>
          %add3A_625 = arith.addf %add3A_618, %mul3A_624 : vector<16xf32>
          %mul3A_626 = arith.mulf %get3A_623, %get3A_623 : vector<16xf32>
          %add3A_627 = arith.addf %add3A_620, %mul3A_626 : vector<16xf32>
          %eq3A = vector.broadcast %scan3A_567 : i32 to vector<16xi32>
          %eq3A_628 = arith.cmpi eq, %iota3A, %eq3A : vector<16xi32>
          %reduce_sum3A_629 = arith.constant true
          %reduce_sum3A_630 = vector.broadcast %reduce_sum3A_629 : i1 to vector<16xi1>
          %reduce_sum3A_631 = tpu.scan <sum>, %add3A_625 masked %reduce_sum3A_630 : vector<16xf32>, vector<16xi1> -> vector<16xf32>
          %reduce_sum3A_632 = vector.extract %reduce_sum3A_631[15] : f32 from vector<16xf32>
          %broadcast_in_dim3A_633 = vector.broadcast %reduce_sum3A_632 : f32 to vector<16xf32>
          %select_n3A_634 = arith.select %eq3A_628, %broadcast_in_dim3A_633, %scan3A_568 : vector<16xi1>, vector<16xf32>
          %eq3A_635 = vector.broadcast %scan3A_567 : i32 to vector<16xi32>
          %eq3A_636 = arith.cmpi eq, %iota3A, %eq3A_635 : vector<16xi32>
          %reduce_sum3A_637 = arith.constant true
          %reduce_sum3A_638 = vector.broadcast %reduce_sum3A_637 : i1 to vector<16xi1>
          %reduce_sum3A_639 = tpu.scan <sum>, %add3A_627 masked %reduce_sum3A_638 : vector<16xf32>, vector<16xi1> -> vector<16xf32>
          %reduce_sum3A_640 = vector.extract %reduce_sum3A_639[15] : f32 from vector<16xf32>
          %broadcast_in_dim3A_641 = vector.broadcast %reduce_sum3A_640 : f32 to vector<16xf32>
          %select_n3A_642 = arith.select %eq3A_636, %broadcast_in_dim3A_641, %scan3A_569 : vector<16xi1>, vector<16xf32>
          scf.yield %select_n3A_634, %select_n3A_642 : vector<16xf32>, vector<16xf32>
        }
        %scan3A_376 = arith.constant 10 : i32
        %max3A = arith.constant 1.000000e-24 : f32
        %max3A_377 = vector.broadcast %max3A : f32 to vector<16xf32>
        %max3A_378 = arith.maximumf %scan3A_369#1, %max3A_377 : vector<16xf32>
        %bitcast_convert_type3A = tpu.bitcast %max3A_378 : vector<16xf32> -> vector<16xi32>
        %shift_right_arithmetic3A = arith.constant 1 : i32
        %shift_right_arithmetic3A_379 = vector.broadcast %shift_right_arithmetic3A : i32 to vector<16xi32>
        %shift_right_arithmetic3A_380 = arith.shrsi %bitcast_convert_type3A, %shift_right_arithmetic3A_379 : vector<16xi32>
        %sub3A = arith.constant 1597463007 : i32
        %sub3A_381 = vector.broadcast %sub3A : i32 to vector<16xi32>
        %sub3A_382 = arith.subi %sub3A_381, %shift_right_arithmetic3A_380 : vector<16xi32>
        %bitcast_convert_type3A_383 = tpu.bitcast %sub3A_382 : vector<16xi32> -> vector<16xf32>
        %mul3A_384 = arith.constant 5.000000e-01 : f32
        %mul3A_385 = vector.broadcast %mul3A_384 : f32 to vector<16xf32>
        %mul3A_386 = arith.mulf %mul3A_385, %max3A_378 : vector<16xf32>
        %mul3A_387 = arith.mulf %mul3A_386, %bitcast_convert_type3A_383 : vector<16xf32>
        %mul3A_388 = arith.mulf %mul3A_387, %bitcast_convert_type3A_383 : vector<16xf32>
        %sub3A_389 = arith.constant 1.500000e+00 : f32
        %sub3A_390 = vector.broadcast %sub3A_389 : f32 to vector<16xf32>
        %sub3A_391 = arith.subf %sub3A_390, %mul3A_388 : vector<16xf32>
        %mul3A_392 = arith.mulf %bitcast_convert_type3A_383, %sub3A_391 : vector<16xf32>
        %mul3A_393 = arith.constant 5.000000e-01 : f32
        %mul3A_394 = vector.broadcast %mul3A_393 : f32 to vector<16xf32>
        %mul3A_395 = arith.mulf %mul3A_394, %max3A_378 : vector<16xf32>
        %mul3A_396 = arith.mulf %mul3A_395, %mul3A_392 : vector<16xf32>
        %mul3A_397 = arith.mulf %mul3A_396, %mul3A_392 : vector<16xf32>
        %sub3A_398 = arith.constant 1.500000e+00 : f32
        %sub3A_399 = vector.broadcast %sub3A_398 : f32 to vector<16xf32>
        %sub3A_400 = arith.subf %sub3A_399, %mul3A_397 : vector<16xf32>
        %mul3A_401 = arith.mulf %mul3A_392, %sub3A_400 : vector<16xf32>
        %mul3A_402 = arith.constant 5.000000e-01 : f32
        %mul3A_403 = vector.broadcast %mul3A_402 : f32 to vector<16xf32>
        %mul3A_404 = arith.mulf %mul3A_403, %max3A_378 : vector<16xf32>
        %mul3A_405 = arith.mulf %mul3A_404, %mul3A_401 : vector<16xf32>
        %mul3A_406 = arith.mulf %mul3A_405, %mul3A_401 : vector<16xf32>
        %sub3A_407 = arith.constant 1.500000e+00 : f32
        %sub3A_408 = vector.broadcast %sub3A_407 : f32 to vector<16xf32>
        %sub3A_409 = arith.subf %sub3A_408, %mul3A_406 : vector<16xf32>
        %mul3A_410 = arith.mulf %mul3A_401, %sub3A_409 : vector<16xf32>
        %mul3A_411 = arith.mulf %scan3A_369#0, %mul3A_410 : vector<16xf32>
        %jit3A = arith.constant -1.000000e+09 : f32
        %broadcast_in_dim3A_412 = vector.broadcast %jit3A : f32 to vector<16xf32>
        %select_n3A = arith.select %lt3A_8, %mul3A_411, %broadcast_in_dim3A_412 : vector<16xi1>, vector<16xf32>
        %max3A_413 = arith.constant 1.000000e-24 : f32
        %max3A_414 = vector.broadcast %max3A_413 : f32 to vector<16xf32>
        %max3A_415 = arith.maximumf %scan3A_375#1, %max3A_414 : vector<16xf32>
        %bitcast_convert_type3A_416 = tpu.bitcast %max3A_415 : vector<16xf32> -> vector<16xi32>
        %shift_right_arithmetic3A_417 = arith.constant 1 : i32
        %shift_right_arithmetic3A_418 = vector.broadcast %shift_right_arithmetic3A_417 : i32 to vector<16xi32>
        %shift_right_arithmetic3A_419 = arith.shrsi %bitcast_convert_type3A_416, %shift_right_arithmetic3A_418 : vector<16xi32>
        %sub3A_420 = arith.constant 1597463007 : i32
        %sub3A_421 = vector.broadcast %sub3A_420 : i32 to vector<16xi32>
        %sub3A_422 = arith.subi %sub3A_421, %shift_right_arithmetic3A_419 : vector<16xi32>
        %bitcast_convert_type3A_423 = tpu.bitcast %sub3A_422 : vector<16xi32> -> vector<16xf32>
        %mul3A_424 = arith.constant 5.000000e-01 : f32
        %mul3A_425 = vector.broadcast %mul3A_424 : f32 to vector<16xf32>
        %mul3A_426 = arith.mulf %mul3A_425, %max3A_415 : vector<16xf32>
        %mul3A_427 = arith.mulf %mul3A_426, %bitcast_convert_type3A_423 : vector<16xf32>
        %mul3A_428 = arith.mulf %mul3A_427, %bitcast_convert_type3A_423 : vector<16xf32>
        %sub3A_429 = arith.constant 1.500000e+00 : f32
        %sub3A_430 = vector.broadcast %sub3A_429 : f32 to vector<16xf32>
        %sub3A_431 = arith.subf %sub3A_430, %mul3A_428 : vector<16xf32>
        %mul3A_432 = arith.mulf %bitcast_convert_type3A_423, %sub3A_431 : vector<16xf32>
        %mul3A_433 = arith.constant 5.000000e-01 : f32
        %mul3A_434 = vector.broadcast %mul3A_433 : f32 to vector<16xf32>
        %mul3A_435 = arith.mulf %mul3A_434, %max3A_415 : vector<16xf32>
        %mul3A_436 = arith.mulf %mul3A_435, %mul3A_432 : vector<16xf32>
        %mul3A_437 = arith.mulf %mul3A_436, %mul3A_432 : vector<16xf32>
        %sub3A_438 = arith.constant 1.500000e+00 : f32
        %sub3A_439 = vector.broadcast %sub3A_438 : f32 to vector<16xf32>
        %sub3A_440 = arith.subf %sub3A_439, %mul3A_437 : vector<16xf32>
        %mul3A_441 = arith.mulf %mul3A_432, %sub3A_440 : vector<16xf32>
        %mul3A_442 = arith.constant 5.000000e-01 : f32
        %mul3A_443 = vector.broadcast %mul3A_442 : f32 to vector<16xf32>
        %mul3A_444 = arith.mulf %mul3A_443, %max3A_415 : vector<16xf32>
        %mul3A_445 = arith.mulf %mul3A_444, %mul3A_441 : vector<16xf32>
        %mul3A_446 = arith.mulf %mul3A_445, %mul3A_441 : vector<16xf32>
        %sub3A_447 = arith.constant 1.500000e+00 : f32
        %sub3A_448 = vector.broadcast %sub3A_447 : f32 to vector<16xf32>
        %sub3A_449 = arith.subf %sub3A_448, %mul3A_446 : vector<16xf32>
        %mul3A_450 = arith.mulf %mul3A_441, %sub3A_449 : vector<16xf32>
        %mul3A_451 = arith.mulf %scan3A_375#0, %mul3A_450 : vector<16xf32>
        %jit3A_452 = arith.constant -1.000000e+09 : f32
        %broadcast_in_dim3A_453 = vector.broadcast %jit3A_452 : f32 to vector<16xf32>
        %select_n3A_454 = arith.select %lt3A_11, %mul3A_451, %broadcast_in_dim3A_453 : vector<16xi1>, vector<16xf32>
        %reduce_max3A = arith.constant true
        %reduce_max3A_455 = vector.broadcast %reduce_max3A : i1 to vector<16xi1>
        %reduce_max3A_456 = tpu.scan <max>, %select_n3A masked %reduce_max3A_455 : vector<16xf32>, vector<16xi1> -> vector<16xf32>
        %reduce_max3A_457 = vector.extract %reduce_max3A_456[15] : f32 from vector<16xf32>
        %sub3A_458 = vector.broadcast %reduce_max3A_457 : f32 to vector<16xf32>
        %sub3A_459 = arith.subf %select_n3A, %sub3A_458 : vector<16xf32>
        %exp3A = math.exp %sub3A_459 : vector<16xf32>
        %reduce_max3A_460 = arith.constant true
        %reduce_max3A_461 = vector.broadcast %reduce_max3A_460 : i1 to vector<16xi1>
        %reduce_max3A_462 = tpu.scan <max>, %select_n3A_454 masked %reduce_max3A_461 : vector<16xf32>, vector<16xi1> -> vector<16xf32>
        %reduce_max3A_463 = vector.extract %reduce_max3A_462[15] : f32 from vector<16xf32>
        %sub3A_464 = vector.broadcast %reduce_max3A_463 : f32 to vector<16xf32>
        %sub3A_465 = arith.subf %select_n3A_454, %sub3A_464 : vector<16xf32>
        %exp3A_466 = math.exp %sub3A_465 : vector<16xf32>
        %reduce_sum3A = arith.constant true
        %reduce_sum3A_467 = vector.broadcast %reduce_sum3A : i1 to vector<16xi1>
        %reduce_sum3A_468 = tpu.scan <sum>, %exp3A masked %reduce_sum3A_467 : vector<16xf32>, vector<16xi1> -> vector<16xf32>
        %reduce_sum3A_469 = vector.extract %reduce_sum3A_468[15] : f32 from vector<16xf32>
        %broadcast_in_dim3A_470 = vector.broadcast %reduce_sum3A_469 : f32 to vector<16xf32>
        %div3A = arith.divf %exp3A, %broadcast_in_dim3A_470 : vector<16xf32>
        %reduce_sum3A_471 = arith.constant true
        %reduce_sum3A_472 = vector.broadcast %reduce_sum3A_471 : i1 to vector<16xi1>
        %reduce_sum3A_473 = tpu.scan <sum>, %exp3A_466 masked %reduce_sum3A_472 : vector<16xf32>, vector<16xi1> -> vector<16xf32>
        %reduce_sum3A_474 = vector.extract %reduce_sum3A_473[15] : f32 from vector<16xf32>
        %broadcast_in_dim3A_475 = vector.broadcast %reduce_sum3A_474 : f32 to vector<16xf32>
        %div3A_476 = arith.divf %exp3A_466, %broadcast_in_dim3A_475 : vector<16xf32>
        %mul3A_477 = arith.mulf %div3A, %get3A_14 : vector<16xf32>
        %reduce_sum3A_478 = arith.constant true
        %reduce_sum3A_479 = vector.broadcast %reduce_sum3A_478 : i1 to vector<16xi1>
        %reduce_sum3A_480 = tpu.scan <sum>, %mul3A_477 masked %reduce_sum3A_479 : vector<16xf32>, vector<16xi1> -> vector<16xf32>
        %reduce_sum3A_481 = vector.extract %reduce_sum3A_480[15] : f32 from vector<16xf32>
        %mul3A_482 = arith.mulf %div3A_476, %get3A_18 : vector<16xf32>
        %reduce_sum3A_483 = arith.constant true
        %reduce_sum3A_484 = vector.broadcast %reduce_sum3A_483 : i1 to vector<16xi1>
        %reduce_sum3A_485 = tpu.scan <sum>, %mul3A_482 masked %reduce_sum3A_484 : vector<16xf32>, vector<16xi1> -> vector<16xf32>
        %reduce_sum3A_486 = vector.extract %reduce_sum3A_485[15] : f32 from vector<16xf32>
        %add3A_487 = arith.addf %reduce_sum3A_481, %reduce_sum3A_486 : f32
        %add3A_488 = arith.addf %add3A_487, %squeeze3A : f32
        %mul3A_489 = arith.mulf %div3A, %get3A_22 : vector<16xf32>
        %reduce_sum3A_490 = arith.constant true
        %reduce_sum3A_491 = vector.broadcast %reduce_sum3A_490 : i1 to vector<16xi1>
        %reduce_sum3A_492 = tpu.scan <sum>, %mul3A_489 masked %reduce_sum3A_491 : vector<16xf32>, vector<16xi1> -> vector<16xf32>
        %reduce_sum3A_493 = vector.extract %reduce_sum3A_492[15] : f32 from vector<16xf32>
        %mul3A_494 = arith.mulf %div3A_476, %get3A_26 : vector<16xf32>
        %reduce_sum3A_495 = arith.constant true
        %reduce_sum3A_496 = vector.broadcast %reduce_sum3A_495 : i1 to vector<16xi1>
        %reduce_sum3A_497 = tpu.scan <sum>, %mul3A_494 masked %reduce_sum3A_496 : vector<16xf32>, vector<16xi1> -> vector<16xf32>
        %reduce_sum3A_498 = vector.extract %reduce_sum3A_497[15] : f32 from vector<16xf32>
        %add3A_499 = arith.addf %reduce_sum3A_493, %reduce_sum3A_498 : f32
        %add3A_500 = arith.addf %add3A_499, %squeeze3A_32 : f32
        %sub3A_501 = arith.subf %add3A_500, %add3A_488 : f32
        %broadcast_in_dim3A_502 = vector.broadcast %sub3A_501 : f32 to vector<16xf32>
        %exp3A_503 = math.exp %broadcast_in_dim3A_502 : vector<16xf32>
        %add3A_504 = arith.constant 1.000000e+00 : f32
        %add3A_505 = vector.broadcast %add3A_504 : f32 to vector<16xf32>
        %add3A_506 = arith.addf %add3A_505, %exp3A_503 : vector<16xf32>
        %div3A_507 = arith.constant 1.000000e+00 : f32
        %div3A_508 = vector.broadcast %div3A_507 : f32 to vector<16xf32>
        %div3A_509 = arith.divf %div3A_508, %add3A_506 : vector<16xf32>
        %mul3A_510 = arith.mulf %div3A, %div3A_509 : vector<16xf32>
        %sub3A_511 = arith.constant 1.000000e+00 : f32
        %sub3A_512 = vector.broadcast %sub3A_511 : f32 to vector<16xf32>
        %sub3A_513 = arith.subf %sub3A_512, %div3A_509 : vector<16xf32>
        %mul3A_514 = arith.mulf %div3A_476, %sub3A_513 : vector<16xf32>
        %broadcast_in_dim3A_515 = arith.constant 0.000000e+00 : f32
        %broadcast_in_dim3A_516 = vector.broadcast %broadcast_in_dim3A_515 : f32 to vector<16xf32>
        %broadcast_in_dim3A_517 = arith.constant 0.000000e+00 : f32
        %broadcast_in_dim3A_518 = vector.broadcast %broadcast_in_dim3A_517 : f32 to vector<16xf32>
        %broadcast_in_dim3A_519 = arith.constant 0.000000e+00 : f32
        %broadcast_in_dim3A_520 = vector.broadcast %broadcast_in_dim3A_519 : f32 to vector<16xf32>
        %broadcast_in_dim3A_521 = arith.constant 0.000000e+00 : f32
        %broadcast_in_dim3A_522 = vector.broadcast %broadcast_in_dim3A_521 : f32 to vector<16xf32>
        %broadcast_in_dim3A_523 = arith.constant 0.000000e+00 : f32
        %broadcast_in_dim3A_524 = vector.broadcast %broadcast_in_dim3A_523 : f32 to vector<16xf32>
        %broadcast_in_dim3A_525 = arith.constant 0.000000e+00 : f32
        %broadcast_in_dim3A_526 = vector.broadcast %broadcast_in_dim3A_525 : f32 to vector<16xf32>
        %broadcast_in_dim3A_527 = arith.constant 0.000000e+00 : f32
        %broadcast_in_dim3A_528 = vector.broadcast %broadcast_in_dim3A_527 : f32 to vector<16xf32>
        %broadcast_in_dim3A_529 = arith.constant 0.000000e+00 : f32
        %broadcast_in_dim3A_530 = vector.broadcast %broadcast_in_dim3A_529 : f32 to vector<16xf32>
        %scan3A_531 = arith.constant 0 : i32
        %scan3A_532 = arith.constant 7 : i32
        %scan3A_533 = arith.addi %scan3A_531, %scan3A_532 : i32
        %scan3A_534 = arith.constant 1 : i32
        %scan3A_535:8 = scf.for %scan3A_567 = %scan3A_531 to %scan3A_533 step %scan3A_534 iter_args(%scan3A_568 = %broadcast_in_dim3A_516, %scan3A_569 = %broadcast_in_dim3A_518, %scan3A_570 = %broadcast_in_dim3A_520, %scan3A_571 = %broadcast_in_dim3A_522, %scan3A_572 = %broadcast_in_dim3A_524, %scan3A_573 = %broadcast_in_dim3A_526, %scan3A_574 = %broadcast_in_dim3A_528, %scan3A_575 = %broadcast_in_dim3A_530) -> (vector<16xf32>, vector<16xf32>, vector<16xf32>, vector<16xf32>, vector<16xf32>, vector<16xf32>, vector<16xf32>, vector<16xf32>)  : i32 {
          %eq3A = vector.broadcast %scan3A_567 : i32 to vector<16xi32>
          %eq3A_576 = arith.cmpi eq, %iota3A, %eq3A : vector<16xi32>
          %jit3A_577 = arith.constant 0.000000e+00 : f32
          %broadcast_in_dim3A_578 = vector.broadcast %jit3A_577 : f32 to vector<16xf32>
          %select_n3A_579 = arith.select %eq3A_576, %mul3A_510, %broadcast_in_dim3A_578 : vector<16xi1>, vector<16xf32>
          %reduce_sum3A_580 = arith.constant true
          %reduce_sum3A_581 = vector.broadcast %reduce_sum3A_580 : i1 to vector<16xi1>
          %reduce_sum3A_582 = tpu.scan <sum>, %select_n3A_579 masked %reduce_sum3A_581 : vector<16xf32>, vector<16xi1> -> vector<16xf32>
          %reduce_sum3A_583 = vector.extract %reduce_sum3A_582[15] : f32 from vector<16xf32>
          %add3A_584 = arith.constant 0 : i32
          %add3A_585 = arith.addi %add3A_584, %scan3A_567 : i32
          %mul3A_586 = arith.constant 8 : i32
          %mul3A_587 = arith.muli %add3A_585, %mul3A_586 : i32
          %add3A_588 = arith.addi %mul3A_587, %scan3A_317 : i32
          %get3A_589 = arith.index_cast %add3A_588 : i32 to index
          %get3A_590 = arith.constant 0 : index
          %get3A_591 = tpu.vector_load %arg14[%get3A_589, %get3A_590] {strides = array<i32>} : memref<136x128xf32, #tpu.memory_space<vmem>>, vector<16xf32>,
          %mul3A_592 = vector.broadcast %reduce_sum3A_583 : f32 to vector<16xf32>
          %mul3A_593 = arith.mulf %mul3A_592, %get3A_591 : vector<16xf32>
          %add3A_594 = arith.addf %scan3A_568, %mul3A_593 : vector<16xf32>
          %get3A_595 = arith.index_cast %add3A_588 : i32 to index
          %get3A_596 = arith.constant 16 : index
          %get3A_597 = tpu.vector_load %arg14[%get3A_595, %get3A_596] {strides = array<i32>} : memref<136x128xf32, #tpu.memory_space<vmem>>, vector<16xf32>,
          %mul3A_598 = vector.broadcast %reduce_sum3A_583 : f32 to vector<16xf32>
          %mul3A_599 = arith.mulf %mul3A_598, %get3A_597 : vector<16xf32>
          %add3A_600 = arith.addf %scan3A_569, %mul3A_599 : vector<16xf32>
          %get3A_601 = arith.index_cast %add3A_588 : i32 to index
          %get3A_602 = arith.constant 32 : index
          %get3A_603 = tpu.vector_load %arg14[%get3A_601, %get3A_602] {strides = array<i32>} : memref<136x128xf32, #tpu.memory_space<vmem>>, vector<16xf32>,
          %mul3A_604 = vector.broadcast %reduce_sum3A_583 : f32 to vector<16xf32>
          %mul3A_605 = arith.mulf %mul3A_604, %get3A_603 : vector<16xf32>
          %add3A_606 = arith.addf %scan3A_570, %mul3A_605 : vector<16xf32>
          %get3A_607 = arith.index_cast %add3A_588 : i32 to index
          %get3A_608 = arith.constant 48 : index
          %get3A_609 = tpu.vector_load %arg14[%get3A_607, %get3A_608] {strides = array<i32>} : memref<136x128xf32, #tpu.memory_space<vmem>>, vector<16xf32>,
          %mul3A_610 = vector.broadcast %reduce_sum3A_583 : f32 to vector<16xf32>
          %mul3A_611 = arith.mulf %mul3A_610, %get3A_609 : vector<16xf32>
          %add3A_612 = arith.addf %scan3A_571, %mul3A_611 : vector<16xf32>
          %get3A_613 = arith.index_cast %add3A_588 : i32 to index
          %get3A_614 = arith.constant 64 : index
          %get3A_615 = tpu.vector_load %arg14[%get3A_613, %get3A_614] {strides = array<i32>} : memref<136x128xf32, #tpu.memory_space<vmem>>, vector<16xf32>,
          %mul3A_616 = vector.broadcast %reduce_sum3A_583 : f32 to vector<16xf32>
          %mul3A_617 = arith.mulf %mul3A_616, %get3A_615 : vector<16xf32>
          %add3A_618 = arith.addf %scan3A_572, %mul3A_617 : vector<16xf32>
          %get3A_619 = arith.index_cast %add3A_588 : i32 to index
          %get3A_620 = arith.constant 80 : index
          %get3A_621 = tpu.vector_load %arg14[%get3A_619, %get3A_620] {strides = array<i32>} : memref<136x128xf32, #tpu.memory_space<vmem>>, vector<16xf32>,
          %mul3A_622 = vector.broadcast %reduce_sum3A_583 : f32 to vector<16xf32>
          %mul3A_623 = arith.mulf %mul3A_622, %get3A_621 : vector<16xf32>
          %add3A_624 = arith.addf %scan3A_573, %mul3A_623 : vector<16xf32>
          %get3A_625 = arith.index_cast %add3A_588 : i32 to index
          %get3A_626 = arith.constant 96 : index
          %get3A_627 = tpu.vector_load %arg14[%get3A_625, %get3A_626] {strides = array<i32>} : memref<136x128xf32, #tpu.memory_space<vmem>>, vector<16xf32>,
          %mul3A_628 = vector.broadcast %reduce_sum3A_583 : f32 to vector<16xf32>
          %mul3A_629 = arith.mulf %mul3A_628, %get3A_627 : vector<16xf32>
          %add3A_630 = arith.addf %scan3A_574, %mul3A_629 : vector<16xf32>
          %get3A_631 = arith.index_cast %add3A_588 : i32 to index
          %get3A_632 = arith.constant 112 : index
          %get3A_633 = tpu.vector_load %arg14[%get3A_631, %get3A_632] {strides = array<i32>} : memref<136x128xf32, #tpu.memory_space<vmem>>, vector<16xf32>,
          %mul3A_634 = vector.broadcast %reduce_sum3A_583 : f32 to vector<16xf32>
          %mul3A_635 = arith.mulf %mul3A_634, %get3A_633 : vector<16xf32>
          %add3A_636 = arith.addf %scan3A_575, %mul3A_635 : vector<16xf32>
          scf.yield %add3A_594, %add3A_600, %add3A_606, %add3A_612, %add3A_618, %add3A_624, %add3A_630, %add3A_636 : vector<16xf32>, vector<16xf32>, vector<16xf32>, vector<16xf32>, vector<16xf32>, vector<16xf32>, vector<16xf32>, vector<16xf32>
        }
        %scan3A_536 = arith.constant 7 : i32
        %scan3A_537 = arith.constant 0 : i32
        %scan3A_538 = arith.constant 10 : i32
        %scan3A_539 = arith.addi %scan3A_537, %scan3A_538 : i32
        %scan3A_540 = arith.constant 1 : i32
        %scan3A_541:8 = scf.for %scan3A_567 = %scan3A_537 to %scan3A_539 step %scan3A_540 iter_args(%scan3A_568 = %scan3A_535#0, %scan3A_569 = %scan3A_535#1, %scan3A_570 = %scan3A_535#2, %scan3A_571 = %scan3A_535#3, %scan3A_572 = %scan3A_535#4, %scan3A_573 = %scan3A_535#5, %scan3A_574 = %scan3A_535#6, %scan3A_575 = %scan3A_535#7) -> (vector<16xf32>, vector<16xf32>, vector<16xf32>, vector<16xf32>, vector<16xf32>, vector<16xf32>, vector<16xf32>, vector<16xf32>)  : i32 {
          %eq3A = vector.broadcast %scan3A_567 : i32 to vector<16xi32>
          %eq3A_576 = arith.cmpi eq, %iota3A, %eq3A : vector<16xi32>
          %jit3A_577 = arith.constant 0.000000e+00 : f32
          %broadcast_in_dim3A_578 = vector.broadcast %jit3A_577 : f32 to vector<16xf32>
          %select_n3A_579 = arith.select %eq3A_576, %mul3A_514, %broadcast_in_dim3A_578 : vector<16xi1>, vector<16xf32>
          %reduce_sum3A_580 = arith.constant true
          %reduce_sum3A_581 = vector.broadcast %reduce_sum3A_580 : i1 to vector<16xi1>
          %reduce_sum3A_582 = tpu.scan <sum>, %select_n3A_579 masked %reduce_sum3A_581 : vector<16xf32>, vector<16xi1> -> vector<16xf32>
          %reduce_sum3A_583 = vector.extract %reduce_sum3A_582[15] : f32 from vector<16xf32>
          %add3A_584 = arith.constant 7 : i32
          %add3A_585 = arith.addi %add3A_584, %scan3A_567 : i32
          %mul3A_586 = arith.constant 8 : i32
          %mul3A_587 = arith.muli %add3A_585, %mul3A_586 : i32
          %add3A_588 = arith.addi %mul3A_587, %scan3A_317 : i32
          %get3A_589 = arith.index_cast %add3A_588 : i32 to index
          %get3A_590 = arith.constant 0 : index
          %get3A_591 = tpu.vector_load %arg14[%get3A_589, %get3A_590] {strides = array<i32>} : memref<136x128xf32, #tpu.memory_space<vmem>>, vector<16xf32>,
          %mul3A_592 = vector.broadcast %reduce_sum3A_583 : f32 to vector<16xf32>
          %mul3A_593 = arith.mulf %mul3A_592, %get3A_591 : vector<16xf32>
          %add3A_594 = arith.addf %scan3A_568, %mul3A_593 : vector<16xf32>
          %get3A_595 = arith.index_cast %add3A_588 : i32 to index
          %get3A_596 = arith.constant 16 : index
          %get3A_597 = tpu.vector_load %arg14[%get3A_595, %get3A_596] {strides = array<i32>} : memref<136x128xf32, #tpu.memory_space<vmem>>, vector<16xf32>,
          %mul3A_598 = vector.broadcast %reduce_sum3A_583 : f32 to vector<16xf32>
          %mul3A_599 = arith.mulf %mul3A_598, %get3A_597 : vector<16xf32>
          %add3A_600 = arith.addf %scan3A_569, %mul3A_599 : vector<16xf32>
          %get3A_601 = arith.index_cast %add3A_588 : i32 to index
          %get3A_602 = arith.constant 32 : index
          %get3A_603 = tpu.vector_load %arg14[%get3A_601, %get3A_602] {strides = array<i32>} : memref<136x128xf32, #tpu.memory_space<vmem>>, vector<16xf32>,
          %mul3A_604 = vector.broadcast %reduce_sum3A_583 : f32 to vector<16xf32>
          %mul3A_605 = arith.mulf %mul3A_604, %get3A_603 : vector<16xf32>
          %add3A_606 = arith.addf %scan3A_570, %mul3A_605 : vector<16xf32>
          %get3A_607 = arith.index_cast %add3A_588 : i32 to index
          %get3A_608 = arith.constant 48 : index
          %get3A_609 = tpu.vector_load %arg14[%get3A_607, %get3A_608] {strides = array<i32>} : memref<136x128xf32, #tpu.memory_space<vmem>>, vector<16xf32>,
          %mul3A_610 = vector.broadcast %reduce_sum3A_583 : f32 to vector<16xf32>
          %mul3A_611 = arith.mulf %mul3A_610, %get3A_609 : vector<16xf32>
          %add3A_612 = arith.addf %scan3A_571, %mul3A_611 : vector<16xf32>
          %get3A_613 = arith.index_cast %add3A_588 : i32 to index
          %get3A_614 = arith.constant 64 : index
          %get3A_615 = tpu.vector_load %arg14[%get3A_613, %get3A_614] {strides = array<i32>} : memref<136x128xf32, #tpu.memory_space<vmem>>, vector<16xf32>,
          %mul3A_616 = vector.broadcast %reduce_sum3A_583 : f32 to vector<16xf32>
          %mul3A_617 = arith.mulf %mul3A_616, %get3A_615 : vector<16xf32>
          %add3A_618 = arith.addf %scan3A_572, %mul3A_617 : vector<16xf32>
          %get3A_619 = arith.index_cast %add3A_588 : i32 to index
          %get3A_620 = arith.constant 80 : index
          %get3A_621 = tpu.vector_load %arg14[%get3A_619, %get3A_620] {strides = array<i32>} : memref<136x128xf32, #tpu.memory_space<vmem>>, vector<16xf32>,
          %mul3A_622 = vector.broadcast %reduce_sum3A_583 : f32 to vector<16xf32>
          %mul3A_623 = arith.mulf %mul3A_622, %get3A_621 : vector<16xf32>
          %add3A_624 = arith.addf %scan3A_573, %mul3A_623 : vector<16xf32>
          %get3A_625 = arith.index_cast %add3A_588 : i32 to index
          %get3A_626 = arith.constant 96 : index
          %get3A_627 = tpu.vector_load %arg14[%get3A_625, %get3A_626] {strides = array<i32>} : memref<136x128xf32, #tpu.memory_space<vmem>>, vector<16xf32>,
          %mul3A_628 = vector.broadcast %reduce_sum3A_583 : f32 to vector<16xf32>
          %mul3A_629 = arith.mulf %mul3A_628, %get3A_627 : vector<16xf32>
          %add3A_630 = arith.addf %scan3A_574, %mul3A_629 : vector<16xf32>
          %get3A_631 = arith.index_cast %add3A_588 : i32 to index
          %get3A_632 = arith.constant 112 : index
          %get3A_633 = tpu.vector_load %arg14[%get3A_631, %get3A_632] {strides = array<i32>} : memref<136x128xf32, #tpu.memory_space<vmem>>, vector<16xf32>,
          %mul3A_634 = vector.broadcast %reduce_sum3A_583 : f32 to vector<16xf32>
          %mul3A_635 = arith.mulf %mul3A_634, %get3A_633 : vector<16xf32>
          %add3A_636 = arith.addf %scan3A_575, %mul3A_635 : vector<16xf32>
          scf.yield %add3A_594, %add3A_600, %add3A_606, %add3A_612, %add3A_618, %add3A_624, %add3A_630, %add3A_636 : vector<16xf32>, vector<16xf32>, vector<16xf32>, vector<16xf32>, vector<16xf32>, vector<16xf32>, vector<16xf32>, vector<16xf32>
        }
        %scan3A_542 = arith.constant 10 : i32
        %swap3A = arith.index_cast %add3A_321 : i32 to index
        %swap3A_543 = arith.constant 0 : index
        %swap3A_544 = tpu.vector_load %arg19[%swap3A, %swap3A_543] {strides = array<i32>} : memref<128x128xf32, #tpu.memory_space<vmem>>, vector<16xf32>,
        tpu.vector_store %arg19[%swap3A, %swap3A_543], %scan3A_541#0 {strides = array<i32>} : memref<128x128xf32, #tpu.memory_space<vmem>>, vector<16xf32>,
        %swap3A_545 = arith.index_cast %add3A_321 : i32 to index
        %swap3A_546 = arith.constant 16 : index
        %swap3A_547 = tpu.vector_load %arg19[%swap3A_545, %swap3A_546] {strides = array<i32>} : memref<128x128xf32, #tpu.memory_space<vmem>>, vector<16xf32>,
        tpu.vector_store %arg19[%swap3A_545, %swap3A_546], %scan3A_541#1 {strides = array<i32>} : memref<128x128xf32, #tpu.memory_space<vmem>>, vector<16xf32>,
        %swap3A_548 = arith.index_cast %add3A_321 : i32 to index
        %swap3A_549 = arith.constant 32 : index
        %swap3A_550 = tpu.vector_load %arg19[%swap3A_548, %swap3A_549] {strides = array<i32>} : memref<128x128xf32, #tpu.memory_space<vmem>>, vector<16xf32>,
        tpu.vector_store %arg19[%swap3A_548, %swap3A_549], %scan3A_541#2 {strides = array<i32>} : memref<128x128xf32, #tpu.memory_space<vmem>>, vector<16xf32>,
        %swap3A_551 = arith.index_cast %add3A_321 : i32 to index
        %swap3A_552 = arith.constant 48 : index
        %swap3A_553 = tpu.vector_load %arg19[%swap3A_551, %swap3A_552] {strides = array<i32>} : memref<128x128xf32, #tpu.memory_space<vmem>>, vector<16xf32>,
        tpu.vector_store %arg19[%swap3A_551, %swap3A_552], %scan3A_541#3 {strides = array<i32>} : memref<128x128xf32, #tpu.memory_space<vmem>>, vector<16xf32>,
        %swap3A_554 = arith.index_cast %add3A_321 : i32 to index
        %swap3A_555 = arith.constant 64 : index
        %swap3A_556 = tpu.vector_load %arg19[%swap3A_554, %swap3A_555] {strides = array<i32>} : memref<128x128xf32, #tpu.memory_space<vmem>>, vector<16xf32>,
        tpu.vector_store %arg19[%swap3A_554, %swap3A_555], %scan3A_541#4 {strides = array<i32>} : memref<128x128xf32, #tpu.memory_space<vmem>>, vector<16xf32>,
        %swap3A_557 = arith.index_cast %add3A_321 : i32 to index
        %swap3A_558 = arith.constant 80 : index
        %swap3A_559 = tpu.vector_load %arg19[%swap3A_557, %swap3A_558] {strides = array<i32>} : memref<128x128xf32, #tpu.memory_space<vmem>>, vector<16xf32>,
        tpu.vector_store %arg19[%swap3A_557, %swap3A_558], %scan3A_541#5 {strides = array<i32>} : memref<128x128xf32, #tpu.memory_space<vmem>>, vector<16xf32>,
        %swap3A_560 = arith.index_cast %add3A_321 : i32 to index
        %swap3A_561 = arith.constant 96 : index
        %swap3A_562 = tpu.vector_load %arg19[%swap3A_560, %swap3A_561] {strides = array<i32>} : memref<128x128xf32, #tpu.memory_space<vmem>>, vector<16xf32>,
        tpu.vector_store %arg19[%swap3A_560, %swap3A_561], %scan3A_541#6 {strides = array<i32>} : memref<128x128xf32, #tpu.memory_space<vmem>>, vector<16xf32>,
        %swap3A_563 = arith.index_cast %add3A_321 : i32 to index
        %swap3A_564 = arith.constant 112 : index
        %swap3A_565 = tpu.vector_load %arg19[%swap3A_563, %swap3A_564] {strides = array<i32>} : memref<128x128xf32, #tpu.memory_space<vmem>>, vector<16xf32>,
        tpu.vector_store %arg19[%swap3A_563, %swap3A_564], %scan3A_541#7 {strides = array<i32>} : memref<128x128xf32, #tpu.memory_space<vmem>>, vector<16xf32>,
        %scan3A_566 = arith.constant 0 : i32
        scf.yield %scan3A_566 : i32
      }
      %scan3A_222 = arith.constant 8 : i32
      %add3A_223 = arith.constant 2 : i32
      %add3A_224 = arith.addi %mul3A_127, %add3A_223 : i32
      %min3A_225 = arith.constant 15 : i32
      %min3A_226 = arith.minsi %add3A_224, %min3A_225 : i32
      %dma_start3A_227 = arith.constant 0 : i32
      %dma_start3A_228 = arith.constant 0 : i32
      %dma_start3A_229 = arith.constant 0 : i32
      %dma_start3A_230 = tpu.memref_slice %arg12[%dma_start3A_228, %dma_start3A_229] : memref<136x112xf32, #tpu.memory_space<vmem>> -> memref<68x112xf32, #tpu.memory_space<vmem>>
      %dma_start3A_231 = arith.constant 0 : i32
      %dma_start3A_232 = tpu.memref_slice %arg10[%min3A_226, %dma_start3A_227, %dma_start3A_231] : memref<16x2x68xi32, #tpu.memory_space<vmem>> -> memref<1x1x68xi32, #tpu.memory_space<vmem>>
      %dma_start3A_233 = tpu.memref_squeeze %dma_start3A_232 : memref<1x1x68xi32, #tpu.memory_space<vmem>> -> memref<68xi32, #tpu.memory_space<vmem>>
      %dma_start3A_234 = arith.constant 0 : i32
      %dma_start3A_235 = arith.constant 0 : i32
      %dma_start3A_236 = tpu.memref_slice %arg2[%dma_start3A_234, %dma_start3A_235] : memref<65536x112xf32, #tpu.memory_space<hbm>> -> memref<65536x112xf32, #tpu.memory_space<hbm>>
      tpu.enqueue_indirect_dma source(%dma_start3A_236 : memref<65536x112xf32, #tpu.memory_space<hbm>>) target(%dma_start3A_230 : memref<68x112xf32, #tpu.memory_space<vmem>>) offsets(%dma_start3A_233 : memref<68xi32, #tpu.memory_space<vmem>>) semaphore(%arg20 : memref<!tpu.dma_semaphore, #tpu.memory_space<semaphore_mem>>)
      %dma_start3A_237 = arith.constant 1 : i32
      %dma_start3A_238 = arith.constant 68 : i32
      %dma_start3A_239 = arith.constant 0 : i32
      %dma_start3A_240 = tpu.memref_slice %arg12[%dma_start3A_238, %dma_start3A_239] : memref<136x112xf32, #tpu.memory_space<vmem>> -> memref<68x112xf32, #tpu.memory_space<vmem>>
      %dma_start3A_241 = arith.constant 0 : i32
      %dma_start3A_242 = tpu.memref_slice %arg10[%min3A_226, %dma_start3A_237, %dma_start3A_241] : memref<16x2x68xi32, #tpu.memory_space<vmem>> -> memref<1x1x68xi32, #tpu.memory_space<vmem>>
      %dma_start3A_243 = tpu.memref_squeeze %dma_start3A_242 : memref<1x1x68xi32, #tpu.memory_space<vmem>> -> memref<68xi32, #tpu.memory_space<vmem>>
      %dma_start3A_244 = arith.constant 0 : i32
      %dma_start3A_245 = arith.constant 0 : i32
      %dma_start3A_246 = tpu.memref_slice %arg2[%dma_start3A_244, %dma_start3A_245] : memref<65536x112xf32, #tpu.memory_space<hbm>> -> memref<65536x112xf32, #tpu.memory_space<hbm>>
      tpu.enqueue_indirect_dma source(%dma_start3A_246 : memref<65536x112xf32, #tpu.memory_space<hbm>>) target(%dma_start3A_240 : memref<68x112xf32, #tpu.memory_space<vmem>>) offsets(%dma_start3A_243 : memref<68xi32, #tpu.memory_space<vmem>>) semaphore(%arg20 : memref<!tpu.dma_semaphore, #tpu.memory_space<semaphore_mem>>)
      %dma_start3A_247 = arith.constant 0 : i32
      %dma_start3A_248 = arith.constant 0 : i32
      %dma_start3A_249 = arith.constant 0 : i32
      %dma_start3A_250 = tpu.memref_slice %arg14[%dma_start3A_248, %dma_start3A_249] : memref<136x128xf32, #tpu.memory_space<vmem>> -> memref<68x128xf32, #tpu.memory_space<vmem>>
      %dma_start3A_251 = arith.constant 0 : i32
      %dma_start3A_252 = tpu.memref_slice %arg11[%min3A_226, %dma_start3A_247, %dma_start3A_251] : memref<16x2x68xi32, #tpu.memory_space<vmem>> -> memref<1x1x68xi32, #tpu.memory_space<vmem>>
      %dma_start3A_253 = tpu.memref_squeeze %dma_start3A_252 : memref<1x1x68xi32, #tpu.memory_space<vmem>> -> memref<68xi32, #tpu.memory_space<vmem>>
      %dma_start3A_254 = arith.constant 0 : i32
      %dma_start3A_255 = arith.constant 0 : i32
      %dma_start3A_256 = tpu.memref_slice %arg3[%dma_start3A_254, %dma_start3A_255] : memref<100000x128xf32, #tpu.memory_space<hbm>> -> memref<100000x128xf32, #tpu.memory_space<hbm>>
      tpu.enqueue_indirect_dma source(%dma_start3A_256 : memref<100000x128xf32, #tpu.memory_space<hbm>>) target(%dma_start3A_250 : memref<68x128xf32, #tpu.memory_space<vmem>>) offsets(%dma_start3A_253 : memref<68xi32, #tpu.memory_space<vmem>>) semaphore(%arg22 : memref<!tpu.dma_semaphore, #tpu.memory_space<semaphore_mem>>)
      %dma_start3A_257 = arith.constant 1 : i32
      %dma_start3A_258 = arith.constant 68 : i32
      %dma_start3A_259 = arith.constant 0 : i32
      %dma_start3A_260 = tpu.memref_slice %arg14[%dma_start3A_258, %dma_start3A_259] : memref<136x128xf32, #tpu.memory_space<vmem>> -> memref<68x128xf32, #tpu.memory_space<vmem>>
      %dma_start3A_261 = arith.constant 0 : i32
      %dma_start3A_262 = tpu.memref_slice %arg11[%min3A_226, %dma_start3A_257, %dma_start3A_261] : memref<16x2x68xi32, #tpu.memory_space<vmem>> -> memref<1x1x68xi32, #tpu.memory_space<vmem>>
      %dma_start3A_263 = tpu.memref_squeeze %dma_start3A_262 : memref<1x1x68xi32, #tpu.memory_space<vmem>> -> memref<68xi32, #tpu.memory_space<vmem>>
      %dma_start3A_264 = arith.constant 0 : i32
      %dma_start3A_265 = arith.constant 0 : i32
      %dma_start3A_266 = tpu.memref_slice %arg3[%dma_start3A_264, %dma_start3A_265] : memref<100000x128xf32, #tpu.memory_space<hbm>> -> memref<100000x128xf32, #tpu.memory_space<hbm>>
      tpu.enqueue_indirect_dma source(%dma_start3A_266 : memref<100000x128xf32, #tpu.memory_space<hbm>>) target(%dma_start3A_260 : memref<68x128xf32, #tpu.memory_space<vmem>>) offsets(%dma_start3A_263 : memref<68xi32, #tpu.memory_space<vmem>>) semaphore(%arg22 : memref<!tpu.dma_semaphore, #tpu.memory_space<semaphore_mem>>)
      %min3A_267 = arith.constant 15 : i32
      %min3A_268 = arith.minsi %add3A_131, %min3A_267 : i32
      %dma_wait3A_269 = arith.constant 0 : i32
      %dma_wait3A_270 = arith.constant 0 : i32
      %dma_wait3A_271 = arith.constant 0 : i32
      %dma_wait3A_272 = tpu.memref_slice %arg13[%dma_wait3A_270, %dma_wait3A_271] : memref<136x112xf32, #tpu.memory_space<vmem>> -> memref<68x112xf32, #tpu.memory_space<vmem>>
      %dma_wait3A_273 = arith.constant 0 : i32
      %dma_wait3A_274 = tpu.memref_slice %arg10[%min3A_268, %dma_wait3A_269, %dma_wait3A_273] : memref<16x2x68xi32, #tpu.memory_space<vmem>> -> memref<1x1x68xi32, #tpu.memory_space<vmem>>
      %dma_wait3A_275 = tpu.memref_squeeze %dma_wait3A_274 : memref<1x1x68xi32, #tpu.memory_space<vmem>> -> memref<68xi32, #tpu.memory_space<vmem>>
      %dma_wait3A_276 = arith.constant 0 : i32
      %dma_wait3A_277 = arith.constant 0 : i32
      %dma_wait3A_278 = tpu.memref_slice %arg2[%dma_wait3A_276, %dma_wait3A_277] : memref<65536x112xf32, #tpu.memory_space<hbm>> -> memref<65536x112xf32, #tpu.memory_space<hbm>>
      tpu.wait_indirect_dma semaphore(%arg21 : memref<!tpu.dma_semaphore, #tpu.memory_space<semaphore_mem>>) src(%dma_wait3A_278 : memref<65536x112xf32, #tpu.memory_space<hbm>>) dst(%dma_wait3A_272 : memref<68x112xf32, #tpu.memory_space<vmem>>)
      %dma_wait3A_279 = arith.constant 1 : i32
      %dma_wait3A_280 = arith.constant 68 : i32
      %dma_wait3A_281 = arith.constant 0 : i32
      %dma_wait3A_282 = tpu.memref_slice %arg13[%dma_wait3A_280, %dma_wait3A_281] : memref<136x112xf32, #tpu.memory_space<vmem>> -> memref<68x112xf32, #tpu.memory_space<vmem>>
      %dma_wait3A_283 = arith.constant 0 : i32
      %dma_wait3A_284 = tpu.memref_slice %arg10[%min3A_268, %dma_wait3A_279, %dma_wait3A_283] : memref<16x2x68xi32, #tpu.memory_space<vmem>> -> memref<1x1x68xi32, #tpu.memory_space<vmem>>
      %dma_wait3A_285 = tpu.memref_squeeze %dma_wait3A_284 : memref<1x1x68xi32, #tpu.memory_space<vmem>> -> memref<68xi32, #tpu.memory_space<vmem>>
      %dma_wait3A_286 = arith.constant 0 : i32
      %dma_wait3A_287 = arith.constant 0 : i32
      %dma_wait3A_288 = tpu.memref_slice %arg2[%dma_wait3A_286, %dma_wait3A_287] : memref<65536x112xf32, #tpu.memory_space<hbm>> -> memref<65536x112xf32, #tpu.memory_space<hbm>>
      tpu.wait_indirect_dma semaphore(%arg21 : memref<!tpu.dma_semaphore, #tpu.memory_space<semaphore_mem>>) src(%dma_wait3A_288 : memref<65536x112xf32, #tpu.memory_space<hbm>>) dst(%dma_wait3A_282 : memref<68x112xf32, #tpu.memory_space<vmem>>)
      %dma_wait3A_289 = arith.constant 0 : i32
      %dma_wait3A_290 = arith.constant 0 : i32
      %dma_wait3A_291 = arith.constant 0 : i32
      %dma_wait3A_292 = tpu.memref_slice %arg15[%dma_wait3A_290, %dma_wait3A_291] : memref<136x128xf32, #tpu.memory_space<vmem>> -> memref<68x128xf32, #tpu.memory_space<vmem>>
      %dma_wait3A_293 = arith.constant 0 : i32
      %dma_wait3A_294 = tpu.memref_slice %arg11[%min3A_268, %dma_wait3A_289, %dma_wait3A_293] : memref<16x2x68xi32, #tpu.memory_space<vmem>> -> memref<1x1x68xi32, #tpu.memory_space<vmem>>
      %dma_wait3A_295 = tpu.memref_squeeze %dma_wait3A_294 : memref<1x1x68xi32, #tpu.memory_space<vmem>> -> memref<68xi32, #tpu.memory_space<vmem>>
      %dma_wait3A_296 = arith.constant 0 : i32
      %dma_wait3A_297 = arith.constant 0 : i32
      %dma_wait3A_298 = tpu.memref_slice %arg3[%dma_wait3A_296, %dma_wait3A_297] : memref<100000x128xf32, #tpu.memory_space<hbm>> -> memref<100000x128xf32, #tpu.memory_space<hbm>>
      tpu.wait_indirect_dma semaphore(%arg23 : memref<!tpu.dma_semaphore, #tpu.memory_space<semaphore_mem>>) src(%dma_wait3A_298 : memref<100000x128xf32, #tpu.memory_space<hbm>>) dst(%dma_wait3A_292 : memref<68x128xf32, #tpu.memory_space<vmem>>)
      %dma_wait3A_299 = arith.constant 1 : i32
      %dma_wait3A_300 = arith.constant 68 : i32
      %dma_wait3A_301 = arith.constant 0 : i32
      %dma_wait3A_302 = tpu.memref_slice %arg15[%dma_wait3A_300, %dma_wait3A_301] : memref<136x128xf32, #tpu.memory_space<vmem>> -> memref<68x128xf32, #tpu.memory_space<vmem>>
      %dma_wait3A_303 = arith.constant 0 : i32
      %dma_wait3A_304 = tpu.memref_slice %arg11[%min3A_268, %dma_wait3A_299, %dma_wait3A_303] : memref<16x2x68xi32, #tpu.memory_space<vmem>> -> memref<1x1x68xi32, #tpu.memory_space<vmem>>
      %dma_wait3A_305 = tpu.memref_squeeze %dma_wait3A_304 : memref<1x1x68xi32, #tpu.memory_space<vmem>> -> memref<68xi32, #tpu.memory_space<vmem>>
      %dma_wait3A_306 = arith.constant 0 : i32
      %dma_wait3A_307 = arith.constant 0 : i32
      %dma_wait3A_308 = tpu.memref_slice %arg3[%dma_wait3A_306, %dma_wait3A_307] : memref<100000x128xf32, #tpu.memory_space<hbm>> -> memref<100000x128xf32, #tpu.memory_space<hbm>>
      tpu.wait_indirect_dma semaphore(%arg23 : memref<!tpu.dma_semaphore, #tpu.memory_space<semaphore_mem>>) src(%dma_wait3A_308 : memref<100000x128xf32, #tpu.memory_space<hbm>>) dst(%dma_wait3A_302 : memref<68x128xf32, #tpu.memory_space<vmem>>)
      %scan3A_309 = arith.constant 0 : i32
      %scan3A_310 = arith.constant 0 : i32
      %scan3A_311 = arith.constant 8 : i32
      %scan3A_312 = arith.addi %scan3A_310, %scan3A_311 : i32
      %scan3A_313 = arith.constant 1 : i32
      %scan3A_314 = scf.for %scan3A_317 = %scan3A_310 to %scan3A_312 step %scan3A_313 iter_args(%scan3A_318 = %scan3A_309) -> (i32)  : i32 {
        %mul3A_319 = arith.constant 8 : i32
        %mul3A_320 = arith.muli %add3A_131, %mul3A_319 : i32
        %add3A_321 = arith.addi %mul3A_320, %scan3A_317 : i32
        %get3A_322 = arith.index_cast %add3A_321 : i32 to index
        %get3A_323 = arith.constant 0 : index
        %get3A_324 = tpu.vector_load %arg16[%get3A_322, %get3A_323] {strides = array<i32>} : memref<128x112xf32, #tpu.memory_space<vmem>>, vector<16xf32>,
        %get3A_325 = arith.index_cast %add3A_321 : i32 to index
        %get3A_326 = arith.constant 16 : index
        %get3A_327 = tpu.vector_load %arg16[%get3A_325, %get3A_326] {strides = array<i32>} : memref<128x112xf32, #tpu.memory_space<vmem>>, vector<16xf32>,
        %get3A_328 = arith.index_cast %add3A_321 : i32 to index
        %get3A_329 = arith.constant 32 : index
        %get3A_330 = tpu.vector_load %arg16[%get3A_328, %get3A_329] {strides = array<i32>} : memref<128x112xf32, #tpu.memory_space<vmem>>, vector<16xf32>,
        %get3A_331 = arith.index_cast %add3A_321 : i32 to index
        %get3A_332 = arith.constant 48 : index
        %get3A_333 = tpu.vector_load %arg16[%get3A_331, %get3A_332] {strides = array<i32>} : memref<128x112xf32, #tpu.memory_space<vmem>>, vector<16xf32>,
        %get3A_334 = arith.index_cast %add3A_321 : i32 to index
        %get3A_335 = arith.constant 64 : index
        %get3A_336 = tpu.vector_load %arg16[%get3A_334, %get3A_335] {strides = array<i32>} : memref<128x112xf32, #tpu.memory_space<vmem>>, vector<16xf32>,
        %get3A_337 = arith.index_cast %add3A_321 : i32 to index
        %get3A_338 = arith.constant 80 : index
        %get3A_339 = tpu.vector_load %arg16[%get3A_337, %get3A_338] {strides = array<i32>} : memref<128x112xf32, #tpu.memory_space<vmem>>, vector<16xf32>,
        %get3A_340 = arith.index_cast %add3A_321 : i32 to index
        %get3A_341 = arith.constant 96 : index
        %get3A_342 = tpu.vector_load %arg16[%get3A_340, %get3A_341] {strides = array<i32>} : memref<128x112xf32, #tpu.memory_space<vmem>>, vector<16xf32>,
        %get3A_343 = arith.index_cast %add3A_321 : i32 to index
        %get3A_344 = arith.constant 0 : index
        %get3A_345 = tpu.vector_load %arg17[%get3A_343, %get3A_344] {strides = array<i32>} : memref<128x112xf32, #tpu.memory_space<vmem>>, vector<16xf32>,
        %get3A_346 = arith.index_cast %add3A_321 : i32 to index
        %get3A_347 = arith.constant 16 : index
        %get3A_348 = tpu.vector_load %arg17[%get3A_346, %get3A_347] {strides = array<i32>} : memref<128x112xf32, #tpu.memory_space<vmem>>, vector<16xf32>,
        %get3A_349 = arith.index_cast %add3A_321 : i32 to index
        %get3A_350 = arith.constant 32 : index
        %get3A_351 = tpu.vector_load %arg17[%get3A_349, %get3A_350] {strides = array<i32>} : memref<128x112xf32, #tpu.memory_space<vmem>>, vector<16xf32>,
        %get3A_352 = arith.index_cast %add3A_321 : i32 to index
        %get3A_353 = arith.constant 48 : index
        %get3A_354 = tpu.vector_load %arg17[%get3A_352, %get3A_353] {strides = array<i32>} : memref<128x112xf32, #tpu.memory_space<vmem>>, vector<16xf32>,
        %get3A_355 = arith.index_cast %add3A_321 : i32 to index
        %get3A_356 = arith.constant 64 : index
        %get3A_357 = tpu.vector_load %arg17[%get3A_355, %get3A_356] {strides = array<i32>} : memref<128x112xf32, #tpu.memory_space<vmem>>, vector<16xf32>,
        %get3A_358 = arith.index_cast %add3A_321 : i32 to index
        %get3A_359 = arith.constant 80 : index
        %get3A_360 = tpu.vector_load %arg17[%get3A_358, %get3A_359] {strides = array<i32>} : memref<128x112xf32, #tpu.memory_space<vmem>>, vector<16xf32>,
        %get3A_361 = arith.index_cast %add3A_321 : i32 to index
        %get3A_362 = arith.constant 96 : index
        %get3A_363 = tpu.vector_load %arg17[%get3A_361, %get3A_362] {strides = array<i32>} : memref<128x112xf32, #tpu.memory_space<vmem>>, vector<16xf32>,
        %broadcast_in_dim3A = arith.constant 0.000000e+00 : f32
        %broadcast_in_dim3A_364 = vector.broadcast %broadcast_in_dim3A : f32 to vector<16xf32>
        %scan3A_365 = arith.constant 0 : i32
        %scan3A_366 = arith.constant 7 : i32
        %scan3A_367 = arith.addi %scan3A_365, %scan3A_366 : i32
        %scan3A_368 = arith.constant 1 : i32
        %scan3A_369:2 = scf.for %scan3A_567 = %scan3A_365 to %scan3A_367 step %scan3A_368 iter_args(%scan3A_568 = %broadcast_in_dim3A_364, %scan3A_569 = %broadcast_in_dim3A_364) -> (vector<16xf32>, vector<16xf32>)  : i32 {
          %add3A_570 = arith.constant 0 : i32
          %add3A_571 = arith.addi %add3A_570, %scan3A_567 : i32
          %mul3A_572 = arith.constant 8 : i32
          %mul3A_573 = arith.muli %add3A_571, %mul3A_572 : i32
          %add3A_574 = arith.addi %mul3A_573, %scan3A_317 : i32
          %broadcast_in_dim3A_575 = arith.constant 0.000000e+00 : f32
          %broadcast_in_dim3A_576 = vector.broadcast %broadcast_in_dim3A_575 : f32 to vector<16xf32>
          %broadcast_in_dim3A_577 = arith.constant 0.000000e+00 : f32
          %broadcast_in_dim3A_578 = vector.broadcast %broadcast_in_dim3A_577 : f32 to vector<16xf32>
          %get3A_579 = arith.index_cast %add3A_574 : i32 to index
          %get3A_580 = arith.constant 0 : index
          %get3A_581 = tpu.vector_load %arg13[%get3A_579, %get3A_580] {strides = array<i32>} : memref<136x112xf32, #tpu.memory_space<vmem>>, vector<16xf32>,
          %mul3A_582 = arith.mulf %get3A_581, %get3A_324 : vector<16xf32>
          %add3A_583 = arith.addf %broadcast_in_dim3A_576, %mul3A_582 : vector<16xf32>
          %mul3A_584 = arith.mulf %get3A_581, %get3A_581 : vector<16xf32>
          %add3A_585 = arith.addf %broadcast_in_dim3A_578, %mul3A_584 : vector<16xf32>
          %get3A_586 = arith.index_cast %add3A_574 : i32 to index
          %get3A_587 = arith.constant 16 : index
          %get3A_588 = tpu.vector_load %arg13[%get3A_586, %get3A_587] {strides = array<i32>} : memref<136x112xf32, #tpu.memory_space<vmem>>, vector<16xf32>,
          %mul3A_589 = arith.mulf %get3A_588, %get3A_327 : vector<16xf32>
          %add3A_590 = arith.addf %add3A_583, %mul3A_589 : vector<16xf32>
          %mul3A_591 = arith.mulf %get3A_588, %get3A_588 : vector<16xf32>
          %add3A_592 = arith.addf %add3A_585, %mul3A_591 : vector<16xf32>
          %get3A_593 = arith.index_cast %add3A_574 : i32 to index
          %get3A_594 = arith.constant 32 : index
          %get3A_595 = tpu.vector_load %arg13[%get3A_593, %get3A_594] {strides = array<i32>} : memref<136x112xf32, #tpu.memory_space<vmem>>, vector<16xf32>,
          %mul3A_596 = arith.mulf %get3A_595, %get3A_330 : vector<16xf32>
          %add3A_597 = arith.addf %add3A_590, %mul3A_596 : vector<16xf32>
          %mul3A_598 = arith.mulf %get3A_595, %get3A_595 : vector<16xf32>
          %add3A_599 = arith.addf %add3A_592, %mul3A_598 : vector<16xf32>
          %get3A_600 = arith.index_cast %add3A_574 : i32 to index
          %get3A_601 = arith.constant 48 : index
          %get3A_602 = tpu.vector_load %arg13[%get3A_600, %get3A_601] {strides = array<i32>} : memref<136x112xf32, #tpu.memory_space<vmem>>, vector<16xf32>,
          %mul3A_603 = arith.mulf %get3A_602, %get3A_333 : vector<16xf32>
          %add3A_604 = arith.addf %add3A_597, %mul3A_603 : vector<16xf32>
          %mul3A_605 = arith.mulf %get3A_602, %get3A_602 : vector<16xf32>
          %add3A_606 = arith.addf %add3A_599, %mul3A_605 : vector<16xf32>
          %get3A_607 = arith.index_cast %add3A_574 : i32 to index
          %get3A_608 = arith.constant 64 : index
          %get3A_609 = tpu.vector_load %arg13[%get3A_607, %get3A_608] {strides = array<i32>} : memref<136x112xf32, #tpu.memory_space<vmem>>, vector<16xf32>,
          %mul3A_610 = arith.mulf %get3A_609, %get3A_336 : vector<16xf32>
          %add3A_611 = arith.addf %add3A_604, %mul3A_610 : vector<16xf32>
          %mul3A_612 = arith.mulf %get3A_609, %get3A_609 : vector<16xf32>
          %add3A_613 = arith.addf %add3A_606, %mul3A_612 : vector<16xf32>
          %get3A_614 = arith.index_cast %add3A_574 : i32 to index
          %get3A_615 = arith.constant 80 : index
          %get3A_616 = tpu.vector_load %arg13[%get3A_614, %get3A_615] {strides = array<i32>} : memref<136x112xf32, #tpu.memory_space<vmem>>, vector<16xf32>,
          %mul3A_617 = arith.mulf %get3A_616, %get3A_339 : vector<16xf32>
          %add3A_618 = arith.addf %add3A_611, %mul3A_617 : vector<16xf32>
          %mul3A_619 = arith.mulf %get3A_616, %get3A_616 : vector<16xf32>
          %add3A_620 = arith.addf %add3A_613, %mul3A_619 : vector<16xf32>
          %get3A_621 = arith.index_cast %add3A_574 : i32 to index
          %get3A_622 = arith.constant 96 : index
          %get3A_623 = tpu.vector_load %arg13[%get3A_621, %get3A_622] {strides = array<i32>} : memref<136x112xf32, #tpu.memory_space<vmem>>, vector<16xf32>,
          %mul3A_624 = arith.mulf %get3A_623, %get3A_342 : vector<16xf32>
          %add3A_625 = arith.addf %add3A_618, %mul3A_624 : vector<16xf32>
          %mul3A_626 = arith.mulf %get3A_623, %get3A_623 : vector<16xf32>
          %add3A_627 = arith.addf %add3A_620, %mul3A_626 : vector<16xf32>
          %eq3A = vector.broadcast %scan3A_567 : i32 to vector<16xi32>
          %eq3A_628 = arith.cmpi eq, %iota3A, %eq3A : vector<16xi32>
          %reduce_sum3A_629 = arith.constant true
          %reduce_sum3A_630 = vector.broadcast %reduce_sum3A_629 : i1 to vector<16xi1>
          %reduce_sum3A_631 = tpu.scan <sum>, %add3A_625 masked %reduce_sum3A_630 : vector<16xf32>, vector<16xi1> -> vector<16xf32>
          %reduce_sum3A_632 = vector.extract %reduce_sum3A_631[15] : f32 from vector<16xf32>
          %broadcast_in_dim3A_633 = vector.broadcast %reduce_sum3A_632 : f32 to vector<16xf32>
          %select_n3A_634 = arith.select %eq3A_628, %broadcast_in_dim3A_633, %scan3A_568 : vector<16xi1>, vector<16xf32>
          %eq3A_635 = vector.broadcast %scan3A_567 : i32 to vector<16xi32>
          %eq3A_636 = arith.cmpi eq, %iota3A, %eq3A_635 : vector<16xi32>
          %reduce_sum3A_637 = arith.constant true
          %reduce_sum3A_638 = vector.broadcast %reduce_sum3A_637 : i1 to vector<16xi1>
          %reduce_sum3A_639 = tpu.scan <sum>, %add3A_627 masked %reduce_sum3A_638 : vector<16xf32>, vector<16xi1> -> vector<16xf32>
          %reduce_sum3A_640 = vector.extract %reduce_sum3A_639[15] : f32 from vector<16xf32>
          %broadcast_in_dim3A_641 = vector.broadcast %reduce_sum3A_640 : f32 to vector<16xf32>
          %select_n3A_642 = arith.select %eq3A_636, %broadcast_in_dim3A_641, %scan3A_569 : vector<16xi1>, vector<16xf32>
          scf.yield %select_n3A_634, %select_n3A_642 : vector<16xf32>, vector<16xf32>
        }
        %scan3A_370 = arith.constant 7 : i32
        %scan3A_371 = arith.constant 0 : i32
        %scan3A_372 = arith.constant 10 : i32
        %scan3A_373 = arith.addi %scan3A_371, %scan3A_372 : i32
        %scan3A_374 = arith.constant 1 : i32
        %scan3A_375:2 = scf.for %scan3A_567 = %scan3A_371 to %scan3A_373 step %scan3A_374 iter_args(%scan3A_568 = %broadcast_in_dim3A_364, %scan3A_569 = %broadcast_in_dim3A_364) -> (vector<16xf32>, vector<16xf32>)  : i32 {
          %add3A_570 = arith.constant 7 : i32
          %add3A_571 = arith.addi %add3A_570, %scan3A_567 : i32
          %mul3A_572 = arith.constant 8 : i32
          %mul3A_573 = arith.muli %add3A_571, %mul3A_572 : i32
          %add3A_574 = arith.addi %mul3A_573, %scan3A_317 : i32
          %broadcast_in_dim3A_575 = arith.constant 0.000000e+00 : f32
          %broadcast_in_dim3A_576 = vector.broadcast %broadcast_in_dim3A_575 : f32 to vector<16xf32>
          %broadcast_in_dim3A_577 = arith.constant 0.000000e+00 : f32
          %broadcast_in_dim3A_578 = vector.broadcast %broadcast_in_dim3A_577 : f32 to vector<16xf32>
          %get3A_579 = arith.index_cast %add3A_574 : i32 to index
          %get3A_580 = arith.constant 0 : index
          %get3A_581 = tpu.vector_load %arg13[%get3A_579, %get3A_580] {strides = array<i32>} : memref<136x112xf32, #tpu.memory_space<vmem>>, vector<16xf32>,
          %mul3A_582 = arith.mulf %get3A_581, %get3A_345 : vector<16xf32>
          %add3A_583 = arith.addf %broadcast_in_dim3A_576, %mul3A_582 : vector<16xf32>
          %mul3A_584 = arith.mulf %get3A_581, %get3A_581 : vector<16xf32>
          %add3A_585 = arith.addf %broadcast_in_dim3A_578, %mul3A_584 : vector<16xf32>
          %get3A_586 = arith.index_cast %add3A_574 : i32 to index
          %get3A_587 = arith.constant 16 : index
          %get3A_588 = tpu.vector_load %arg13[%get3A_586, %get3A_587] {strides = array<i32>} : memref<136x112xf32, #tpu.memory_space<vmem>>, vector<16xf32>,
          %mul3A_589 = arith.mulf %get3A_588, %get3A_348 : vector<16xf32>
          %add3A_590 = arith.addf %add3A_583, %mul3A_589 : vector<16xf32>
          %mul3A_591 = arith.mulf %get3A_588, %get3A_588 : vector<16xf32>
          %add3A_592 = arith.addf %add3A_585, %mul3A_591 : vector<16xf32>
          %get3A_593 = arith.index_cast %add3A_574 : i32 to index
          %get3A_594 = arith.constant 32 : index
          %get3A_595 = tpu.vector_load %arg13[%get3A_593, %get3A_594] {strides = array<i32>} : memref<136x112xf32, #tpu.memory_space<vmem>>, vector<16xf32>,
          %mul3A_596 = arith.mulf %get3A_595, %get3A_351 : vector<16xf32>
          %add3A_597 = arith.addf %add3A_590, %mul3A_596 : vector<16xf32>
          %mul3A_598 = arith.mulf %get3A_595, %get3A_595 : vector<16xf32>
          %add3A_599 = arith.addf %add3A_592, %mul3A_598 : vector<16xf32>
          %get3A_600 = arith.index_cast %add3A_574 : i32 to index
          %get3A_601 = arith.constant 48 : index
          %get3A_602 = tpu.vector_load %arg13[%get3A_600, %get3A_601] {strides = array<i32>} : memref<136x112xf32, #tpu.memory_space<vmem>>, vector<16xf32>,
          %mul3A_603 = arith.mulf %get3A_602, %get3A_354 : vector<16xf32>
          %add3A_604 = arith.addf %add3A_597, %mul3A_603 : vector<16xf32>
          %mul3A_605 = arith.mulf %get3A_602, %get3A_602 : vector<16xf32>
          %add3A_606 = arith.addf %add3A_599, %mul3A_605 : vector<16xf32>
          %get3A_607 = arith.index_cast %add3A_574 : i32 to index
          %get3A_608 = arith.constant 64 : index
          %get3A_609 = tpu.vector_load %arg13[%get3A_607, %get3A_608] {strides = array<i32>} : memref<136x112xf32, #tpu.memory_space<vmem>>, vector<16xf32>,
          %mul3A_610 = arith.mulf %get3A_609, %get3A_357 : vector<16xf32>
          %add3A_611 = arith.addf %add3A_604, %mul3A_610 : vector<16xf32>
          %mul3A_612 = arith.mulf %get3A_609, %get3A_609 : vector<16xf32>
          %add3A_613 = arith.addf %add3A_606, %mul3A_612 : vector<16xf32>
          %get3A_614 = arith.index_cast %add3A_574 : i32 to index
          %get3A_615 = arith.constant 80 : index
          %get3A_616 = tpu.vector_load %arg13[%get3A_614, %get3A_615] {strides = array<i32>} : memref<136x112xf32, #tpu.memory_space<vmem>>, vector<16xf32>,
          %mul3A_617 = arith.mulf %get3A_616, %get3A_360 : vector<16xf32>
          %add3A_618 = arith.addf %add3A_611, %mul3A_617 : vector<16xf32>
          %mul3A_619 = arith.mulf %get3A_616, %get3A_616 : vector<16xf32>
          %add3A_620 = arith.addf %add3A_613, %mul3A_619 : vector<16xf32>
          %get3A_621 = arith.index_cast %add3A_574 : i32 to index
          %get3A_622 = arith.constant 96 : index
          %get3A_623 = tpu.vector_load %arg13[%get3A_621, %get3A_622] {strides = array<i32>} : memref<136x112xf32, #tpu.memory_space<vmem>>, vector<16xf32>,
          %mul3A_624 = arith.mulf %get3A_623, %get3A_363 : vector<16xf32>
          %add3A_625 = arith.addf %add3A_618, %mul3A_624 : vector<16xf32>
          %mul3A_626 = arith.mulf %get3A_623, %get3A_623 : vector<16xf32>
          %add3A_627 = arith.addf %add3A_620, %mul3A_626 : vector<16xf32>
          %eq3A = vector.broadcast %scan3A_567 : i32 to vector<16xi32>
          %eq3A_628 = arith.cmpi eq, %iota3A, %eq3A : vector<16xi32>
          %reduce_sum3A_629 = arith.constant true
          %reduce_sum3A_630 = vector.broadcast %reduce_sum3A_629 : i1 to vector<16xi1>
          %reduce_sum3A_631 = tpu.scan <sum>, %add3A_625 masked %reduce_sum3A_630 : vector<16xf32>, vector<16xi1> -> vector<16xf32>
          %reduce_sum3A_632 = vector.extract %reduce_sum3A_631[15] : f32 from vector<16xf32>
          %broadcast_in_dim3A_633 = vector.broadcast %reduce_sum3A_632 : f32 to vector<16xf32>
          %select_n3A_634 = arith.select %eq3A_628, %broadcast_in_dim3A_633, %scan3A_568 : vector<16xi1>, vector<16xf32>
          %eq3A_635 = vector.broadcast %scan3A_567 : i32 to vector<16xi32>
          %eq3A_636 = arith.cmpi eq, %iota3A, %eq3A_635 : vector<16xi32>
          %reduce_sum3A_637 = arith.constant true
          %reduce_sum3A_638 = vector.broadcast %reduce_sum3A_637 : i1 to vector<16xi1>
          %reduce_sum3A_639 = tpu.scan <sum>, %add3A_627 masked %reduce_sum3A_638 : vector<16xf32>, vector<16xi1> -> vector<16xf32>
          %reduce_sum3A_640 = vector.extract %reduce_sum3A_639[15] : f32 from vector<16xf32>
          %broadcast_in_dim3A_641 = vector.broadcast %reduce_sum3A_640 : f32 to vector<16xf32>
          %select_n3A_642 = arith.select %eq3A_636, %broadcast_in_dim3A_641, %scan3A_569 : vector<16xi1>, vector<16xf32>
          scf.yield %select_n3A_634, %select_n3A_642 : vector<16xf32>, vector<16xf32>
        }
        %scan3A_376 = arith.constant 10 : i32
        %max3A = arith.constant 1.000000e-24 : f32
        %max3A_377 = vector.broadcast %max3A : f32 to vector<16xf32>
        %max3A_378 = arith.maximumf %scan3A_369#1, %max3A_377 : vector<16xf32>
        %bitcast_convert_type3A = tpu.bitcast %max3A_378 : vector<16xf32> -> vector<16xi32>
        %shift_right_arithmetic3A = arith.constant 1 : i32
        %shift_right_arithmetic3A_379 = vector.broadcast %shift_right_arithmetic3A : i32 to vector<16xi32>
        %shift_right_arithmetic3A_380 = arith.shrsi %bitcast_convert_type3A, %shift_right_arithmetic3A_379 : vector<16xi32>
        %sub3A = arith.constant 1597463007 : i32
        %sub3A_381 = vector.broadcast %sub3A : i32 to vector<16xi32>
        %sub3A_382 = arith.subi %sub3A_381, %shift_right_arithmetic3A_380 : vector<16xi32>
        %bitcast_convert_type3A_383 = tpu.bitcast %sub3A_382 : vector<16xi32> -> vector<16xf32>
        %mul3A_384 = arith.constant 5.000000e-01 : f32
        %mul3A_385 = vector.broadcast %mul3A_384 : f32 to vector<16xf32>
        %mul3A_386 = arith.mulf %mul3A_385, %max3A_378 : vector<16xf32>
        %mul3A_387 = arith.mulf %mul3A_386, %bitcast_convert_type3A_383 : vector<16xf32>
        %mul3A_388 = arith.mulf %mul3A_387, %bitcast_convert_type3A_383 : vector<16xf32>
        %sub3A_389 = arith.constant 1.500000e+00 : f32
        %sub3A_390 = vector.broadcast %sub3A_389 : f32 to vector<16xf32>
        %sub3A_391 = arith.subf %sub3A_390, %mul3A_388 : vector<16xf32>
        %mul3A_392 = arith.mulf %bitcast_convert_type3A_383, %sub3A_391 : vector<16xf32>
        %mul3A_393 = arith.constant 5.000000e-01 : f32
        %mul3A_394 = vector.broadcast %mul3A_393 : f32 to vector<16xf32>
        %mul3A_395 = arith.mulf %mul3A_394, %max3A_378 : vector<16xf32>
        %mul3A_396 = arith.mulf %mul3A_395, %mul3A_392 : vector<16xf32>
        %mul3A_397 = arith.mulf %mul3A_396, %mul3A_392 : vector<16xf32>
        %sub3A_398 = arith.constant 1.500000e+00 : f32
        %sub3A_399 = vector.broadcast %sub3A_398 : f32 to vector<16xf32>
        %sub3A_400 = arith.subf %sub3A_399, %mul3A_397 : vector<16xf32>
        %mul3A_401 = arith.mulf %mul3A_392, %sub3A_400 : vector<16xf32>
        %mul3A_402 = arith.constant 5.000000e-01 : f32
        %mul3A_403 = vector.broadcast %mul3A_402 : f32 to vector<16xf32>
        %mul3A_404 = arith.mulf %mul3A_403, %max3A_378 : vector<16xf32>
        %mul3A_405 = arith.mulf %mul3A_404, %mul3A_401 : vector<16xf32>
        %mul3A_406 = arith.mulf %mul3A_405, %mul3A_401 : vector<16xf32>
        %sub3A_407 = arith.constant 1.500000e+00 : f32
        %sub3A_408 = vector.broadcast %sub3A_407 : f32 to vector<16xf32>
        %sub3A_409 = arith.subf %sub3A_408, %mul3A_406 : vector<16xf32>
        %mul3A_410 = arith.mulf %mul3A_401, %sub3A_409 : vector<16xf32>
        %mul3A_411 = arith.mulf %scan3A_369#0, %mul3A_410 : vector<16xf32>
        %jit3A = arith.constant -1.000000e+09 : f32
        %broadcast_in_dim3A_412 = vector.broadcast %jit3A : f32 to vector<16xf32>
        %select_n3A = arith.select %lt3A_8, %mul3A_411, %broadcast_in_dim3A_412 : vector<16xi1>, vector<16xf32>
        %max3A_413 = arith.constant 1.000000e-24 : f32
        %max3A_414 = vector.broadcast %max3A_413 : f32 to vector<16xf32>
        %max3A_415 = arith.maximumf %scan3A_375#1, %max3A_414 : vector<16xf32>
        %bitcast_convert_type3A_416 = tpu.bitcast %max3A_415 : vector<16xf32> -> vector<16xi32>
        %shift_right_arithmetic3A_417 = arith.constant 1 : i32
        %shift_right_arithmetic3A_418 = vector.broadcast %shift_right_arithmetic3A_417 : i32 to vector<16xi32>
        %shift_right_arithmetic3A_419 = arith.shrsi %bitcast_convert_type3A_416, %shift_right_arithmetic3A_418 : vector<16xi32>
        %sub3A_420 = arith.constant 1597463007 : i32
        %sub3A_421 = vector.broadcast %sub3A_420 : i32 to vector<16xi32>
        %sub3A_422 = arith.subi %sub3A_421, %shift_right_arithmetic3A_419 : vector<16xi32>
        %bitcast_convert_type3A_423 = tpu.bitcast %sub3A_422 : vector<16xi32> -> vector<16xf32>
        %mul3A_424 = arith.constant 5.000000e-01 : f32
        %mul3A_425 = vector.broadcast %mul3A_424 : f32 to vector<16xf32>
        %mul3A_426 = arith.mulf %mul3A_425, %max3A_415 : vector<16xf32>
        %mul3A_427 = arith.mulf %mul3A_426, %bitcast_convert_type3A_423 : vector<16xf32>
        %mul3A_428 = arith.mulf %mul3A_427, %bitcast_convert_type3A_423 : vector<16xf32>
        %sub3A_429 = arith.constant 1.500000e+00 : f32
        %sub3A_430 = vector.broadcast %sub3A_429 : f32 to vector<16xf32>
        %sub3A_431 = arith.subf %sub3A_430, %mul3A_428 : vector<16xf32>
        %mul3A_432 = arith.mulf %bitcast_convert_type3A_423, %sub3A_431 : vector<16xf32>
        %mul3A_433 = arith.constant 5.000000e-01 : f32
        %mul3A_434 = vector.broadcast %mul3A_433 : f32 to vector<16xf32>
        %mul3A_435 = arith.mulf %mul3A_434, %max3A_415 : vector<16xf32>
        %mul3A_436 = arith.mulf %mul3A_435, %mul3A_432 : vector<16xf32>
        %mul3A_437 = arith.mulf %mul3A_436, %mul3A_432 : vector<16xf32>
        %sub3A_438 = arith.constant 1.500000e+00 : f32
        %sub3A_439 = vector.broadcast %sub3A_438 : f32 to vector<16xf32>
        %sub3A_440 = arith.subf %sub3A_439, %mul3A_437 : vector<16xf32>
        %mul3A_441 = arith.mulf %mul3A_432, %sub3A_440 : vector<16xf32>
        %mul3A_442 = arith.constant 5.000000e-01 : f32
        %mul3A_443 = vector.broadcast %mul3A_442 : f32 to vector<16xf32>
        %mul3A_444 = arith.mulf %mul3A_443, %max3A_415 : vector<16xf32>
        %mul3A_445 = arith.mulf %mul3A_444, %mul3A_441 : vector<16xf32>
        %mul3A_446 = arith.mulf %mul3A_445, %mul3A_441 : vector<16xf32>
        %sub3A_447 = arith.constant 1.500000e+00 : f32
        %sub3A_448 = vector.broadcast %sub3A_447 : f32 to vector<16xf32>
        %sub3A_449 = arith.subf %sub3A_448, %mul3A_446 : vector<16xf32>
        %mul3A_450 = arith.mulf %mul3A_441, %sub3A_449 : vector<16xf32>
        %mul3A_451 = arith.mulf %scan3A_375#0, %mul3A_450 : vector<16xf32>
        %jit3A_452 = arith.constant -1.000000e+09 : f32
        %broadcast_in_dim3A_453 = vector.broadcast %jit3A_452 : f32 to vector<16xf32>
        %select_n3A_454 = arith.select %lt3A_11, %mul3A_451, %broadcast_in_dim3A_453 : vector<16xi1>, vector<16xf32>
        %reduce_max3A = arith.constant true
        %reduce_max3A_455 = vector.broadcast %reduce_max3A : i1 to vector<16xi1>
        %reduce_max3A_456 = tpu.scan <max>, %select_n3A masked %reduce_max3A_455 : vector<16xf32>, vector<16xi1> -> vector<16xf32>
        %reduce_max3A_457 = vector.extract %reduce_max3A_456[15] : f32 from vector<16xf32>
        %sub3A_458 = vector.broadcast %reduce_max3A_457 : f32 to vector<16xf32>
        %sub3A_459 = arith.subf %select_n3A, %sub3A_458 : vector<16xf32>
        %exp3A = math.exp %sub3A_459 : vector<16xf32>
        %reduce_max3A_460 = arith.constant true
        %reduce_max3A_461 = vector.broadcast %reduce_max3A_460 : i1 to vector<16xi1>
        %reduce_max3A_462 = tpu.scan <max>, %select_n3A_454 masked %reduce_max3A_461 : vector<16xf32>, vector<16xi1> -> vector<16xf32>
        %reduce_max3A_463 = vector.extract %reduce_max3A_462[15] : f32 from vector<16xf32>
        %sub3A_464 = vector.broadcast %reduce_max3A_463 : f32 to vector<16xf32>
        %sub3A_465 = arith.subf %select_n3A_454, %sub3A_464 : vector<16xf32>
        %exp3A_466 = math.exp %sub3A_465 : vector<16xf32>
        %reduce_sum3A = arith.constant true
        %reduce_sum3A_467 = vector.broadcast %reduce_sum3A : i1 to vector<16xi1>
        %reduce_sum3A_468 = tpu.scan <sum>, %exp3A masked %reduce_sum3A_467 : vector<16xf32>, vector<16xi1> -> vector<16xf32>
        %reduce_sum3A_469 = vector.extract %reduce_sum3A_468[15] : f32 from vector<16xf32>
        %broadcast_in_dim3A_470 = vector.broadcast %reduce_sum3A_469 : f32 to vector<16xf32>
        %div3A = arith.divf %exp3A, %broadcast_in_dim3A_470 : vector<16xf32>
        %reduce_sum3A_471 = arith.constant true
        %reduce_sum3A_472 = vector.broadcast %reduce_sum3A_471 : i1 to vector<16xi1>
        %reduce_sum3A_473 = tpu.scan <sum>, %exp3A_466 masked %reduce_sum3A_472 : vector<16xf32>, vector<16xi1> -> vector<16xf32>
        %reduce_sum3A_474 = vector.extract %reduce_sum3A_473[15] : f32 from vector<16xf32>
        %broadcast_in_dim3A_475 = vector.broadcast %reduce_sum3A_474 : f32 to vector<16xf32>
        %div3A_476 = arith.divf %exp3A_466, %broadcast_in_dim3A_475 : vector<16xf32>
        %mul3A_477 = arith.mulf %div3A, %get3A_14 : vector<16xf32>
        %reduce_sum3A_478 = arith.constant true
        %reduce_sum3A_479 = vector.broadcast %reduce_sum3A_478 : i1 to vector<16xi1>
        %reduce_sum3A_480 = tpu.scan <sum>, %mul3A_477 masked %reduce_sum3A_479 : vector<16xf32>, vector<16xi1> -> vector<16xf32>
        %reduce_sum3A_481 = vector.extract %reduce_sum3A_480[15] : f32 from vector<16xf32>
        %mul3A_482 = arith.mulf %div3A_476, %get3A_18 : vector<16xf32>
        %reduce_sum3A_483 = arith.constant true
        %reduce_sum3A_484 = vector.broadcast %reduce_sum3A_483 : i1 to vector<16xi1>
        %reduce_sum3A_485 = tpu.scan <sum>, %mul3A_482 masked %reduce_sum3A_484 : vector<16xf32>, vector<16xi1> -> vector<16xf32>
        %reduce_sum3A_486 = vector.extract %reduce_sum3A_485[15] : f32 from vector<16xf32>
        %add3A_487 = arith.addf %reduce_sum3A_481, %reduce_sum3A_486 : f32
        %add3A_488 = arith.addf %add3A_487, %squeeze3A : f32
        %mul3A_489 = arith.mulf %div3A, %get3A_22 : vector<16xf32>
        %reduce_sum3A_490 = arith.constant true
        %reduce_sum3A_491 = vector.broadcast %reduce_sum3A_490 : i1 to vector<16xi1>
        %reduce_sum3A_492 = tpu.scan <sum>, %mul3A_489 masked %reduce_sum3A_491 : vector<16xf32>, vector<16xi1> -> vector<16xf32>
        %reduce_sum3A_493 = vector.extract %reduce_sum3A_492[15] : f32 from vector<16xf32>
        %mul3A_494 = arith.mulf %div3A_476, %get3A_26 : vector<16xf32>
        %reduce_sum3A_495 = arith.constant true
        %reduce_sum3A_496 = vector.broadcast %reduce_sum3A_495 : i1 to vector<16xi1>
        %reduce_sum3A_497 = tpu.scan <sum>, %mul3A_494 masked %reduce_sum3A_496 : vector<16xf32>, vector<16xi1> -> vector<16xf32>
        %reduce_sum3A_498 = vector.extract %reduce_sum3A_497[15] : f32 from vector<16xf32>
        %add3A_499 = arith.addf %reduce_sum3A_493, %reduce_sum3A_498 : f32
        %add3A_500 = arith.addf %add3A_499, %squeeze3A_32 : f32
        %sub3A_501 = arith.subf %add3A_500, %add3A_488 : f32
        %broadcast_in_dim3A_502 = vector.broadcast %sub3A_501 : f32 to vector<16xf32>
        %exp3A_503 = math.exp %broadcast_in_dim3A_502 : vector<16xf32>
        %add3A_504 = arith.constant 1.000000e+00 : f32
        %add3A_505 = vector.broadcast %add3A_504 : f32 to vector<16xf32>
        %add3A_506 = arith.addf %add3A_505, %exp3A_503 : vector<16xf32>
        %div3A_507 = arith.constant 1.000000e+00 : f32
        %div3A_508 = vector.broadcast %div3A_507 : f32 to vector<16xf32>
        %div3A_509 = arith.divf %div3A_508, %add3A_506 : vector<16xf32>
        %mul3A_510 = arith.mulf %div3A, %div3A_509 : vector<16xf32>
        %sub3A_511 = arith.constant 1.000000e+00 : f32
        %sub3A_512 = vector.broadcast %sub3A_511 : f32 to vector<16xf32>
        %sub3A_513 = arith.subf %sub3A_512, %div3A_509 : vector<16xf32>
        %mul3A_514 = arith.mulf %div3A_476, %sub3A_513 : vector<16xf32>
        %broadcast_in_dim3A_515 = arith.constant 0.000000e+00 : f32
        %broadcast_in_dim3A_516 = vector.broadcast %broadcast_in_dim3A_515 : f32 to vector<16xf32>
        %broadcast_in_dim3A_517 = arith.constant 0.000000e+00 : f32
        %broadcast_in_dim3A_518 = vector.broadcast %broadcast_in_dim3A_517 : f32 to vector<16xf32>
        %broadcast_in_dim3A_519 = arith.constant 0.000000e+00 : f32
        %broadcast_in_dim3A_520 = vector.broadcast %broadcast_in_dim3A_519 : f32 to vector<16xf32>
        %broadcast_in_dim3A_521 = arith.constant 0.000000e+00 : f32
        %broadcast_in_dim3A_522 = vector.broadcast %broadcast_in_dim3A_521 : f32 to vector<16xf32>
        %broadcast_in_dim3A_523 = arith.constant 0.000000e+00 : f32
        %broadcast_in_dim3A_524 = vector.broadcast %broadcast_in_dim3A_523 : f32 to vector<16xf32>
        %broadcast_in_dim3A_525 = arith.constant 0.000000e+00 : f32
        %broadcast_in_dim3A_526 = vector.broadcast %broadcast_in_dim3A_525 : f32 to vector<16xf32>
        %broadcast_in_dim3A_527 = arith.constant 0.000000e+00 : f32
        %broadcast_in_dim3A_528 = vector.broadcast %broadcast_in_dim3A_527 : f32 to vector<16xf32>
        %broadcast_in_dim3A_529 = arith.constant 0.000000e+00 : f32
        %broadcast_in_dim3A_530 = vector.broadcast %broadcast_in_dim3A_529 : f32 to vector<16xf32>
        %scan3A_531 = arith.constant 0 : i32
        %scan3A_532 = arith.constant 7 : i32
        %scan3A_533 = arith.addi %scan3A_531, %scan3A_532 : i32
        %scan3A_534 = arith.constant 1 : i32
        %scan3A_535:8 = scf.for %scan3A_567 = %scan3A_531 to %scan3A_533 step %scan3A_534 iter_args(%scan3A_568 = %broadcast_in_dim3A_516, %scan3A_569 = %broadcast_in_dim3A_518, %scan3A_570 = %broadcast_in_dim3A_520, %scan3A_571 = %broadcast_in_dim3A_522, %scan3A_572 = %broadcast_in_dim3A_524, %scan3A_573 = %broadcast_in_dim3A_526, %scan3A_574 = %broadcast_in_dim3A_528, %scan3A_575 = %broadcast_in_dim3A_530) -> (vector<16xf32>, vector<16xf32>, vector<16xf32>, vector<16xf32>, vector<16xf32>, vector<16xf32>, vector<16xf32>, vector<16xf32>)  : i32 {
          %eq3A = vector.broadcast %scan3A_567 : i32 to vector<16xi32>
          %eq3A_576 = arith.cmpi eq, %iota3A, %eq3A : vector<16xi32>
          %jit3A_577 = arith.constant 0.000000e+00 : f32
          %broadcast_in_dim3A_578 = vector.broadcast %jit3A_577 : f32 to vector<16xf32>
          %select_n3A_579 = arith.select %eq3A_576, %mul3A_510, %broadcast_in_dim3A_578 : vector<16xi1>, vector<16xf32>
          %reduce_sum3A_580 = arith.constant true
          %reduce_sum3A_581 = vector.broadcast %reduce_sum3A_580 : i1 to vector<16xi1>
          %reduce_sum3A_582 = tpu.scan <sum>, %select_n3A_579 masked %reduce_sum3A_581 : vector<16xf32>, vector<16xi1> -> vector<16xf32>
          %reduce_sum3A_583 = vector.extract %reduce_sum3A_582[15] : f32 from vector<16xf32>
          %add3A_584 = arith.constant 0 : i32
          %add3A_585 = arith.addi %add3A_584, %scan3A_567 : i32
          %mul3A_586 = arith.constant 8 : i32
          %mul3A_587 = arith.muli %add3A_585, %mul3A_586 : i32
          %add3A_588 = arith.addi %mul3A_587, %scan3A_317 : i32
          %get3A_589 = arith.index_cast %add3A_588 : i32 to index
          %get3A_590 = arith.constant 0 : index
          %get3A_591 = tpu.vector_load %arg15[%get3A_589, %get3A_590] {strides = array<i32>} : memref<136x128xf32, #tpu.memory_space<vmem>>, vector<16xf32>,
          %mul3A_592 = vector.broadcast %reduce_sum3A_583 : f32 to vector<16xf32>
          %mul3A_593 = arith.mulf %mul3A_592, %get3A_591 : vector<16xf32>
          %add3A_594 = arith.addf %scan3A_568, %mul3A_593 : vector<16xf32>
          %get3A_595 = arith.index_cast %add3A_588 : i32 to index
          %get3A_596 = arith.constant 16 : index
          %get3A_597 = tpu.vector_load %arg15[%get3A_595, %get3A_596] {strides = array<i32>} : memref<136x128xf32, #tpu.memory_space<vmem>>, vector<16xf32>,
          %mul3A_598 = vector.broadcast %reduce_sum3A_583 : f32 to vector<16xf32>
          %mul3A_599 = arith.mulf %mul3A_598, %get3A_597 : vector<16xf32>
          %add3A_600 = arith.addf %scan3A_569, %mul3A_599 : vector<16xf32>
          %get3A_601 = arith.index_cast %add3A_588 : i32 to index
          %get3A_602 = arith.constant 32 : index
          %get3A_603 = tpu.vector_load %arg15[%get3A_601, %get3A_602] {strides = array<i32>} : memref<136x128xf32, #tpu.memory_space<vmem>>, vector<16xf32>,
          %mul3A_604 = vector.broadcast %reduce_sum3A_583 : f32 to vector<16xf32>
          %mul3A_605 = arith.mulf %mul3A_604, %get3A_603 : vector<16xf32>
          %add3A_606 = arith.addf %scan3A_570, %mul3A_605 : vector<16xf32>
          %get3A_607 = arith.index_cast %add3A_588 : i32 to index
          %get3A_608 = arith.constant 48 : index
          %get3A_609 = tpu.vector_load %arg15[%get3A_607, %get3A_608] {strides = array<i32>} : memref<136x128xf32, #tpu.memory_space<vmem>>, vector<16xf32>,
          %mul3A_610 = vector.broadcast %reduce_sum3A_583 : f32 to vector<16xf32>
          %mul3A_611 = arith.mulf %mul3A_610, %get3A_609 : vector<16xf32>
          %add3A_612 = arith.addf %scan3A_571, %mul3A_611 : vector<16xf32>
          %get3A_613 = arith.index_cast %add3A_588 : i32 to index
          %get3A_614 = arith.constant 64 : index
          %get3A_615 = tpu.vector_load %arg15[%get3A_613, %get3A_614] {strides = array<i32>} : memref<136x128xf32, #tpu.memory_space<vmem>>, vector<16xf32>,
          %mul3A_616 = vector.broadcast %reduce_sum3A_583 : f32 to vector<16xf32>
          %mul3A_617 = arith.mulf %mul3A_616, %get3A_615 : vector<16xf32>
          %add3A_618 = arith.addf %scan3A_572, %mul3A_617 : vector<16xf32>
          %get3A_619 = arith.index_cast %add3A_588 : i32 to index
          %get3A_620 = arith.constant 80 : index
          %get3A_621 = tpu.vector_load %arg15[%get3A_619, %get3A_620] {strides = array<i32>} : memref<136x128xf32, #tpu.memory_space<vmem>>, vector<16xf32>,
          %mul3A_622 = vector.broadcast %reduce_sum3A_583 : f32 to vector<16xf32>
          %mul3A_623 = arith.mulf %mul3A_622, %get3A_621 : vector<16xf32>
          %add3A_624 = arith.addf %scan3A_573, %mul3A_623 : vector<16xf32>
          %get3A_625 = arith.index_cast %add3A_588 : i32 to index
          %get3A_626 = arith.constant 96 : index
          %get3A_627 = tpu.vector_load %arg15[%get3A_625, %get3A_626] {strides = array<i32>} : memref<136x128xf32, #tpu.memory_space<vmem>>, vector<16xf32>,
          %mul3A_628 = vector.broadcast %reduce_sum3A_583 : f32 to vector<16xf32>
          %mul3A_629 = arith.mulf %mul3A_628, %get3A_627 : vector<16xf32>
          %add3A_630 = arith.addf %scan3A_574, %mul3A_629 : vector<16xf32>
          %get3A_631 = arith.index_cast %add3A_588 : i32 to index
          %get3A_632 = arith.constant 112 : index
          %get3A_633 = tpu.vector_load %arg15[%get3A_631, %get3A_632] {strides = array<i32>} : memref<136x128xf32, #tpu.memory_space<vmem>>, vector<16xf32>,
          %mul3A_634 = vector.broadcast %reduce_sum3A_583 : f32 to vector<16xf32>
          %mul3A_635 = arith.mulf %mul3A_634, %get3A_633 : vector<16xf32>
          %add3A_636 = arith.addf %scan3A_575, %mul3A_635 : vector<16xf32>
          scf.yield %add3A_594, %add3A_600, %add3A_606, %add3A_612, %add3A_618, %add3A_624, %add3A_630, %add3A_636 : vector<16xf32>, vector<16xf32>, vector<16xf32>, vector<16xf32>, vector<16xf32>, vector<16xf32>, vector<16xf32>, vector<16xf32>
        }
        %scan3A_536 = arith.constant 7 : i32
        %scan3A_537 = arith.constant 0 : i32
        %scan3A_538 = arith.constant 10 : i32
        %scan3A_539 = arith.addi %scan3A_537, %scan3A_538 : i32
        %scan3A_540 = arith.constant 1 : i32
        %scan3A_541:8 = scf.for %scan3A_567 = %scan3A_537 to %scan3A_539 step %scan3A_540 iter_args(%scan3A_568 = %scan3A_535#0, %scan3A_569 = %scan3A_535#1, %scan3A_570 = %scan3A_535#2, %scan3A_571 = %scan3A_535#3, %scan3A_572 = %scan3A_535#4, %scan3A_573 = %scan3A_535#5, %scan3A_574 = %scan3A_535#6, %scan3A_575 = %scan3A_535#7) -> (vector<16xf32>, vector<16xf32>, vector<16xf32>, vector<16xf32>, vector<16xf32>, vector<16xf32>, vector<16xf32>, vector<16xf32>)  : i32 {
          %eq3A = vector.broadcast %scan3A_567 : i32 to vector<16xi32>
          %eq3A_576 = arith.cmpi eq, %iota3A, %eq3A : vector<16xi32>
          %jit3A_577 = arith.constant 0.000000e+00 : f32
          %broadcast_in_dim3A_578 = vector.broadcast %jit3A_577 : f32 to vector<16xf32>
          %select_n3A_579 = arith.select %eq3A_576, %mul3A_514, %broadcast_in_dim3A_578 : vector<16xi1>, vector<16xf32>
          %reduce_sum3A_580 = arith.constant true
          %reduce_sum3A_581 = vector.broadcast %reduce_sum3A_580 : i1 to vector<16xi1>
          %reduce_sum3A_582 = tpu.scan <sum>, %select_n3A_579 masked %reduce_sum3A_581 : vector<16xf32>, vector<16xi1> -> vector<16xf32>
          %reduce_sum3A_583 = vector.extract %reduce_sum3A_582[15] : f32 from vector<16xf32>
          %add3A_584 = arith.constant 7 : i32
          %add3A_585 = arith.addi %add3A_584, %scan3A_567 : i32
          %mul3A_586 = arith.constant 8 : i32
          %mul3A_587 = arith.muli %add3A_585, %mul3A_586 : i32
          %add3A_588 = arith.addi %mul3A_587, %scan3A_317 : i32
          %get3A_589 = arith.index_cast %add3A_588 : i32 to index
          %get3A_590 = arith.constant 0 : index
          %get3A_591 = tpu.vector_load %arg15[%get3A_589, %get3A_590] {strides = array<i32>} : memref<136x128xf32, #tpu.memory_space<vmem>>, vector<16xf32>,
          %mul3A_592 = vector.broadcast %reduce_sum3A_583 : f32 to vector<16xf32>
          %mul3A_593 = arith.mulf %mul3A_592, %get3A_591 : vector<16xf32>
          %add3A_594 = arith.addf %scan3A_568, %mul3A_593 : vector<16xf32>
          %get3A_595 = arith.index_cast %add3A_588 : i32 to index
          %get3A_596 = arith.constant 16 : index
          %get3A_597 = tpu.vector_load %arg15[%get3A_595, %get3A_596] {strides = array<i32>} : memref<136x128xf32, #tpu.memory_space<vmem>>, vector<16xf32>,
          %mul3A_598 = vector.broadcast %reduce_sum3A_583 : f32 to vector<16xf32>
          %mul3A_599 = arith.mulf %mul3A_598, %get3A_597 : vector<16xf32>
          %add3A_600 = arith.addf %scan3A_569, %mul3A_599 : vector<16xf32>
          %get3A_601 = arith.index_cast %add3A_588 : i32 to index
          %get3A_602 = arith.constant 32 : index
          %get3A_603 = tpu.vector_load %arg15[%get3A_601, %get3A_602] {strides = array<i32>} : memref<136x128xf32, #tpu.memory_space<vmem>>, vector<16xf32>,
          %mul3A_604 = vector.broadcast %reduce_sum3A_583 : f32 to vector<16xf32>
          %mul3A_605 = arith.mulf %mul3A_604, %get3A_603 : vector<16xf32>
          %add3A_606 = arith.addf %scan3A_570, %mul3A_605 : vector<16xf32>
          %get3A_607 = arith.index_cast %add3A_588 : i32 to index
          %get3A_608 = arith.constant 48 : index
          %get3A_609 = tpu.vector_load %arg15[%get3A_607, %get3A_608] {strides = array<i32>} : memref<136x128xf32, #tpu.memory_space<vmem>>, vector<16xf32>,
          %mul3A_610 = vector.broadcast %reduce_sum3A_583 : f32 to vector<16xf32>
          %mul3A_611 = arith.mulf %mul3A_610, %get3A_609 : vector<16xf32>
          %add3A_612 = arith.addf %scan3A_571, %mul3A_611 : vector<16xf32>
          %get3A_613 = arith.index_cast %add3A_588 : i32 to index
          %get3A_614 = arith.constant 64 : index
          %get3A_615 = tpu.vector_load %arg15[%get3A_613, %get3A_614] {strides = array<i32>} : memref<136x128xf32, #tpu.memory_space<vmem>>, vector<16xf32>,
          %mul3A_616 = vector.broadcast %reduce_sum3A_583 : f32 to vector<16xf32>
          %mul3A_617 = arith.mulf %mul3A_616, %get3A_615 : vector<16xf32>
          %add3A_618 = arith.addf %scan3A_572, %mul3A_617 : vector<16xf32>
          %get3A_619 = arith.index_cast %add3A_588 : i32 to index
          %get3A_620 = arith.constant 80 : index
          %get3A_621 = tpu.vector_load %arg15[%get3A_619, %get3A_620] {strides = array<i32>} : memref<136x128xf32, #tpu.memory_space<vmem>>, vector<16xf32>,
          %mul3A_622 = vector.broadcast %reduce_sum3A_583 : f32 to vector<16xf32>
          %mul3A_623 = arith.mulf %mul3A_622, %get3A_621 : vector<16xf32>
          %add3A_624 = arith.addf %scan3A_573, %mul3A_623 : vector<16xf32>
          %get3A_625 = arith.index_cast %add3A_588 : i32 to index
          %get3A_626 = arith.constant 96 : index
          %get3A_627 = tpu.vector_load %arg15[%get3A_625, %get3A_626] {strides = array<i32>} : memref<136x128xf32, #tpu.memory_space<vmem>>, vector<16xf32>,
          %mul3A_628 = vector.broadcast %reduce_sum3A_583 : f32 to vector<16xf32>
          %mul3A_629 = arith.mulf %mul3A_628, %get3A_627 : vector<16xf32>
          %add3A_630 = arith.addf %scan3A_574, %mul3A_629 : vector<16xf32>
          %get3A_631 = arith.index_cast %add3A_588 : i32 to index
          %get3A_632 = arith.constant 112 : index
          %get3A_633 = tpu.vector_load %arg15[%get3A_631, %get3A_632] {strides = array<i32>} : memref<136x128xf32, #tpu.memory_space<vmem>>, vector<16xf32>,
          %mul3A_634 = vector.broadcast %reduce_sum3A_583 : f32 to vector<16xf32>
          %mul3A_635 = arith.mulf %mul3A_634, %get3A_633 : vector<16xf32>
          %add3A_636 = arith.addf %scan3A_575, %mul3A_635 : vector<16xf32>
          scf.yield %add3A_594, %add3A_600, %add3A_606, %add3A_612, %add3A_618, %add3A_624, %add3A_630, %add3A_636 : vector<16xf32>, vector<16xf32>, vector<16xf32>, vector<16xf32>, vector<16xf32>, vector<16xf32>, vector<16xf32>, vector<16xf32>
        }
        %scan3A_542 = arith.constant 10 : i32
        %swap3A = arith.index_cast %add3A_321 : i32 to index
        %swap3A_543 = arith.constant 0 : index
        %swap3A_544 = tpu.vector_load %arg19[%swap3A, %swap3A_543] {strides = array<i32>} : memref<128x128xf32, #tpu.memory_space<vmem>>, vector<16xf32>,
        tpu.vector_store %arg19[%swap3A, %swap3A_543], %scan3A_541#0 {strides = array<i32>} : memref<128x128xf32, #tpu.memory_space<vmem>>, vector<16xf32>,
        %swap3A_545 = arith.index_cast %add3A_321 : i32 to index
        %swap3A_546 = arith.constant 16 : index
        %swap3A_547 = tpu.vector_load %arg19[%swap3A_545, %swap3A_546] {strides = array<i32>} : memref<128x128xf32, #tpu.memory_space<vmem>>, vector<16xf32>,
        tpu.vector_store %arg19[%swap3A_545, %swap3A_546], %scan3A_541#1 {strides = array<i32>} : memref<128x128xf32, #tpu.memory_space<vmem>>, vector<16xf32>,
        %swap3A_548 = arith.index_cast %add3A_321 : i32 to index
        %swap3A_549 = arith.constant 32 : index
        %swap3A_550 = tpu.vector_load %arg19[%swap3A_548, %swap3A_549] {strides = array<i32>} : memref<128x128xf32, #tpu.memory_space<vmem>>, vector<16xf32>,
        tpu.vector_store %arg19[%swap3A_548, %swap3A_549], %scan3A_541#2 {strides = array<i32>} : memref<128x128xf32, #tpu.memory_space<vmem>>, vector<16xf32>,
        %swap3A_551 = arith.index_cast %add3A_321 : i32 to index
        %swap3A_552 = arith.constant 48 : index
        %swap3A_553 = tpu.vector_load %arg19[%swap3A_551, %swap3A_552] {strides = array<i32>} : memref<128x128xf32, #tpu.memory_space<vmem>>, vector<16xf32>,
        tpu.vector_store %arg19[%swap3A_551, %swap3A_552], %scan3A_541#3 {strides = array<i32>} : memref<128x128xf32, #tpu.memory_space<vmem>>, vector<16xf32>,
        %swap3A_554 = arith.index_cast %add3A_321 : i32 to index
        %swap3A_555 = arith.constant 64 : index
        %swap3A_556 = tpu.vector_load %arg19[%swap3A_554, %swap3A_555] {strides = array<i32>} : memref<128x128xf32, #tpu.memory_space<vmem>>, vector<16xf32>,
        tpu.vector_store %arg19[%swap3A_554, %swap3A_555], %scan3A_541#4 {strides = array<i32>} : memref<128x128xf32, #tpu.memory_space<vmem>>, vector<16xf32>,
        %swap3A_557 = arith.index_cast %add3A_321 : i32 to index
        %swap3A_558 = arith.constant 80 : index
        %swap3A_559 = tpu.vector_load %arg19[%swap3A_557, %swap3A_558] {strides = array<i32>} : memref<128x128xf32, #tpu.memory_space<vmem>>, vector<16xf32>,
        tpu.vector_store %arg19[%swap3A_557, %swap3A_558], %scan3A_541#5 {strides = array<i32>} : memref<128x128xf32, #tpu.memory_space<vmem>>, vector<16xf32>,
        %swap3A_560 = arith.index_cast %add3A_321 : i32 to index
        %swap3A_561 = arith.constant 96 : index
        %swap3A_562 = tpu.vector_load %arg19[%swap3A_560, %swap3A_561] {strides = array<i32>} : memref<128x128xf32, #tpu.memory_space<vmem>>, vector<16xf32>,
        tpu.vector_store %arg19[%swap3A_560, %swap3A_561], %scan3A_541#6 {strides = array<i32>} : memref<128x128xf32, #tpu.memory_space<vmem>>, vector<16xf32>,
        %swap3A_563 = arith.index_cast %add3A_321 : i32 to index
        %swap3A_564 = arith.constant 112 : index
        %swap3A_565 = tpu.vector_load %arg19[%swap3A_563, %swap3A_564] {strides = array<i32>} : memref<128x128xf32, #tpu.memory_space<vmem>>, vector<16xf32>,
        tpu.vector_store %arg19[%swap3A_563, %swap3A_564], %scan3A_541#7 {strides = array<i32>} : memref<128x128xf32, #tpu.memory_space<vmem>>, vector<16xf32>,
        %scan3A_566 = arith.constant 0 : i32
        scf.yield %scan3A_566 : i32
      }
      %scan3A_315 = arith.constant 8 : i32
      %scan3A_316 = arith.constant 0 : i32
      scf.yield %scan3A_316 : i32
    }
    %scan3A_79 = arith.constant 8 : i32
    %min3A_80 = arith.constant 15 : i32
    %min3A_81 = arith.constant 15 : i32
    %min3A_82 = arith.minsi %min3A_80, %min3A_81 : i32
    %dma_wait3A = arith.constant 0 : i32
    %dma_wait3A_83 = arith.constant 0 : i32
    %dma_wait3A_84 = arith.constant 0 : i32
    %dma_wait3A_85 = tpu.memref_slice %arg12[%dma_wait3A_83, %dma_wait3A_84] : memref<136x112xf32, #tpu.memory_space<vmem>> -> memref<68x112xf32, #tpu.memory_space<vmem>>
    %dma_wait3A_86 = arith.constant 0 : i32
    %dma_wait3A_87 = tpu.memref_slice %arg10[%min3A_82, %dma_wait3A, %dma_wait3A_86] : memref<16x2x68xi32, #tpu.memory_space<vmem>> -> memref<1x1x68xi32, #tpu.memory_space<vmem>>
    %dma_wait3A_88 = tpu.memref_squeeze %dma_wait3A_87 : memref<1x1x68xi32, #tpu.memory_space<vmem>> -> memref<68xi32, #tpu.memory_space<vmem>>
    %dma_wait3A_89 = arith.constant 0 : i32
    %dma_wait3A_90 = arith.constant 0 : i32
    %dma_wait3A_91 = tpu.memref_slice %arg2[%dma_wait3A_89, %dma_wait3A_90] : memref<65536x112xf32, #tpu.memory_space<hbm>> -> memref<65536x112xf32, #tpu.memory_space<hbm>>
    tpu.wait_indirect_dma semaphore(%arg20 : memref<!tpu.dma_semaphore, #tpu.memory_space<semaphore_mem>>) src(%dma_wait3A_91 : memref<65536x112xf32, #tpu.memory_space<hbm>>) dst(%dma_wait3A_85 : memref<68x112xf32, #tpu.memory_space<vmem>>)
    %dma_wait3A_92 = arith.constant 1 : i32
    %dma_wait3A_93 = arith.constant 68 : i32
    %dma_wait3A_94 = arith.constant 0 : i32
    %dma_wait3A_95 = tpu.memref_slice %arg12[%dma_wait3A_93, %dma_wait3A_94] : memref<136x112xf32, #tpu.memory_space<vmem>> -> memref<68x112xf32, #tpu.memory_space<vmem>>
    %dma_wait3A_96 = arith.constant 0 : i32
    %dma_wait3A_97 = tpu.memref_slice %arg10[%min3A_82, %dma_wait3A_92, %dma_wait3A_96] : memref<16x2x68xi32, #tpu.memory_space<vmem>> -> memref<1x1x68xi32, #tpu.memory_space<vmem>>
    %dma_wait3A_98 = tpu.memref_squeeze %dma_wait3A_97 : memref<1x1x68xi32, #tpu.memory_space<vmem>> -> memref<68xi32, #tpu.memory_space<vmem>>
    %dma_wait3A_99 = arith.constant 0 : i32
    %dma_wait3A_100 = arith.constant 0 : i32
    %dma_wait3A_101 = tpu.memref_slice %arg2[%dma_wait3A_99, %dma_wait3A_100] : memref<65536x112xf32, #tpu.memory_space<hbm>> -> memref<65536x112xf32, #tpu.memory_space<hbm>>
    tpu.wait_indirect_dma semaphore(%arg20 : memref<!tpu.dma_semaphore, #tpu.memory_space<semaphore_mem>>) src(%dma_wait3A_101 : memref<65536x112xf32, #tpu.memory_space<hbm>>) dst(%dma_wait3A_95 : memref<68x112xf32, #tpu.memory_space<vmem>>)
    %dma_wait3A_102 = arith.constant 0 : i32
    %dma_wait3A_103 = arith.constant 0 : i32
    %dma_wait3A_104 = arith.constant 0 : i32
    %dma_wait3A_105 = tpu.memref_slice %arg14[%dma_wait3A_103, %dma_wait3A_104] : memref<136x128xf32, #tpu.memory_space<vmem>> -> memref<68x128xf32, #tpu.memory_space<vmem>>
    %dma_wait3A_106 = arith.constant 0 : i32
    %dma_wait3A_107 = tpu.memref_slice %arg11[%min3A_82, %dma_wait3A_102, %dma_wait3A_106] : memref<16x2x68xi32, #tpu.memory_space<vmem>> -> memref<1x1x68xi32, #tpu.memory_space<vmem>>
    %dma_wait3A_108 = tpu.memref_squeeze %dma_wait3A_107 : memref<1x1x68xi32, #tpu.memory_space<vmem>> -> memref<68xi32, #tpu.memory_space<vmem>>
    %dma_wait3A_109 = arith.constant 0 : i32
    %dma_wait3A_110 = arith.constant 0 : i32
    %dma_wait3A_111 = tpu.memref_slice %arg3[%dma_wait3A_109, %dma_wait3A_110] : memref<100000x128xf32, #tpu.memory_space<hbm>> -> memref<100000x128xf32, #tpu.memory_space<hbm>>
    tpu.wait_indirect_dma semaphore(%arg22 : memref<!tpu.dma_semaphore, #tpu.memory_space<semaphore_mem>>) src(%dma_wait3A_111 : memref<100000x128xf32, #tpu.memory_space<hbm>>) dst(%dma_wait3A_105 : memref<68x128xf32, #tpu.memory_space<vmem>>)
    %dma_wait3A_112 = arith.constant 1 : i32
    %dma_wait3A_113 = arith.constant 68 : i32
    %dma_wait3A_114 = arith.constant 0 : i32
    %dma_wait3A_115 = tpu.memref_slice %arg14[%dma_wait3A_113, %dma_wait3A_114] : memref<136x128xf32, #tpu.memory_space<vmem>> -> memref<68x128xf32, #tpu.memory_space<vmem>>
    %dma_wait3A_116 = arith.constant 0 : i32
    %dma_wait3A_117 = tpu.memref_slice %arg11[%min3A_82, %dma_wait3A_112, %dma_wait3A_116] : memref<16x2x68xi32, #tpu.memory_space<vmem>> -> memref<1x1x68xi32, #tpu.memory_space<vmem>>
    %dma_wait3A_118 = tpu.memref_squeeze %dma_wait3A_117 : memref<1x1x68xi32, #tpu.memory_space<vmem>> -> memref<68xi32, #tpu.memory_space<vmem>>
    %dma_wait3A_119 = arith.constant 0 : i32
    %dma_wait3A_120 = arith.constant 0 : i32
    %dma_wait3A_121 = tpu.memref_slice %arg3[%dma_wait3A_119, %dma_wait3A_120] : memref<100000x128xf32, #tpu.memory_space<hbm>> -> memref<100000x128xf32, #tpu.memory_space<hbm>>
    tpu.wait_indirect_dma semaphore(%arg22 : memref<!tpu.dma_semaphore, #tpu.memory_space<semaphore_mem>>) src(%dma_wait3A_121 : memref<100000x128xf32, #tpu.memory_space<hbm>>) dst(%dma_wait3A_115 : memref<68x128xf32, #tpu.memory_space<vmem>>)
    %mul3A_122 = arith.constant 128 : i32
    %mul3A_123 = arith.muli %add3A, %mul3A_122 : i32
    "tpu.region"() ({
      %run_scoped3A = tpu.sem_alloc : memref<!tpu.dma_semaphore, #tpu.memory_space<semaphore_mem>>
      %dma_start3A_124 = arith.constant 0 : i32
      %dma_start3A_125 = tpu.memref_slice %arg9[%mul3A_123, %dma_start3A_124] : memref<4096x128xf32, #tpu.memory_space<hbm>> -> memref<128x128xf32, #tpu.memory_space<hbm>>
      %dma_start3A_126 = arith.constant 0 : i32
      %dma_start3A_127 = tpu.memref_slice %arg9[%mul3A_123, %dma_start3A_126] : memref<4096x128xf32, #tpu.memory_space<hbm>> -> memref<128x128xf32, #tpu.memory_space<hbm>>
      tpu.enqueue_dma source(%arg19 : memref<128x128xf32, #tpu.memory_space<vmem>>) target(%dma_start3A_127 : memref<128x128xf32, #tpu.memory_space<hbm>>) target_semaphore(%run_scoped3A : memref<!tpu.dma_semaphore, #tpu.memory_space<semaphore_mem>>)
      %dma_wait3A_128 = arith.constant 0 : i32
      %dma_wait3A_129 = tpu.memref_slice %arg9[%mul3A_123, %dma_wait3A_128] : memref<4096x128xf32, #tpu.memory_space<hbm>> -> memref<128x128xf32, #tpu.memory_space<hbm>>
      %dma_wait3A_130 = arith.constant 0 : i32
      %dma_wait3A_131 = tpu.memref_slice %arg9[%mul3A_123, %dma_wait3A_130] : memref<4096x128xf32, #tpu.memory_space<hbm>> -> memref<128x128xf32, #tpu.memory_space<hbm>>
      tpu.wait_dma2 semaphore(%run_scoped3A : memref<!tpu.dma_semaphore, #tpu.memory_space<semaphore_mem>>) src(%arg19 : memref<128x128xf32, #tpu.memory_space<vmem>>) dst(%dma_wait3A_131 : memref<128x128xf32, #tpu.memory_space<hbm>>)
      tpu.yield
    }) : () -> ()
    return
  }
}

module attributes {stable_mosaic.version = 14 : i64} {
  func.func @_proj_body(%arg0: i32, %arg1: memref<512x112xf32, #tpu.memory_space<vmem>>, %arg2: memref<112x112xf32, #tpu.memory_space<vmem>>, %arg3: memref<112x112xf32, #tpu.memory_space<vmem>>, %arg4: memref<512x112xf32, #tpu.memory_space<vmem>>, %arg5: memref<512x112xf32, #tpu.memory_space<vmem>>) attributes {dimension_semantics = [#tpu.dimension_semantics<arbitrary>], iteration_bounds = array<i64: 8>, scalar_prefetch = 0 : i64, scratch_operands = 0 : i64, tpu.core_type = #tpu.core_type<tc>, window_params = [{transform_indices = @transform_0, window_bounds = array<i64: 512, 112>}, {pipeline_mode = #tpu.pipeline_mode<synchronous>, transform_indices = @transform_1, window_bounds = array<i64: 112, 112>}, {pipeline_mode = #tpu.pipeline_mode<synchronous>, transform_indices = @transform_2, window_bounds = array<i64: 112, 112>}, {transform_indices = @transform_3, window_bounds = array<i64: 512, 112>}, {transform_indices = @transform_4, window_bounds = array<i64: 512, 112>}]} {
    %get3A = arith.constant 0 : index
    %get3A_0 = arith.constant 0 : index
    %get3A_1 = vector.load %arg1[%get3A, %get3A_0] : memref<512x112xf32, #tpu.memory_space<vmem>>, vector<512x112xf32>
    %mul3A = arith.mulf %get3A_1, %get3A_1 : vector<512x112xf32>
    %reduce_sum3A = arith.constant dense<0.000000e+00> : vector<512xf32>
    %reduce_sum3A_2 = vector.multi_reduction <add>, %mul3A, %reduce_sum3A [1] : vector<512x112xf32> to vector<512xf32>
    %broadcast_in_dim3A = vector.shape_cast %reduce_sum3A_2 : vector<512xf32> to vector<512x1xf32>
    %sqrt3A = math.sqrt %broadcast_in_dim3A : vector<512x1xf32>
    %max3A = arith.constant 9.99999996E-13 : f32
    %max3A_3 = vector.broadcast %max3A : f32 to vector<512x1xf32>
    %max3A_4 = arith.maximumf %sqrt3A, %max3A_3 : vector<512x1xf32>
    %div3A = vector.broadcast %max3A_4 : vector<512x1xf32> to vector<512x112xf32>
    %div3A_5 = arith.divf %get3A_1, %div3A : vector<512x112xf32>
    %get3A_6 = arith.constant 0 : index
    %get3A_7 = arith.constant 0 : index
    %get3A_8 = vector.load %arg2[%get3A_6, %get3A_7] : memref<112x112xf32, #tpu.memory_space<vmem>>, vector<112x112xf32>
    %dot_general3A = arith.constant dense<0.000000e+00> : vector<512x112xf32>
    %dot_general3A_9 = tpu.matmul %div3A_5, %get3A_8, %dot_general3A {dimension_numbers = #tpu.dot_dimension_numbers<[1], [0], [0], [1], [0, 0, 1, 1], [], []>, transpose_lhs_hint = false} : vector<512x112xf32>, vector<112x112xf32>, vector<512x112xf32> -> vector<512x112xf32>
    %swap3A = arith.constant 0 : index
    %swap3A_10 = arith.constant 0 : index
    %swap3A_11 = vector.load %arg4[%swap3A, %swap3A_10] : memref<512x112xf32, #tpu.memory_space<vmem>>, vector<512x112xf32>
    tpu.vector_store %arg4[%swap3A, %swap3A_10], %dot_general3A_9 {strides = array<i32>} : memref<512x112xf32, #tpu.memory_space<vmem>>, vector<512x112xf32>,
    %get3A_12 = arith.constant 0 : index
    %get3A_13 = arith.constant 0 : index
    %get3A_14 = vector.load %arg3[%get3A_12, %get3A_13] : memref<112x112xf32, #tpu.memory_space<vmem>>, vector<112x112xf32>
    %dot_general3A_15 = arith.constant dense<0.000000e+00> : vector<512x112xf32>
    %dot_general3A_16 = tpu.matmul %div3A_5, %get3A_14, %dot_general3A_15 {dimension_numbers = #tpu.dot_dimension_numbers<[1], [0], [0], [1], [0, 0, 1, 1], [], []>, transpose_lhs_hint = false} : vector<512x112xf32>, vector<112x112xf32>, vector<512x112xf32> -> vector<512x112xf32>
    %swap3A_17 = arith.constant 0 : index
    %swap3A_18 = arith.constant 0 : index
    %swap3A_19 = vector.load %arg5[%swap3A_17, %swap3A_18] : memref<512x112xf32, #tpu.memory_space<vmem>>, vector<512x112xf32>
    tpu.vector_store %arg5[%swap3A_17, %swap3A_18], %dot_general3A_16 {strides = array<i32>} : memref<512x112xf32, #tpu.memory_space<vmem>>, vector<512x112xf32>,
    return
  }
  func.func @transform_0(%arg0: i32) -> (i32, i32) {
    %c0_i32 = arith.constant 0 : i32
    %c0_i32_0 = arith.constant 0 : i32
    return %arg0, %c0_i32 : i32, i32
  }
  func.func @transform_1(%arg0: i32) -> (i32, i32) {
    %c0_i32 = arith.constant 0 : i32
    %c0_i32_0 = arith.constant 0 : i32
    %c0_i32_1 = arith.constant 0 : i32
    return %c0_i32, %c0_i32_0 : i32, i32
  }
  func.func @transform_2(%arg0: i32) -> (i32, i32) {
    %c0_i32 = arith.constant 0 : i32
    %c0_i32_0 = arith.constant 0 : i32
    %c0_i32_1 = arith.constant 0 : i32
    return %c0_i32, %c0_i32_0 : i32, i32
  }
  func.func @transform_3(%arg0: i32) -> (i32, i32) {
    %c0_i32 = arith.constant 0 : i32
    %c0_i32_0 = arith.constant 0 : i32
    return %arg0, %c0_i32 : i32, i32
  }
  func.func @transform_4(%arg0: i32) -> (i32, i32) {
    %c0_i32 = arith.constant 0 : i32
    %c0_i32_0 = arith.constant 0 : i32
    return %arg0, %c0_i32 : i32, i32
  }
}

</mosaic_0001>

<sc_bundles>
// kernel: kernel.5.cloned.1.call-start
scs
__scs_entry_jumppad:
0x0: {  	(pc) =	sbr.rel $0x88, $3  }
0x1: {  	(tag) =	ssettag $0x0;
	lr =	simm.s32 $0x1  }
0x2: {  	[smem:$0x3F96] =	sst lr;
	_ =	strace $0xD0000000  }
0x3: {  	_ = 	snop  }
0x4: {  	_ = 	snop  }
0x5: {  	_ = 	snop  }
0x6: {  	_ = 	snop  }
0x7: {  	_ = 	snop  }
__scs_overlays_trampoline_lowered:
0x8: {  	[smem:$0x3FA5] =	sst s0  }
0x9: {  	[smem:$0x3FA6] =	sst s1  }
0xa: {  	[smem:$0x3FA7] =	sst s2  }
0xb: {  	[smem:$0x3FA8] =	sst s3  }
0xc: {  	[smem:$0x3FA9] =	sst s4  }
0xd: {  	[smem:$0x3FAA] =	sst s5  }
0xe: {  	[smem:$0x3FAB] =	sst s6  }
0xf: {  	[smem:$0x3FAC] =	sst s7  }
0x10: {  	[smem:$0x3FAD] =	sst s8  }
0x11: {  	[smem:$0x3FAE] =	sst s9;
	s0 =	simm.s32 @!p0 $0x0  }
0x12: {  	s1 =	sld [smem:$0x3F94];
	s0 =	simm.s32 @p0 $0x1  }
0x13: {  	[smem:$0x3FAF] =	sst s0;
	s0 =	simm.s32 @!p1 $0x0  }
0x14: {  	s2 =	sld [smem:$0x3F93];
	s0 =	simm.s32 @p1 $0x1  }
0x15: {  	[smem:$0x3FB0] =	sst s0;
	s0 =	simm.s32 @!p2 $0x0  }
0x16: {  	s3 =	sld [smem:$0x3FDB];
	s0 =	simm.s32 @p2 $0x1  }
0x17: {  	s4 =	simm.s32 $0x1BF5;
	[smem:$0x3FB2] =	sst s0  }
0x18: {  	s0 =	sld [smem:$0x3F95];
	_ =	swait.ge [sflag:s4], $0x0  }
0x19: {  	s7 =	sld [smem:$0x3F96]  }
0x1a: {  	s8 =	sadd.s32 $0xFFFFE003, lr  }
0x1b: {  	s9 =	sadd.s32 $0xFFFFFEF7, lr;
	s5 =	simm.s32 $0xFFFFFFFF;
	p2 =	slt.u32 s8, $0xFFFFF086  }
0x1c: {  	p1 =	slt.u32 s9, $0xF7A;
	s5 =	simm.s32 @!p2 $0x0  }
0x1d: {  	s5 =	simm.s32 @p1 $0x1;
	p0 =	seq.s32 s7, s2  }
0x1e: {  	s7 =	smul.u32 @!p0 $0xF7A, s2;
	p2 =	seq.s32 @!p0 s5, $0x0  }
0x1f: {  	s9 =	smul.u32 $0xF7A, s1;
	s8 =	simm.s32 @!p0 $0x1BF5;
	p2 =	por !p2, p0  }
0x20: {  	[sflag:s8] =	ssyncset.s32 @!p0 $0xFFFFF086;
	s6 =	sadd.s32 @!p0 s3, s7;
	s7 =	simm.s32 @!p0 $0x108  }
0x21: {  	s3 =	sadd.s32 s3, s9;
	s6 =	sadd.s32 @!p0 $0x88, s6;
	s7 =	simm.s32 @p2 $0x1082  }
0x22: {  	[simem:s7], [sflag:s8] =	dma.local @!p0 [hbm:s6], $0xF7A  }
0x23: {  	s9 =	sor.u32 $0xD0000000, s2;
	s6 =	simm.s32 $0x108;
	_ =	swait.ge @!p0 [sflag:s8], $0x0  }
0x24: {  	s3 =	sadd.s32 $0x88, s3;
	s6 =	simm.s32 @!p1 $0x1082;
	[sflag:s4] =	ssyncset.s32 $0xFFFFF086  }
0x25: {  	[simem:s6], [sflag:s4] =	dma.local [hbm:s3], $0xF7A  }
0x26: {  	[smem:$0x3F96] =	sst s1;
	(tag) =	ssettag s2;
	_ =	strace s9  }
0x27: {  	s1 =	sld [smem:$0x3FA6]  }
0x28: {  	s2 =	sld [smem:$0x3FA7]  }
0x29: {  	s4 =	sld [smem:$0x3FA9]  }
0x2a: {  	p0 =	seq.s32 s5, $0x0;
	s5 =	sld [smem:$0x3FAA]  }
0x2b: {  	s6 =	sld [smem:$0x3FAB]  }
0x2c: {  	s7 =	sld [smem:$0x3FAC]  }
0x2d: {  	s3 =	simm.s32 $0x108;
	s8 =	sld [smem:$0x3FAD]  }
0x2e: {  	s3 =	simm.s32 @!p0 $0x1082;
	s9 =	sld [smem:$0x3FAE]  }
0x2f: {  	lr =	sadd.s32 s0, s3;
	s0 =	sld [smem:$0x3FA5]  }
0x30: {  	s3 =	sld [smem:$0x3FA8]  }
0x31: {  	[smem:$0x3FB1] =	sst s10  }
0x32: {  	s10 =	sld [smem:$0x3FAF];
	_ =	sdelay $0x3  }
0x33: {  	p0 =	seq.s32 s10, $0x1;
	s10 =	sld [smem:$0x3FB1];
	_ =	sdelay $0x3  }
0x34: {  	[smem:$0x3FB1] =	sst s10  }
0x35: {  	s10 =	sld [smem:$0x3FB0];
	_ =	sdelay $0x3  }
0x36: {  	p1 =	seq.s32 s10, $0x1;
	s10 =	sld [smem:$0x3FB1];
	_ =	sdelay $0x3  }
0x37: {  	[smem:$0x3FB1] =	sst s10  }
0x38: {  	s10 =	sld [smem:$0x3FB2]  }
0x39: {  	_ = 	snop;
	(pc) =	sbr.ind lr, $3  }
0x3a: {  	_ = 	snop  }
0x3b: {  	_ = 	snop  }
0x3c: {  	p2 =	seq.s32 s10, $0x1;
	s10 =	sld [smem:$0x3FB1]  }
0x3d: {  	_ =	shalt  }
0x3e: {  	_ =	shalt  }
0x3f: {  	_ =	shalt  }
0x40: {  	_ =	shalt  }
0x41: {  	_ =	shalt  }
0x42: {  	_ =	shalt  }
0x43: {  	_ =	shalt  }
0x44: {  	_ =	shalt  }
0x45: {  	_ =	shalt  }
0x46: {  	_ =	shalt  }
0x47: {  	_ =	shalt  }
0x48: {  	_ =	shalt  }
0x49: {  	_ =	shalt  }
0x4a: {  	_ =	shalt  }
0x4b: {  	_ =	shalt  }
0x4c: {  	_ =	shalt  }
0x4d: {  	_ =	shalt  }
0x4e: {  	_ =	shalt  }
0x4f: {  	_ =	shalt  }
0x50: {  	_ =	shalt  }
0x51: {  	_ =	shalt  }
0x52: {  	_ =	shalt  }
0x53: {  	_ =	shalt  }
0x54: {  	_ =	shalt  }
0x55: {  	_ =	shalt  }
0x56: {  	_ =	shalt  }
0x57: {  	_ =	shalt  }
0x58: {  	_ =	shalt  }
0x59: {  	_ =	shalt  }
0x5a: {  	_ =	shalt  }
0x5b: {  	_ =	shalt  }
0x5c: {  	_ =	shalt  }
0x5d: {  	_ =	shalt  }
0x5e: {  	_ =	shalt  }
0x5f: {  	_ =	shalt  }
0x60: {  	_ =	shalt  }
0x61: {  	_ =	shalt  }
0x62: {  	_ =	shalt  }
0x63: {  	_ =	shalt  }
0x64: {  	_ =	shalt  }
0x65: {  	_ =	shalt  }
0x66: {  	_ =	shalt  }
0x67: {  	_ =	shalt  }
0x68: {  	_ =	shalt  }
0x69: {  	_ =	shalt  }
0x6a: {  	_ =	shalt  }
0x6b: {  	_ =	shalt  }
0x6c: {  	_ =	shalt  }
0x6d: {  	_ =	shalt  }
0x6e: {  	_ =	shalt  }
0x6f: {  	_ =	shalt  }
0x70: {  	_ =	shalt  }
0x71: {  	_ =	shalt  }
0x72: {  	_ =	shalt  }
0x73: {  	_ =	shalt  }
0x74: {  	_ =	shalt  }
0x75: {  	_ =	shalt  }
0x76: {  	_ =	shalt  }
0x77: {  	_ =	shalt  }
0x78: {  	_ =	shalt  }
0x79: {  	_ =	shalt  }
0x7a: {  	_ =	shalt  }
0x7b: {  	_ =	shalt  }
0x7c: {  	_ =	shalt  }
0x7d: {  	_ =	shalt  }
0x7e: {  	_ =	shalt  }
0x7f: {  	_ =	shalt  }
0x80: {  	_ =	shalt  }
0x81: {  	_ =	shalt  }
0x82: {  	_ =	shalt  }
0x83: {  	_ =	shalt  }
0x84: {  	_ =	shalt  }
0x85: {  	_ =	shalt  }
0x86: {  	_ =	shalt  }
0x87: {  	_ =	shalt  }
.Lfunc_end0:
.L_simem_size_0:
called_computation_lowered:
.L_overlay_start_0:
0x88: {  	s2 =	sld [smem:$0x3FD9]  }
0x89: {  	s3 =	sld [smem:$0x3FFE];
	_ =	sdelay $0x1  }
0x8a: {  	s1 =	srdreg.scid  }
0x8b: {  	s0 =	sand.u32 $0x1, s1  }
0x8c: {  	s17 =	sshll.u32 s0, $0xA;
	s2 =	sadd.s32 s3, s2  }
0x8d: {  	s2 =	sadd.s32 s2, s17  }
0x8e: {  	[smem:$0x3FBD] =	sst s2  }
0x8f: {  	_ = 	snop  }
0x90: {  	s2 =	sld [smem:$0x3FC8]  }
0x91: {  	s18 =	sld [smem:$0x3FD0];
	(tm) =	ssettm $0x1  }
0x92: {  	s4 =	sld [smem:$0x3FFB];
	_ =	sdelay $0x3  }
0x93: {  	_ =	strace s4  }
0x94: {  	s4 =	sld [smem:$0x3FFC];
	_ =	sdelay $0x3  }
0x95: {  	_ =	strace s4  }
0x96: {  	s4 =	sld [smem:$0x3FFD];
	_ =	sdelay $0x3  }
0x97: {  	_ =	strace s4  }
0x98: {  	_ =	strace $0x8FFFFFFF  }
0x99: {  	s19 =	sld [smem:$0x3FDB];
	_ =	sdelay $0x1  }
0x9a: {  	s5 =	simm.s32 $_scs_section_size  }
0x9b: {  	s6 =	simm.s32 $_size__tile_overlayer_lowered;
	s7 =	simm.s32 $_tile_overlayer_lowered  }
0x9c: {  	s22 =	simm.s32 $0x1BFF;
	s21 =	sshll.u32 s7, $0x1;
	s4 =	sadd.s32 s5, s19  }
0x9d: {  	s8 =	simm.s32 $0x0;
	s20 =	sshll.u32 s6, $0x1;
	s6 =	sadd.s32 s21, s4  }
0x9e: {  	[timem:s8], [sflag:s22] =	dma.local [hbm:s6], s20  }
0x9f: {  	_ =	swait.ge [sflag:s22], s20  }
0xa0: {  	s5 =	ssub.s32 $0x0, s20;
	[sflag:s22] =	ssyncset.done $0x0  }
0xa1: {  	[sflag:s22] =	ssyncadd.s32 s5;
	_ =	sdelay $0x1  }
0xa2: {  	s23 =	simm.s32 $0x1B8B  }
0xa3: {  	_ =	swait.ge [sflag:s23], $0x1  }
0xa4: {  	[sflag:s23] =	ssyncset.done $0x0  }
0xa5: {  	s25 =	simm.s32 $0x1B8E;
	s24 =	sld [smem:$0x3FFE];
	[sflag:s23] =	ssyncadd.s32 $0xFFFFFFFF  }
0xa6: {  	s26 =	simm.s32 $execute0_lowered;
	[smem:$0x3FD2] =	sst s25  }
0xa7: {  	s6 =	sshll.u32 s26, $0x1;
	_ =	strace $0x80000046;
	[dreg:$0x1] =	wrdreg $0xFFFFFFFF  }
0xa8: {  	s28 =	simm.s32 $_size_execute0_lowered;
	s4 =	sadd.s32 s4, s6;
	[dreg:$0x0] =	wrdreg $0x0  }
0xa9: {  	s6 =	sshll.u32 s28, $0x1;
	[dreg:$0x2] =	wrdreg s4  }
0xaa: {  	[dreg:$0x3] =	wrdreg s6  }
0xab: {  	[dreg:$0x4] =	wrdreg $0xC0  }
0xac: {  	_ =	task [dreg:s8], $0x5FFFF  }
0xad: {  	[dreg:$0x1] =	wrdreg $0xFFFFFFFF  }
0xae: {  	[dreg:$0x0] =	wrdreg $0x60  }
0xaf: {  	[dreg:$0x2] =	wrdreg s2  }
0xb0: {  	[dreg:$0x3] =	wrdreg s24  }
0xb1: {  	[dreg:$0x4] =	wrdreg s18  }
0xb2: {  	[dreg:$0x5] =	wrdreg $0x9  }
0xb3: {  	_ =	task.clear_ibuf [dreg:s8], $0x6FFFF;
	_ =	strace $0x90000046  }
0xb4: {  	s29 =	simm.s32 $0x9;
	_ =	strace $0x80000048  }
0xb5: {  	_ =	swait.ge [sflag:s29], $0x1  }
0xb6: {  	[sflag:s29] =	ssyncadd.s32 $0xFFFFFFFF  }
0xb7: {  	_ =	strace $0x90000048  }
0xb8: {  	_ =	sfence  }
0xb9: {  	s30 =	sld [smem:$0x0];
	_ =	sdelay $0x2  }
0xba: {  	s31 =	sshll.u32 s1, $0xD;
	s1 =	sshrl.u32 s1, $0x2  }
0xbb: {  	s3 =	sand.u32 $0x4000, s31;
	s1 =	sadd.s32 s1, s30  }
0xbc: {  	s0 =	sor.u32 s3, s0;
	s1 =	sshll.u32 s1, $0x11  }
0xbd: {  	s0 =	sor.u32 s1, s0  }
0xbe: {  	s0 =	sadd.s32 $0x8F2B, s0  }
0xbf: {  	[sflag:s0] =	ssyncadd.remote.s32 $0x1  }
0xc0: {  	_ =	sfence.sel $0xFFFF  }
0xc1: {  	[dreg:$0x0] =	wrdreg $0xFFFFFFFF;
	(pc) =	sbr.abs _section_cstart, $3  }
0xc2: {  	[dreg:$0x1] =	wrdreg $0xFFFFFFFF  }
0xc3: {  	_ =	task.clear_ibuf [dreg:s8], $0x2FFFF;
	_ =	strace $0x9FFFFFFF  }
0xc4: {  	(tm) =	ssettm $0x7FFFFFFF  }
0xc5: {  	_ =	shalt  }
tec
execute0_lowered:
.L_overlay_start_1:
0x0: {  	(tag) =	ssettag $0x1  }
0x1: {  	s3 =	rddreg [dreg:$0x0]  }
0x2: {  	s1 =	srdreg.scid;
	s5 =	rddreg [dreg:$0x1]  }
0x3: {  	s0 =	stileid.u32;
	s8 =	rddreg [dreg:$0x2];
	s6 =	sand.u32 $0x1, s1  }
0x4: {  	s2 =	simm.s32 $0x0;
	s4 =	sshll.u32 s0, $0x8;
	s7 =	sshll.u32 s6, $0x7  }
0x5: {  	[smem:$0x7FF] =	sst s2;
	s9 =	sor.u32 s7, s4  }
0x6: {  	s1 =	rddreg [dreg:$0x3];
	_ =	strace $0x80000047;
	s4 =	sshrl.u32 s9, $0x3  }
0x7: {  	s10 =	ssub.s32 $0x2, s6;
	s4 =	sadd.s32 s3, s4;
	s3 =	simm.s32 $0x2  }
0x8: {  	[tilespmem:s2], [sflag:$0x2] =	stream.linear.gather [hbm4b:s4+s2], $0x80, $0x38;
	[tilespmem:$0x3880] =	vst v63  }
0x9: {  	s5 =	sadd.s32 $0x2000, s5;
	s11 =	sshrl.u32 s10, $0x1;
	_ =	swait.ge [sflag:s3], $0x80  }
0xa: {  	s6 =	simm.s32 $0x80;
	s10 =	ssub.s32 s10, s11;
	[sflag:s3] =	ssyncset.done $0x0  }
0xb: {  	s7 =	simm.s32 $0x1;
	s31 =	smax.u32 s10, $0x1;
	[sflag:s3] =	ssyncadd.s32 $0xFFFFFF80  }
0xc: {  	[tilespmem:s6], [sflag:$0x1] =	stream.indirect.gather [hbm4b:s5+s6], $0x70, s2, s6, $0xb8;
	[tilespmem:$0x3880] =	vst v63  }
0xd: {  	s9 =	smul.u32 $0xE, s9;
	p0 =	sne.s32 s31, $0x1;
	_ =	swait.ge [sflag:s7], $0x3800  }
.Ltmp0:
0xe: {  	[sflag:s7] =	ssyncset.done $0x0;
	(pc) =	sbr.rel @!p0 .LBB2_2-.Ltmp0, $4  }
0xf: {  	s8 =	sadd.s32 s8, s9;
	[sflag:s7] =	ssyncadd.s32 $0xFFFFC800  }
0x10: {  	[hbm4b:s8+s2] =	stream.linear.scatter [tilespmem:s6], [sflag:$0x2], $0x3800, $0x38;
	[tilespmem:$0x3880] =	vst v63  }
0x11: {  	_ =	swait.ge [sflag:s3], $0x3800  }
0x12: {  	s9 =	sadd.s32 $0xFFFFFFFF, s31;
	[sflag:s3] =	ssyncset.done $0x0  }
.LBB2_1:
0x13: {  	p0 =	sne.s32 s9, $0x1;
	s9 =	sadd.s32 $0xFFFFFFFF, s9;
	[sflag:s3] =	ssyncadd.s32 $0xFFFFC800  }
0x14: {  	[tilespmem:s2], [sflag:$0x2] =	stream.linear.gather [hbm4b:s4+s2], $0x80, $0x38;
	[tilespmem:$0x3880] =	vst v63  }
0x15: {  	_ =	swait.ge [sflag:s3], $0x80  }
0x16: {  	[sflag:s3] =	ssyncset.done $0x0  }
0x17: {  	[sflag:s3] =	ssyncadd.s32 $0xFFFFFF80  }
0x18: {  	[tilespmem:s6], [sflag:$0x1] =	stream.indirect.gather [hbm4b:s5+s6], $0x70, s2, s6, $0xb8;
	[tilespmem:$0x3880] =	vst v63  }
0x19: {  	_ =	swait.ge [sflag:s7], $0x3800  }
.Ltmp1:
0x1a: {  	[sflag:s7] =	ssyncset.done $0x0;
	(pc) =	sbr.rel @p0 .LBB2_1-.Ltmp1, $4  }
0x1b: {  	[sflag:s7] =	ssyncadd.s32 $0xFFFFC800  }
0x1c: {  	[hbm4b:s8+s2] =	stream.linear.scatter [tilespmem:s6], [sflag:$0x2], $0x3800, $0x38;
	[tilespmem:$0x3880] =	vst v63  }
0x1d: {  	_ =	swait.ge [sflag:s3], $0x3800  }
0x1e: {  	[sflag:s3] =	ssyncset.done $0x0  }
.LBB2_2:
0x1f: {  	[sflag:s3] =	ssyncadd.s32 $0xFFFFC800  }
0x20: {  	_ =	sfence.sel $0x180000  }
0x21: {  	[bflag:$0x0] =	sbarrier.arrive $0xFFFF  }
0x22: {  	p0 =	sne.s32 s0, $0x0;
	_ =	strace $0x90000047  }
0x23: {  	s0 =	sadd.s32 @!p0 $0x100000, s1;
	[bflag:$0x2] =	sbarrier.arrive $0xFFFF  }
0x24: {  	[sflag:s0] =	ssyncadd.tile.s32 @!p0 $0x1;
	_ =	shalt  }
.Lfunc_end2:
_tile_overlayer_lowered:
.L_overlay_start_2:
0x25: {  	(tag) =	ssettag $0x2  }
0x26: {  	s0 =	rddreg [dreg:$0x0];
	s2 =	stileid.u32  }
0x27: {  	s1 =	rddreg [dreg:$0x1];
	p0 =	sne.s32 s2, $0x0  }
0x28: {  	s3 =	rddreg [dreg:$0x2];
	[bflag:$0x3] =	sbarrier.arrive $0xFFFF;
	s2 =	simm.s32 @!p0 $0x1C02  }
0x29: {  	[timem:s3], [sflag:s2] =	dma.local @!p0 [hbm:s0], s1  }
0x2a: {  	s0 =	simm.s32 @!p0 $0x2  }
0x2b: {  	_ =	swait.ge @!p0 [sflag:s0], s1  }
0x2c: {  	s1 =	ssub.s32 @!p0 $0x0, s1;
	[sflag:s0] =	ssyncset.done @!p0 $0x0  }
0x2d: {  	[sflag:s0] =	ssyncadd.s32 @!p0 s1  }
0x2e: {  	[bflag:$0x3] =	sbarrier.arrive $0xFFFF  }
0x2f: {  	_ =	shalt  }

// kernel: kernel.8.cloned.1.call-start
scs
__scs_entry_jumppad:
0x0: {  	(pc) =	sbr.rel $0x88, $3  }
0x1: {  	(tag) =	ssettag $0x0;
	lr =	simm.s32 $0x1  }
0x2: {  	[smem:$0x3F96] =	sst lr;
	_ =	strace $0xD0000000  }
0x3: {  	_ = 	snop  }
0x4: {  	_ = 	snop  }
0x5: {  	_ = 	snop  }
0x6: {  	_ = 	snop  }
0x7: {  	_ = 	snop  }
__scs_overlays_trampoline_lowered:
0x8: {  	[smem:$0x3FA5] =	sst s0  }
0x9: {  	[smem:$0x3FA6] =	sst s1  }
0xa: {  	[smem:$0x3FA7] =	sst s2  }
0xb: {  	[smem:$0x3FA8] =	sst s3  }
0xc: {  	[smem:$0x3FA9] =	sst s4  }
0xd: {  	[smem:$0x3FAA] =	sst s5  }
0xe: {  	[smem:$0x3FAB] =	sst s6  }
0xf: {  	[smem:$0x3FAC] =	sst s7  }
0x10: {  	[smem:$0x3FAD] =	sst s8  }
0x11: {  	[smem:$0x3FAE] =	sst s9;
	s0 =	simm.s32 @!p0 $0x0  }
0x12: {  	s1 =	sld [smem:$0x3F94];
	s0 =	simm.s32 @p0 $0x1  }
0x13: {  	[smem:$0x3FAF] =	sst s0;
	s0 =	simm.s32 @!p1 $0x0  }
0x14: {  	s2 =	sld [smem:$0x3F93];
	s0 =	simm.s32 @p1 $0x1  }
0x15: {  	[smem:$0x3FB0] =	sst s0;
	s0 =	simm.s32 @!p2 $0x0  }
0x16: {  	s3 =	sld [smem:$0x3FDB];
	s0 =	simm.s32 @p2 $0x1  }
0x17: {  	s4 =	simm.s32 $0x1BF5;
	[smem:$0x3FB2] =	sst s0  }
0x18: {  	s0 =	sld [smem:$0x3F95];
	_ =	swait.ge [sflag:s4], $0x0  }
0x19: {  	s7 =	sld [smem:$0x3F96]  }
0x1a: {  	s8 =	sadd.s32 $0xFFFFE003, lr  }
0x1b: {  	s9 =	sadd.s32 $0xFFFFFEF7, lr;
	s5 =	simm.s32 $0xFFFFFFFF;
	p2 =	slt.u32 s8, $0xFFFFF086  }
0x1c: {  	p1 =	slt.u32 s9, $0xF7A;
	s5 =	simm.s32 @!p2 $0x0  }
0x1d: {  	s5 =	simm.s32 @p1 $0x1;
	p0 =	seq.s32 s7, s2  }
0x1e: {  	s7 =	smul.u32 @!p0 $0xF7A, s2;
	p2 =	seq.s32 @!p0 s5, $0x0  }
0x1f: {  	s9 =	smul.u32 $0xF7A, s1;
	s8 =	simm.s32 @!p0 $0x1BF5;
	p2 =	por !p2, p0  }
0x20: {  	[sflag:s8] =	ssyncset.s32 @!p0 $0xFFFFF086;
	s6 =	sadd.s32 @!p0 s3, s7;
	s7 =	simm.s32 @!p0 $0x108  }
0x21: {  	s3 =	sadd.s32 s3, s9;
	s6 =	sadd.s32 @!p0 $0x88, s6;
	s7 =	simm.s32 @p2 $0x1082  }
0x22: {  	[simem:s7], [sflag:s8] =	dma.local @!p0 [hbm:s6], $0xF7A  }
0x23: {  	s9 =	sor.u32 $0xD0000000, s2;
	s6 =	simm.s32 $0x108;
	_ =	swait.ge @!p0 [sflag:s8], $0x0  }
0x24: {  	s3 =	sadd.s32 $0x88, s3;
	s6 =	simm.s32 @!p1 $0x1082;
	[sflag:s4] =	ssyncset.s32 $0xFFFFF086  }
0x25: {  	[simem:s6], [sflag:s4] =	dma.local [hbm:s3], $0xF7A  }
0x26: {  	[smem:$0x3F96] =	sst s1;
	(tag) =	ssettag s2;
	_ =	strace s9  }
0x27: {  	s1 =	sld [smem:$0x3FA6]  }
0x28: {  	s2 =	sld [smem:$0x3FA7]  }
0x29: {  	s4 =	sld [smem:$0x3FA9]  }
0x2a: {  	p0 =	seq.s32 s5, $0x0;
	s5 =	sld [smem:$0x3FAA]  }
0x2b: {  	s6 =	sld [smem:$0x3FAB]  }
0x2c: {  	s7 =	sld [smem:$0x3FAC]  }
0x2d: {  	s3 =	simm.s32 $0x108;
	s8 =	sld [smem:$0x3FAD]  }
0x2e: {  	s3 =	simm.s32 @!p0 $0x1082;
	s9 =	sld [smem:$0x3FAE]  }
0x2f: {  	lr =	sadd.s32 s0, s3;
	s0 =	sld [smem:$0x3FA5]  }
0x30: {  	s3 =	sld [smem:$0x3FA8]  }
0x31: {  	[smem:$0x3FB1] =	sst s10  }
0x32: {  	s10 =	sld [smem:$0x3FAF];
	_ =	sdelay $0x3  }
0x33: {  	p0 =	seq.s32 s10, $0x1;
	s10 =	sld [smem:$0x3FB1];
	_ =	sdelay $0x3  }
0x34: {  	[smem:$0x3FB1] =	sst s10  }
0x35: {  	s10 =	sld [smem:$0x3FB0];
	_ =	sdelay $0x3  }
0x36: {  	p1 =	seq.s32 s10, $0x1;
	s10 =	sld [smem:$0x3FB1];
	_ =	sdelay $0x3  }
0x37: {  	[smem:$0x3FB1] =	sst s10  }
0x38: {  	s10 =	sld [smem:$0x3FB2]  }
0x39: {  	_ = 	snop;
	(pc) =	sbr.ind lr, $3  }
0x3a: {  	_ = 	snop  }
0x3b: {  	_ = 	snop  }
0x3c: {  	p2 =	seq.s32 s10, $0x1;
	s10 =	sld [smem:$0x3FB1]  }
0x3d: {  	_ =	shalt  }
0x3e: {  	_ =	shalt  }
0x3f: {  	_ =	shalt  }
0x40: {  	_ =	shalt  }
0x41: {  	_ =	shalt  }
0x42: {  	_ =	shalt  }
0x43: {  	_ =	shalt  }
0x44: {  	_ =	shalt  }
0x45: {  	_ =	shalt  }
0x46: {  	_ =	shalt  }
0x47: {  	_ =	shalt  }
0x48: {  	_ =	shalt  }
0x49: {  	_ =	shalt  }
0x4a: {  	_ =	shalt  }
0x4b: {  	_ =	shalt  }
0x4c: {  	_ =	shalt  }
0x4d: {  	_ =	shalt  }
0x4e: {  	_ =	shalt  }
0x4f: {  	_ =	shalt  }
0x50: {  	_ =	shalt  }
0x51: {  	_ =	shalt  }
0x52: {  	_ =	shalt  }
0x53: {  	_ =	shalt  }
0x54: {  	_ =	shalt  }
0x55: {  	_ =	shalt  }
0x56: {  	_ =	shalt  }
0x57: {  	_ =	shalt  }
0x58: {  	_ =	shalt  }
0x59: {  	_ =	shalt  }
0x5a: {  	_ =	shalt  }
0x5b: {  	_ =	shalt  }
0x5c: {  	_ =	shalt  }
0x5d: {  	_ =	shalt  }
0x5e: {  	_ =	shalt  }
0x5f: {  	_ =	shalt  }
0x60: {  	_ =	shalt  }
0x61: {  	_ =	shalt  }
0x62: {  	_ =	shalt  }
0x63: {  	_ =	shalt  }
0x64: {  	_ =	shalt  }
0x65: {  	_ =	shalt  }
0x66: {  	_ =	shalt  }
0x67: {  	_ =	shalt  }
0x68: {  	_ =	shalt  }
0x69: {  	_ =	shalt  }
0x6a: {  	_ =	shalt  }
0x6b: {  	_ =	shalt  }
0x6c: {  	_ =	shalt  }
0x6d: {  	_ =	shalt  }
0x6e: {  	_ =	shalt  }
0x6f: {  	_ =	shalt  }
0x70: {  	_ =	shalt  }
0x71: {  	_ =	shalt  }
0x72: {  	_ =	shalt  }
0x73: {  	_ =	shalt  }
0x74: {  	_ =	shalt  }
0x75: {  	_ =	shalt  }
0x76: {  	_ =	shalt  }
0x77: {  	_ =	shalt  }
0x78: {  	_ =	shalt  }
0x79: {  	_ =	shalt  }
0x7a: {  	_ =	shalt  }
0x7b: {  	_ =	shalt  }
0x7c: {  	_ =	shalt  }
0x7d: {  	_ =	shalt  }
0x7e: {  	_ =	shalt  }
0x7f: {  	_ =	shalt  }
0x80: {  	_ =	shalt  }
0x81: {  	_ =	shalt  }
0x82: {  	_ =	shalt  }
0x83: {  	_ =	shalt  }
0x84: {  	_ =	shalt  }
0x85: {  	_ =	shalt  }
0x86: {  	_ =	shalt  }
0x87: {  	_ =	shalt  }
.Lfunc_end0:
.L_simem_size_0:
called_computation.1_lowered:
.L_overlay_start_0:
0x88: {  	s2 =	sld [smem:$0x3FD9]  }
0x89: {  	s3 =	sld [smem:$0x3FFE];
	_ =	sdelay $0x1  }
0x8a: {  	s1 =	srdreg.scid  }
0x8b: {  	s0 =	sand.u32 $0x1, s1  }
0x8c: {  	s17 =	sshll.u32 s0, $0xA;
	s2 =	sadd.s32 s3, s2  }
0x8d: {  	s2 =	sadd.s32 s2, s17  }
0x8e: {  	[smem:$0x3FBD] =	sst s2  }
0x8f: {  	_ = 	snop  }
0x90: {  	s2 =	sld [smem:$0x3FC3]  }
0x91: {  	s18 =	sld [smem:$0x3FD0];
	(tm) =	ssettm $0x1  }
0x92: {  	s4 =	sld [smem:$0x3FFB];
	_ =	sdelay $0x3  }
0x93: {  	_ =	strace s4  }
0x94: {  	s4 =	sld [smem:$0x3FFC];
	_ =	sdelay $0x3  }
0x95: {  	_ =	strace s4  }
0x96: {  	s4 =	sld [smem:$0x3FFD];
	_ =	sdelay $0x3  }
0x97: {  	_ =	strace s4  }
0x98: {  	_ =	strace $0x8FFFFFFF  }
0x99: {  	s19 =	sld [smem:$0x3FDB];
	_ =	sdelay $0x1  }
0x9a: {  	s5 =	simm.s32 $_scs_section_size  }
0x9b: {  	s6 =	simm.s32 $_size__tile_overlayer_lowered;
	s7 =	simm.s32 $_tile_overlayer_lowered  }
0x9c: {  	s22 =	simm.s32 $0x1BFF;
	s21 =	sshll.u32 s7, $0x1;
	s4 =	sadd.s32 s5, s19  }
0x9d: {  	s8 =	simm.s32 $0x0;
	s20 =	sshll.u32 s6, $0x1;
	s6 =	sadd.s32 s21, s4  }
0x9e: {  	[timem:s8], [sflag:s22] =	dma.local [hbm:s6], s20  }
0x9f: {  	_ =	swait.ge [sflag:s22], s20  }
0xa0: {  	s5 =	ssub.s32 $0x0, s20;
	[sflag:s22] =	ssyncset.done $0x0  }
0xa1: {  	[sflag:s22] =	ssyncadd.s32 s5;
	_ =	sdelay $0x1  }
0xa2: {  	s23 =	simm.s32 $0x1B8B  }
0xa3: {  	_ =	swait.ge [sflag:s23], $0x1  }
0xa4: {  	[sflag:s23] =	ssyncset.done $0x0  }
0xa5: {  	s25 =	simm.s32 $0x1B8E;
	s24 =	sld [smem:$0x3FFE];
	[sflag:s23] =	ssyncadd.s32 $0xFFFFFFFF  }
0xa6: {  	s26 =	simm.s32 $execute0_lowered;
	[smem:$0x3FD2] =	sst s25  }
0xa7: {  	s6 =	sshll.u32 s26, $0x1;
	_ =	strace $0x80000049;
	[dreg:$0x1] =	wrdreg $0xFFFFFFFF  }
0xa8: {  	s28 =	simm.s32 $_size_execute0_lowered;
	s4 =	sadd.s32 s4, s6;
	[dreg:$0x0] =	wrdreg $0x0  }
0xa9: {  	s6 =	sshll.u32 s28, $0x1;
	[dreg:$0x2] =	wrdreg s4  }
0xaa: {  	[dreg:$0x3] =	wrdreg s6  }
0xab: {  	[dreg:$0x4] =	wrdreg $0xC0  }
0xac: {  	_ =	task [dreg:s8], $0x5FFFF  }
0xad: {  	[dreg:$0x1] =	wrdreg $0xFFFFFFFF  }
0xae: {  	[dreg:$0x0] =	wrdreg $0x60  }
0xaf: {  	[dreg:$0x2] =	wrdreg s24  }
0xb0: {  	[dreg:$0x3] =	wrdreg s2  }
0xb1: {  	[dreg:$0x4] =	wrdreg s18  }
0xb2: {  	[dreg:$0x5] =	wrdreg $0x9  }
0xb3: {  	_ =	task.clear_ibuf [dreg:s8], $0x6FFFF;
	_ =	strace $0x90000049  }
0xb4: {  	s29 =	simm.s32 $0x9;
	_ =	strace $0x8000004B  }
0xb5: {  	_ =	swait.ge [sflag:s29], $0x1  }
0xb6: {  	[sflag:s29] =	ssyncadd.s32 $0xFFFFFFFF  }
0xb7: {  	_ =	strace $0x9000004B  }
0xb8: {  	_ =	sfence  }
0xb9: {  	s30 =	sld [smem:$0x0];
	_ =	sdelay $0x2  }
0xba: {  	s31 =	sshll.u32 s1, $0xD;
	s1 =	sshrl.u32 s1, $0x2  }
0xbb: {  	s3 =	sand.u32 $0x4000, s31;
	s1 =	sadd.s32 s1, s30  }
0xbc: {  	s0 =	sor.u32 s3, s0;
	s1 =	sshll.u32 s1, $0x11  }
0xbd: {  	s0 =	sor.u32 s1, s0  }
0xbe: {  	s0 =	sadd.s32 $0x8F2B, s0  }
0xbf: {  	[sflag:s0] =	ssyncadd.remote.s32 $0x1  }
0xc0: {  	_ =	sfence.sel $0xFFFF  }
0xc1: {  	[dreg:$0x0] =	wrdreg $0xFFFFFFFF;
	(pc) =	sbr.abs _section_cstart, $3  }
0xc2: {  	[dreg:$0x1] =	wrdreg $0xFFFFFFFF  }
0xc3: {  	_ =	task.clear_ibuf [dreg:s8], $0x2FFFF;
	_ =	strace $0x9FFFFFFF  }
0xc4: {  	(tm) =	ssettm $0x7FFFFFFF  }
0xc5: {  	_ =	shalt  }
tec
execute0_lowered:
.L_overlay_start_1:
0x0: {  	(tag) =	ssettag $0x1  }
0x1: {  	s0 =	rddreg [dreg:$0x0]  }
0x2: {  	s2 =	rddreg [dreg:$0x1]  }
0x3: {  	s1 =	srdreg.scid;
	s4 =	stileid.u32  }
0x4: {  	s3 =	rddreg [dreg:$0x2];
	s8 =	simm.s32 $0x0;
	s17 =	simm.s32 $0x44  }
0x5: {  	s18 =	simm.s32 $0x1200;
	s1 =	sand.u32 $0x1, s1;
	s4 =	sshll.u32 s4, $0x1  }
0x6: {  	s20 =	simm.s32 $0x2FC0;
	s28 =	simm.s32 $0xEF00;
	s5 =	sor.u32 s1, s4  }
0x7: {  	s29 =	simm.s32 $0x1;
	s30 =	simm.s32 $0x3;
	s6 =	smul.u32 $0x120, s5  }
0x8: {  	s31 =	simm.s32 $0x2;
	[smem:$0x7FF] =	sst s8;
	s7 =	smul.u32 $0x700, s5  }
0x9: {  	_ =	strace $0x8000004A;
	s4 =	sadd.s32 $0x2000, s0;
	s1 =	ssub.s32 $0x2, s1  }
0xa: {  	s6 =	sadd.s32 s6, s0;
	s7 =	sadd.s32 s7, s0;
	s0 =	sadd.s32 $0xE6800, s0  }
0xb: {  	s21 =	sshrl.u32 s1, $0x1;
	[dreg:$0x4] =	wrdreg s0;
	s22 =	sadd.s32 $0xE2000, s6  }
0xc: {  	s26 =	sshll.u32 s5, $0xB;
	s23 =	sadd.s32 $0xE4400, s6;
	[dreg:$0x5] =	wrdreg s22  }
0xd: {  	s5 =	simm.s32 $0x5;
	s24 =	sadd.s32 $0xE6A00, s7;
	[dreg:$0x6] =	wrdreg s23  }
0xe: {  	s0 =	ssub.s32 s1, s21;
	s25 =	sadd.s32 $0xF4A00, s7;
	[dreg:$0x7] =	wrdreg s24  }
0xf: {  	s1 =	sadd.s32 s3, s26;
	s21 =	simm.s32 $0x8900;
	[dreg:$0x8] =	wrdreg s25  }
0x10: {  	s3 =	simm.s32 $0x0;
	[dreg:$0x9] =	wrdreg s1;
	s0 =	smax.u32 s0, $0x1  }
0x11: {  	v0 =	vlaneseq.u32;
	vm0 =	vmmov $0x7f;
	vm1 =	vmmov $0x3ff;
	s23 =	simm.s32 $0xAB00;
	s1 =	simm.s32 $0x4;
	[dreg:$0xa] =	wrdreg s0  }
.LBB2_1:
0x12: {  	[dreg:$0xb] =	wrdreg s3  }
0x13: {  	s0 =	rddreg [dreg:$0x4];
	s13 =	simm.s32 $0x18100  }
0x14: {  	[tilespmem:s13], [sflag:$0x5] =	stream.linear.gather [hbm4b:s0+s8], $0x80, $0x38;
	[tilespmem:$0x1C180] =	vst v63  }
0x15: {  	_ =	swait.ge [sflag:s5], $0x80  }
0x16: {  	[sflag:s5] =	ssyncset.done $0x0  }
0x17: {  	s14 =	rddreg [dreg:$0x5];
	[sflag:s5] =	ssyncadd.s32 $0xFFFFFF80  }
0x18: {  	[tilespmem:s8], [sflag:$0x5] =	stream.linear.gather [hbm4b:s14+s8], $0x900, $0x38;
	[tilespmem:$0x1C180] =	vst v63  }
0x19: {  	_ =	swait.ge [sflag:s5], $0x900  }
0x1a: {  	[sflag:s5] =	ssyncset.done $0x0  }
0x1b: {  	s16 =	simm.s32 $0x900;
	s15 =	rddreg [dreg:$0x6];
	[sflag:s5] =	ssyncadd.s32 $0xFFFFF700  }
0x1c: {  	[tilespmem:s16], [sflag:$0x5] =	stream.linear.gather [hbm4b:s15+s8], $0x900, $0x38;
	[tilespmem:$0x1C180] =	vst v63  }
0x1d: {  	_ =	swait.ge [sflag:s5], $0x900  }
0x1e: {  	[sflag:s5] =	ssyncset.done $0x0  }
0x1f: {  	s6 =	simm.s32 $0x11100;
	s19 =	rddreg [dreg:$0x7];
	[sflag:s5] =	ssyncadd.s32 $0xFFFFF700  }
0x20: {  	[tilespmem:s6], [sflag:$0x5] =	stream.linear.gather [hbm4b:s19+s8], $0x3800, $0x38;
	[tilespmem:$0x1C180] =	vst v63  }
0x21: {  	_ =	swait.ge [sflag:s5], $0x3800  }
0x22: {  	[sflag:s5] =	ssyncset.done $0x0  }
0x23: {  	s24 =	simm.s32 $0x14900;
	s22 =	rddreg [dreg:$0x8];
	[sflag:s5] =	ssyncadd.s32 $0xFFFFC800  }
0x24: {  	[tilespmem:s24], [sflag:$0x5] =	stream.linear.gather [hbm4b:s22+s8], $0x3800, $0x38;
	[tilespmem:$0x1C180] =	vst v63  }
0x25: {  	_ =	swait.ge [sflag:s5], $0x3800  }
0x26: {  	[sflag:s5] =	ssyncset.done $0x0  }
0x27: {  	[sflag:s5] =	ssyncadd.s32 $0xFFFFC800  }
0x28: {  	v1 =	vld [tilespmem:$0x18140];
	_ =	sdelay $0x4  }
0x29: {  	(v2sf) =	vpush v1, $0x0  }
0x2a: {  	(v2sf) =	vpush v1, $0x1;
	_ =	sdelay $0x3  }
0x2b: {  	v2 =	vld [tilespmem:$0x18110]  }
0x2c: {  	v3 =	vld [tilespmem:$0x18120]  }
0x2d: {  	v4 =	vld [tilespmem:$0x18130]  }
0x2e: {  	v1 =	vld [tilespmem:$0x18100];
	[tilespmem:s18], [sflag:$0x1] =	stream.indirect.gather [hbm4b:s4+s17], $0x70, s8, s17, $0xb8  }
0x2f: {  	s25 =	simm.s32 $0x48  }
0x30: {  	[tilespmem:s20], [sflag:$0x1] =	stream.indirect.gather [hbm4b:s4+s17], $0x70, s25, s17, $0xb8;
	[tilespmem:$0x1C180] =	vst v63  }
0x31: {  	_ = 	snop  }
0x32: {  	[tilespmem:s21], [sflag:$0x3] =	stream.indirect.gather [hbm4b:s2+s17], $0x80, s16, s17, $0xb8;
	[tilespmem:$0x1C180] =	vst v63  }
0x33: {  	s26 =	simm.s32 $0x948  }
0x34: {  	[tilespmem:s23], [sflag:$0x3] =	stream.indirect.gather [hbm4b:s2+s17], $0x80, s26, s17, $0xb8;
	[tilespmem:$0x1C180] =	vst v63  }
0x35: {  	s15 =	spop (v2sf)  }
0x36: {  	s19 =	simm.s32 $0x0;
	s16 =	spop (v2sf)  }
.LBB2_2:
0x37: {  	s22 =	sshllo.u32 s19, $0x1  }
0x38: {  	s0 =	smul.u32 $0x90, s22  }
0x39: {  	s3 =	simm.s32 $0x4D80  }
0x3a: {  	[tilespmem:s3], [sflag:$0x2] =	stream.indirect.gather [hbm4b:s4+s17], $0x70, s0, s17, $0xb8;
	[tilespmem:$0x1C180] =	vst v63  }
0x3b: {  	s5 =	simm.s32 $0x6B40;
	s24 =	sadd.s32 $0x48, s0  }
0x3c: {  	[tilespmem:s5], [sflag:$0x2] =	stream.indirect.gather [hbm4b:s4+s17], $0x70, s24, s17, $0xb8;
	[tilespmem:$0x1C180] =	vst v63  }
0x3d: {  	s26 =	simm.s32 $0xCD00;
	s25 =	sadd.s32 $0x900, s0  }
0x3e: {  	[tilespmem:s26], [sflag:$0x4] =	stream.indirect.gather [hbm4b:s2+s17], $0x80, s25, s17, $0xb8;
	[tilespmem:$0x1C180] =	vst v63  }
0x3f: {  	s0 =	sadd.s32 $0x948, s0  }
0x40: {  	[tilespmem:s28], [sflag:$0x4] =	stream.indirect.gather [hbm4b:s2+s17], $0x80, s0, s17, $0xb8;
	[tilespmem:$0x1C180] =	vst v63  }
0x41: {  	_ =	swait.ge [sflag:s29], $0x1DC0  }
0x42: {  	[sflag:s29] =	ssyncset.done $0x0  }
0x43: {  	[sflag:s29] =	ssyncadd.s32 $0xFFFFE240  }
0x44: {  	_ =	swait.ge [sflag:s29], $0x1DC0  }
0x45: {  	[sflag:s29] =	ssyncset.done $0x0  }
0x46: {  	[sflag:s29] =	ssyncadd.s32 $0xFFFFE240  }
0x47: {  	_ =	swait.ge [sflag:s30], $0x2200  }
0x48: {  	[sflag:s30] =	ssyncset.done $0x0  }
0x49: {  	s14 =	sshll.u32 s19, $0x4;
	s6 =	simm.s32 $0x1230;
	[sflag:s30] =	ssyncadd.s32 $0xFFFFDE00  }
0x4a: {  	s7 =	simm.s32 $0x2AE0;
	s8 =	simm.s32 $0x8940;
	_ =	swait.ge [sflag:s30], $0x2200  }
0x4b: {  	s9 =	simm.s32 $0xA570;
	s10 =	simm.s32 $0x0;
	[sflag:s30] =	ssyncset.done $0x0  }
0x4c: {  	s5 =	simm.s32 $0x0;
	s0 =	sshll.u32 s19, $0x1;
	[sflag:s30] =	ssyncadd.s32 $0xFFFFDE00  }
.LBB2_3:
0x4d: {  	s11 =	sadd.s32 s14, s10;
	v5 =	vld [tilespmem:s6+$0xFFFFFFD0]  }
0x4e: {  	v6 =	vld [tilespmem:s6+$0xFFFFFFE0];
	s3 =	smul.u32 $0x70, s11  }
0x4f: {  	v7 =	vld [tilespmem:s6+$0xFFFFFFF0]  }
0x50: {  	v19 =	vld [tilespmem:s3+$0x11100]  }
0x51: {  	v9 =	vld [tilespmem:s6+$0x0]  }
0x52: {  	v18 =	vld [tilespmem:s3+$0x11110]  }
0x53: {  	v11 =	vld [tilespmem:s6+$0x10]  }
0x54: {  	v17 =	vld [tilespmem:s3+$0x11120]  }
0x55: {  	v20 =	vld [tilespmem:s6+$0x20];
	v8 =	vmul.f32 v5, v19  }
0x56: {  	s12 =	sadd.s32 $0x380, s6;
	v16 =	vld [tilespmem:s3+$0x11130]  }
0x57: {  	v12 =	vld [tilespmem:s12+$0xFFFFFFD0];
	v10 =	vmul.f32 v6, v18;
	v8 =	vadd.f32 $0.0e+00, v8  }
0x58: {  	v15 =	vld [tilespmem:s3+$0x11140]  }
0x59: {  	v21 =	vld [tilespmem:s12+$0xFFFFFFE0];
	v8 =	vadd.f32 v10, v8;
	v10 =	vmul.f32 v7, v17  }
0x5a: {  	v14 =	vld [tilespmem:s3+$0x11150];
	v5 =	vmul.f32 v5, v5;
	v6 =	vmul.f32 v6, v6  }
0x5b: {  	v22 =	vld [tilespmem:s6+$0x30];
	v8 =	vadd.f32 v10, v8;
	v10 =	vmul.f32 v9, v16  }
0x5c: {  	v13 =	vld [tilespmem:s3+$0x11160];
	v6 =	vadd.f32 v6, v5  }
0x5d: {  	v7 =	vmul.f32 v7, v7;
	v8 =	vadd.f32 v10, v8;
	v10 =	vmul.f32 v11, v15  }
0x5e: {  	v23 =	vld [tilespmem:s12+$0xFFFFFFF0];
	v24 =	vmul.f32 v12, v19;
	v25 =	vmul.f32 v21, v18  }
0x5f: {  	v6 =	vadd.f32 v7, v6;
	v7 =	vadd.f32 v10, v8;
	v8 =	vmul.f32 v20, v14  }
0x60: {  	v12 =	vmul.f32 v12, v12;
	v24 =	vadd.f32 $0.0e+00, v24;
	v9 =	vmul.f32 v9, v9;
	v10 =	vld [tilespmem:s12+$0x0]  }
0x61: {  	v21 =	vmul.f32 v21, v21;
	v7 =	vadd.f32 v8, v7;
	v8 =	vmul.f32 v22, v13  }
0x62: {  	v26 =	vld [tilespmem:s12+$0x10];
	s13 =	sadd.s32 $0x380, s12;
	v11 =	vmul.f32 v11, v11;
	v6 =	vadd.f32 v9, v6;
	v9 =	vadd.f32 v25, v24  }
0x63: {  	v24 =	vmul.f32 v23, v17;
	v25 =	vld [tilespmem:s13+$0xFFFFFFD0];
	v20 =	vmul.f32 v20, v20;
	v7 =	vadd.f32 v8, v7  }
0x64: {  	v6 =	vadd.f32 v11, v6;
	v11 =	vadd.f32 v21, v12;
	v12 =	vmul.f32 v23, v23;
	v8 =	vld [tilespmem:s12+$0x20]  }
0x65: {  	v9 =	vadd.f32 v24, v9;
	v21 =	vmul.f32 v22, v22;
	v22 =	vld [tilespmem:s13+$0xFFFFFFE0];
	v24 =	vmul.f32 v10, v16;
	(xrf2) =	vadd.scan.msk.f32 $0xffff, v7  }
0x66: {  	v6 =	vadd.f32 v20, v6;
	v11 =	vadd.f32 v12, v11;
	v10 =	vmul.f32 v10, v10;
	v7 =	vld [tilespmem:s12+$0x30]  }
0x67: {  	v23 =	vmul.f32 v26, v15;
	v12 =	vmul.f32 v26, v26;
	v9 =	vadd.f32 v24, v9  }
0x68: {  	v20 =	vld [tilespmem:s13+$0xFFFFFFF0];
	v10 =	vadd.f32 v10, v11;
	v11 =	vadd.f32 v21, v6;
	v21 =	vmul.f32 v25, v19  }
0x69: {  	v24 =	vmul.f32 v25, v25;
	v9 =	vadd.f32 v23, v9;
	v23 =	vmul.f32 v8, v14  }
0x6a: {  	v25 =	vld [tilespmem:s13+$0x0];
	v26 =	vmul.f32 v22, v18;
	v21 =	vadd.f32 $0.0e+00, v21;
	v10 =	vadd.f32 v12, v10  }
0x6b: {  	v12 =	vmul.f32 v22, v22;
	v9 =	vadd.f32 v23, v9;
	v23 =	vmul.f32 v7, v13  }
0x6c: {  	v8 =	vmul.f32 v8, v8  }
0x6d: {  	v21 =	vadd.f32 v26, v21;
	v9 =	vadd.f32 v23, v9;
	v23 =	vmul.f32 v20, v17  }
0x6e: {  	s24 =	sadd.s32 $0x380, s13;
	v22 =	vld [tilespmem:s13+$0x10];
	(xrf2) =	vadd.scan.msk.f32 $0xffff, v11;
	v11 =	vmul.f32 v20, v20;
	v8 =	vadd.f32 v8, v10;
	v10 =	vadd.f32 v12, v24  }
0x6f: {  	v26 =	vld [tilespmem:s24+$0xFFFFFFD0];
	v20 =	vadd.f32 v23, v21;
	v21 =	vmul.f32 v25, v16;
	v12, _, _ =	vpop (xrf2);
	(xrf2) =	vadd.scan.msk.f32 $0xffff, v9;
	v9 =	vmov s5  }
0x70: {  	vm2 =	veq.s32 v9, v0;
	v9 =	vadd.f32 v11, v10;
	v11 =	vmul.f32 v25, v25;
	v25 =	vld [tilespmem:s24+$0xFFFFFFE0]  }
0x71: {  	v29 =	vld [tilespmem:s24+$0xFFFFFFF0]  }
0x72: {  	v6 =	vld [tilespmem:s3+$0x14900];
	v27 =	vmul.f32 v7, v7  }
0x73: {  	v24 =	vld [tilespmem:s13+$0x20];
	v28 =	vmul.f32 v22, v15  }
0x74: {  	v7 =	vld [tilespmem:s3+$0x14910];
	v32 =	vadd.f32 v27, v8;
	v27 =	vmul.f32 v26, v19;
	v12 =	vbroadcast v12, $0xF  }
0x75: {  	v5 =	vimm.f32 $0.0e+00;
	v23 =	vld [tilespmem:s13+$0x30];
	v30 =	vmul.f32 v25, v18;
	v25 =	vmul.f32 v25, v25  }
0x76: {  	v8 =	vld [tilespmem:s3+$0x14940];
	v22 =	vmul.f32 v22, v22;
	v21 =	vadd.f32 v21, v20;
	v9 =	vadd.f32 v11, v9  }
0x77: {  	v26 =	vmul.f32 v26, v26;
	v10 =	vld [tilespmem:s3+$0x14920];
	v27 =	vadd.f32 $0.0e+00, v27;
	v20 =	vsel vm2, v12, v5  }
0x78: {  	v11 =	vadd.f32 v28, v21;
	v21 =	vmul.f32 v24, v14;
	v12 =	vld [tilespmem:s3+$0x14930];
	v31, _, _ =	vpop (xrf2);
	v9 =	vadd.f32 v22, v9  }
0x79: {  	s26 =	simm.s32 $0x1;
	v24 =	vmul.f32 v24, v24;
	v28 =	vld [tilespmem:s24+$0x0];
	v33 =	vadd.f32 v30, v27;
	v30 =	vadd.f32 v25, v26;
	v25, _, _ =	vpop (xrf2);
	(xrf2) =	vadd.scan.msk.f32 $0xffff, v32  }
0x7a: {  	v35 =	vmov s26;
	v21 =	vadd.f32 v21, v11;
	v22 =	vmul.f32 v23, v13;
	v11 =	vld [tilespmem:s3+$0x14950]  }
0x7b: {  	vm3 =	veq.s32 v35, v0;
	v34 =	vmul.f32 v29, v17;
	v24 =	vadd.f32 v24, v9;
	v9 =	vld [tilespmem:s3+$0x14960]  }
0x7c: {  	s25 =	sadd.s32 $0x380, s24;
	vm2 =	vmmov vm2;
	v23 =	vmul.f32 v23, v23;
	v21 =	vadd.f32 v22, v21;
	v27 =	vld [tilespmem:s24+$0x10]  }
0x7d: {  	s26 =	simm.s32 $0x5;
	v22 =	vbroadcast v31, $0xF;
	v31 =	vmul.f32 v29, v29;
	v29 =	vld [tilespmem:s25+$0xFFFFFFD0];
	v32 =	vadd.f32 v34, v33  }
0x7e: {  	s12 =	simm.s32 $0x3;
	s13 =	simm.s32 $0x2;
	s3 =	simm.s32 $0x4;
	v26 =	vld [tilespmem:s24+$0x20];
	v33 =	vmul.f32 v28, v16;
	v25 =	vbroadcast v25, $0xF;
	(xrf2) =	vadd.scan.msk.f32 $0xffff, v21;
	v21 =	vimm.f32 $0.0e+00  }
.LBB2_4:
0x7f: {  	v35 =	vadd.f32 v31, v30;
	v28 =	vmul.f32 v28, v28  }
0x80: {  	p0 =	sne.s32 s26, $0x6;
	v31 =	vld [tilespmem:s24+$0x30];
	v20 =	vsel vm3, v25, v20;
	vm4 =	vmmov vm2;
	vm2 =	vmmov vm3;
	s24 =	smov.u32 s25  }
0x81: {  	v25 =	vld [tilespmem:s25+$0xFFFFFFE0];
	v32 =	vadd.f32 v33, v32;
	v33 =	vmul.f32 v27, v15;
	v27 =	vmul.f32 v27, v27  }
0x82: {  	v23 =	vadd.f32 v23, v24;
	v21 =	vsel vm4, v22, v21;
	v28 =	vadd.f32 v28, v35  }
0x83: {  	v34 =	vld [tilespmem:s25+$0xFFFFFFF0];
	v22 =	vadd.f32 v33, v32;
	v24 =	vmul.f32 v26, v14;
	v26 =	vmul.f32 v26, v26;
	v30, _, _ =	vpop (xrf2)  }
0x84: {  	v32 =	vmul.f32 v29, v19;
	v29 =	vmul.f32 v29, v29;
	v33 =	vadd.f32 v27, v28;
	(xrf2) =	vadd.scan.msk.f32 $0xffff, v23  }
0x85: {  	v28 =	vld [tilespmem:s25+$0x0];
	v22 =	vadd.f32 v24, v22;
	v35 =	vmul.f32 v31, v13;
	v23 =	vmul.f32 v31, v31  }
.Ltmp0:
0x86: {  	v31 =	vadd.f32 $0.0e+00, v32;
	v32 =	vmul.f32 v25, v18;
	v36 =	vmul.f32 v25, v25;
	(pc) =	sbr.rel @p0 .LBB2_4-.Ltmp0, $4  }
0x87: {  	v24 =	vadd.f32 v26, v33;
	v27 =	vld [tilespmem:s25+$0x10];
	v33 =	vadd.f32 v35, v22;
	v22 =	vbroadcast v30, $0xF  }
0x88: {  	v32 =	vadd.f32 v32, v31;
	v30 =	vadd.f32 v36, v29;
	v35 =	vmul.f32 v34, v17;
	v25, _, _ =	vpop (xrf2)  }
0x89: {  	s25 =	sadd.s32 $0x380, s25;
	v31 =	vmul.f32 v34, v34;
	v34 =	vmov s13;
	s13 =	smov.u32 s12;
	s12 =	smov.u32 s3;
	v26 =	vld [tilespmem:s24+$0x20];
	(xrf2) =	vadd.scan.msk.f32 $0xffff, v33;
	v25 =	vbroadcast v25, $0xF  }
0x8a: {  	s3 =	smov.u32 s26;
	s26 =	sadd.s32 $0x1, s26;
	vm3 =	veq.s32 v34, v0;
	v29 =	vld [tilespmem:s25+$0xFFFFFFD0];
	v32 =	vadd.f32 v35, v32;
	v33 =	vmul.f32 v28, v16  }
0x8b: {  	_ = 	snop  }
0x8c: {  	v34 =	vld [tilespmem:s25+$0xFFFFFFE0];
	_ =	sdelay $0x1  }
0x8d: {  	v35 =	vld [tilespmem:s25+$0xFFFFFFF0]  }
0x8e: {  	v58 =	vld [tilespmem:s25+$0x0];
	v19 =	vmul.f32 v29, v19  }
0x8f: {  	v30 =	vadd.f32 v31, v30;
	v28 =	vmul.f32 v28, v28;
	v36 =	vld [tilespmem:s24+$0x30];
	v56 =	vadd.f32 v33, v32  }
0x90: {  	v61 =	vld [tilespmem:s25+$0x10];
	v57 =	vmul.f32 v27, v15;
	v18 =	vmul.f32 v34, v18;
	v19 =	vadd.f32 $0.0e+00, v19  }
0x91: {  	v23 =	vadd.f32 v23, v24;
	v27 =	vmul.f32 v27, v27;
	v28 =	vadd.f32 v28, v30  }
0x92: {  	v62 =	vld [tilespmem:s25+$0x20];
	v59 =	vadd.f32 v57, v56;
	v17 =	vmul.f32 v35, v17;
	v18 =	vadd.f32 v18, v19  }
0x93: {  	v60 =	vmul.f32 v26, v14;
	v27 =	vadd.f32 v27, v28;
	v16 =	vmul.f32 v58, v16  }
0x94: {  	v19 =	vmul.f32 v29, v29;
	v29 =	vmul.f32 v34, v34;
	v17 =	vadd.f32 v17, v18  }
0x95: {  	v63 =	vld [tilespmem:s25+$0x30];
	v24 =	vadd.f32 v60, v59;
	v15 =	vmul.f32 v61, v15;
	v18 =	vmul.f32 v36, v13  }
0x96: {  	v19 =	vadd.f32 v29, v19;
	v29 =	vmul.f32 v35, v35;
	v16 =	vadd.f32 v16, v17  }
0x97: {  	v14 =	vmul.f32 v62, v14;
	v17 =	vmul.f32 v26, v26;
	v18 =	vadd.f32 v18, v24  }
0x98: {  	v19 =	vadd.f32 v29, v19;
	v24 =	vmul.f32 v58, v58;
	v15 =	vadd.f32 v15, v16  }
0x99: {  	(xrf2) =	vadd.scan.msk.f32 $0xffff, v23;
	v23 =	vmul.f32 v61, v61;
	v16 =	vmul.f32 v36, v36;
	v17 =	vadd.f32 v17, v27  }
0x9a: {  	v13 =	vmul.f32 v63, v13;
	(xrf2) =	vadd.scan.msk.f32 $0xffff, v18;
	v18 =	vadd.f32 v24, v19;
	v14 =	vadd.f32 v14, v15  }
0x9b: {  	v15 =	vadd.f32 v16, v17  }
0x9c: {  	v16 =	vmul.f32 v62, v62;
	v17 =	vadd.f32 v23, v18;
	v13 =	vadd.f32 v13, v14  }
0x9d: {  	(xrf2) =	vadd.scan.msk.f32 $0xffff, v15  }
0x9e: {  	v14 =	vmul.f32 v63, v63;
	v15 =	vadd.f32 v16, v17;
	v16 =	vld [tilespmem:s7+$0xFFFFFFA0]  }
0x9f: {  	v19 =	vld [tilespmem:s7+$0xFFFFFFB0];
	(xrf2) =	vadd.scan.msk.f32 $0xffff, v13  }
0xa0: {  	vm2 =	vmmov vm2;
	v14 =	vadd.f32 v14, v15;
	v13, _, _ =	vpop (xrf2)  }
0xa1: {  	v17 =	vsel vm3, v25, v20;
	vm3 =	vmmov vm3;
	v20 =	vsel vm2, v22, v21;
	v18, _, _ =	vpop (xrf2)  }
0xa2: {  	v15 =	vmov s13;
	v13 =	vbroadcast v13, $0xF;
	(xrf2) =	vadd.scan.msk.f32 $0xffff, v14;
	v18 =	vbroadcast v18, $0xF  }
0xa3: {  	vm3 =	vmmov vm3;
	vm2 =	veq.s32 v15, v0;
	v21 =	vmul.f32 v16, v6  }
0xa4: {  	v22 =	vmul.f32 v19, v7;
	v14, _, _ =	vpop (xrf2);
	v13 =	vsel vm3, v13, v20;
	v15 =	vsel vm2, v18, v17;
	v17 =	vld [tilespmem:s7+$0xFFFFFFC0]  }
0xa5: {  	v20 =	vmov s12;
	v14 =	vbroadcast v14, $0xF;
	v21 =	vadd.f32 $0.0e+00, v21  }
0xa6: {  	v24 =	vmov s3;
	vm2 =	vmmov vm2;
	vm3 =	veq.s32 v20, v0;
	v20 =	vld [tilespmem:s7+$0xFFFFFFD0];
	v18, _, _ =	vpop (xrf2)  }
0xa7: {  	vm2 =	vmmov vm2;
	v21 =	vadd.f32 v22, v21;
	v18 =	vbroadcast v18, $0xF;
	v23, _, _ =	vpop (xrf2)  }
0xa8: {  	v13 =	vsel vm2, v14, v13;
	vm2 =	veq.s32 v24, v0;
	v23 =	vbroadcast v23, $0xF  }
0xa9: {  	s12 =	sadd.s32 $0x380, s7;
	v14, _, _ =	vpop (xrf2);
	v15 =	vsel vm3, v18, v15;
	vm3 =	vmmov vm3;
	v18 =	vld [tilespmem:s7+$0xFFFFFFE0];
	v22 =	vmul.f32 v17, v10  }
0xaa: {  	v25 =	vld [tilespmem:s12+$0xFFFFFFA0];
	v14 =	vbroadcast v14, $0xF;
	v17 =	vmul.f32 v17, v17;
	vm3 =	vmmov vm3  }
0xab: {  	v24 =	vld [tilespmem:s7+$0xFFFFFFF0];
	v21 =	vadd.f32 v22, v21;
	v22 =	vmul.f32 v20, v12;
	v23 =	vsel vm3, v23, v13  }
0xac: {  	v27 =	vld [tilespmem:s12+$0xFFFFFFB0];
	v13 =	vmul.f32 v16, v16;
	v16 =	vmul.f32 v19, v19;
	vm3 =	vmmov vm2;
	v26, _, _ =	vpop (xrf2)  }
0xad: {  	v19 =	vld [tilespmem:s7+$0x0];
	v20 =	vmul.f32 v20, v20;
	v26 =	vbroadcast v26, $0xF;
	vm3 =	vmmov vm3  }
0xae: {  	v21 =	vadd.f32 v22, v21;
	v16 =	vadd.f32 v16, v13;
	v22 =	vmul.f32 v18, v8  }
0xaf: {  	v28 =	vld [tilespmem:s12+$0xFFFFFFC0];
	v13 =	vsel vm2, v14, v15;
	v15 =	vmul.f32 v25, v6;
	v25 =	vmul.f32 v25, v25  }
0xb0: {  	v14 =	vsel vm3, v26, v23;
	v21 =	vadd.f32 v22, v21;
	v22 =	vmul.f32 v24, v11  }
0xb1: {  	v23 =	vmul.f32 v27, v7;
	v16 =	vadd.f32 v17, v16;
	v15 =	vadd.f32 $0.0e+00, v15  }
0xb2: {  	v26 =	vmul.f32 v27, v27;
	v17 =	vld [tilespmem:s12+$0xFFFFFFD0];
	v21 =	vadd.f32 v22, v21;
	v22 =	vmul.f32 v19, v9  }
0xb3: {  	v18 =	vmul.f32 v18, v18;
	v15 =	vadd.f32 v23, v15;
	v16 =	vadd.f32 v20, v16  }
0xb4: {  	v27 =	vld [tilespmem:s12+$0xFFFFFFE0];
	v20 =	vadd.f32 v26, v25;
	v23 =	vmul.f32 v28, v28;
	v21 =	vadd.f32 v22, v21  }
0xb5: {  	v25 =	vld [tilespmem:s12+$0xFFFFFFF0];
	v22 =	vmul.f32 v28, v10  }
0xb6: {  	s13 =	sadd.s32 $0x380, s12;
	v16 =	vadd.f32 v18, v16;
	v18 =	vadd.f32 v23, v20;
	v20 =	vld [tilespmem:s12+$0x0];
	(xrf2) =	vadd.scan.msk.f32 $0xffff, v21  }
0xb7: {  	v21 =	vmul.f32 v24, v24;
	v24 =	vld [tilespmem:s13+$0xFFFFFFA0];
	v15 =	vadd.f32 v22, v15;
	v22 =	vmul.f32 v17, v12  }
0xb8: {  	v23 =	vld [tilespmem:s13+$0xFFFFFFB0]  }
0xb9: {  	v17 =	vmul.f32 v17, v17;
	v15 =	vadd.f32 v22, v15;
	v22 =	vmul.f32 v27, v8  }
0xba: {  	v19 =	vmul.f32 v19, v19;
	v16 =	vadd.f32 v21, v16;
	v21 =	vmul.f32 v27, v27  }
0xbb: {  	v17 =	vadd.f32 v17, v18;
	v18 =	vld [tilespmem:s13+$0xFFFFFFC0];
	v15 =	vadd.f32 v22, v15;
	v22 =	vmul.f32 v25, v11  }
0xbc: {  	v16 =	vadd.f32 v19, v16;
	v19 =	vmul.f32 v24, v6;
	v24 =	vmul.f32 v24, v24  }
0xbd: {  	v26 =	vmul.f32 v23, v7;
	v15 =	vadd.f32 v22, v15;
	v22 =	vmul.f32 v20, v9  }
0xbe: {  	v23 =	vmul.f32 v23, v23;
	v25 =	vmul.f32 v25, v25;
	v17 =	vadd.f32 v21, v17;
	v21 =	vld [tilespmem:s13+$0xFFFFFFD0]  }
0xbf: {  	(xrf2) =	vadd.scan.msk.f32 $0xffff, v16;
	v16 =	vmul.f32 v20, v20;
	v19 =	vadd.f32 $0.0e+00, v19;
	v15 =	vadd.f32 v22, v15  }
0xc0: {  	s25 =	simm.s32 $0x0;
	v20 =	vld [tilespmem:s13+$0xFFFFFFE0];
	v17 =	vadd.f32 v25, v17;
	v22 =	vadd.f32 v23, v24;
	v23 =	vmul.f32 v18, v10;
	v24, _, _ =	vpop (xrf2)  }
0xc1: {  	s24 =	sadd.s32 $0x380, s13;
	v25 =	vld [tilespmem:s13+$0xFFFFFFF0];
	v19 =	vadd.f32 v26, v19;
	(xrf2) =	vadd.scan.msk.f32 $0xffff, v15;
	v15 =	vmov s25;
	v24 =	vbroadcast v24, $0xF  }
0xc2: {  	v18 =	vmul.f32 v18, v18;
	v26 =	vld [tilespmem:s24+$0xFFFFFFA0];
	vm2 =	veq.s32 v15, v0  }
0xc3: {  	v19 =	vadd.f32 v23, v19;
	v23 =	vmul.f32 v21, v12;
	v15 =	vsel vm2, v24, v5;
	v24 =	vld [tilespmem:s24+$0xFFFFFFB0]  }
0xc4: {  	v18 =	vadd.f32 v18, v22;
	v21 =	vmul.f32 v21, v21  }
0xc5: {  	v27 =	vld [tilespmem:s13+$0x0];
	v22 =	vmul.f32 v20, v8;
	v19 =	vadd.f32 v23, v19  }
0xc6: {  	v16 =	vadd.f32 v16, v17;
	v20 =	vmul.f32 v20, v20;
	v18 =	vadd.f32 v21, v18  }
0xc7: {  	v23 =	vmul.f32 v25, v25;
	v17 =	vadd.f32 v22, v19;
	v19 =	vmul.f32 v25, v11  }
0xc8: {  	v25 =	vmul.f32 v26, v6;
	v28 =	vmul.f32 v24, v7  }
0xc9: {  	v20 =	vadd.f32 v20, v18  }
0xca: {  	v21 =	vld [tilespmem:s24+$0xFFFFFFC0];
	v17 =	vadd.f32 v19, v17;
	v19 =	vmul.f32 v27, v9;
	v25 =	vadd.f32 $0.0e+00, v25  }
0xcb: {  	v18 =	vmul.f32 v27, v27;
	v27, _, _ =	vpop (xrf2);
	v20 =	vadd.f32 v23, v20  }
0xcc: {  	v22 =	vld [tilespmem:s24+$0xFFFFFFD0];
	v23 =	vadd.f32 v19, v17;
	v17 =	vbroadcast v27, $0xF;
	v27 =	vadd.f32 v28, v25;
	v28, _, _ =	vpop (xrf2);
	(xrf2) =	vadd.scan.msk.f32 $0xffff, v16  }
0xcd: {  	v26 =	vmul.f32 v26, v26;
	v24 =	vmul.f32 v24, v24  }
0xce: {  	s26 =	simm.s32 $0x1  }
0xcf: {  	v29 =	vmov s26;
	v19 =	vld [tilespmem:s24+$0xFFFFFFE0];
	v24 =	vadd.f32 v24, v26;
	v26 =	vmul.f32 v21, v10  }
0xd0: {  	s26 =	simm.s32 $0x5;
	vm3 =	veq.s32 v29, v0;
	s25 =	sadd.s32 $0x380, s24;
	vm2 =	vmmov vm2;
	v25 =	vmul.f32 v21, v21;
	v21 =	vld [tilespmem:s24+$0xFFFFFFF0]  }
0xd1: {  	s3 =	simm.s32 $0x4;
	s12 =	simm.s32 $0x3;
	s13 =	simm.s32 $0x2;
	v26 =	vadd.f32 v26, v27;
	v27 =	vmul.f32 v22, v12;
	v16 =	vbroadcast v28, $0xF;
	(xrf2) =	vadd.scan.msk.f32 $0xffff, v23;
	v23 =	vld [tilespmem:s25+$0xFFFFFFA0]  }
.LBB2_6:
0xd2: {  	v29 =	vadd.f32 v25, v24;
	v22 =	vmul.f32 v22, v22  }
0xd3: {  	p0 =	sne.s32 s26, $0x9;
	v25 =	vld [tilespmem:s24+$0x0];
	v15 =	vsel vm3, v16, v15;
	vm4 =	vmmov vm2;
	vm2 =	vmmov vm3;
	s24 =	smov.u32 s25  }
0xd4: {  	v16 =	vld [tilespmem:s25+$0xFFFFFFB0];
	v26 =	vadd.f32 v27, v26;
	v27 =	vmul.f32 v19, v8;
	v19 =	vmul.f32 v19, v19  }
0xd5: {  	v18 =	vadd.f32 v18, v20;
	v5 =	vsel vm4, v17, v5;
	v22 =	vadd.f32 v22, v29  }
0xd6: {  	v28 =	vld [tilespmem:s25+$0xFFFFFFC0];
	v17 =	vadd.f32 v27, v26;
	v20 =	vmul.f32 v21, v11;
	v21 =	vmul.f32 v21, v21;
	v24, _, _ =	vpop (xrf2)  }
0xd7: {  	v26 =	vmul.f32 v23, v6;
	v23 =	vmul.f32 v23, v23;
	v27 =	vadd.f32 v19, v22;
	(xrf2) =	vadd.scan.msk.f32 $0xffff, v18  }
0xd8: {  	v22 =	vld [tilespmem:s25+$0xFFFFFFD0];
	v17 =	vadd.f32 v20, v17;
	v29 =	vmul.f32 v25, v9;
	v18 =	vmul.f32 v25, v25  }
.Ltmp1:
0xd9: {  	v25 =	vadd.f32 $0.0e+00, v26;
	v26 =	vmul.f32 v16, v7;
	v30 =	vmul.f32 v16, v16;
	(pc) =	sbr.rel @p0 .LBB2_6-.Ltmp1, $4  }
0xda: {  	v20 =	vadd.f32 v21, v27;
	v19 =	vld [tilespmem:s25+$0xFFFFFFE0];
	v27 =	vadd.f32 v29, v17;
	v17 =	vbroadcast v24, $0xF  }
0xdb: {  	v26 =	vadd.f32 v26, v25;
	v24 =	vadd.f32 v30, v23;
	v29 =	vmul.f32 v28, v10;
	v16, _, _ =	vpop (xrf2)  }
0xdc: {  	s25 =	sadd.s32 $0x380, s25;
	v25 =	vmul.f32 v28, v28;
	v28 =	vmov s13;
	s13 =	smov.u32 s12;
	s12 =	smov.u32 s3;
	v21 =	vld [tilespmem:s24+$0xFFFFFFF0];
	(xrf2) =	vadd.scan.msk.f32 $0xffff, v27;
	v16 =	vbroadcast v16, $0xF  }
0xdd: {  	s3 =	smov.u32 s26;
	s26 =	sadd.s32 $0x1, s26;
	vm3 =	veq.s32 v28, v0;
	v23 =	vld [tilespmem:s25+$0xFFFFFFA0];
	v26 =	vadd.f32 v29, v26;
	v27 =	vmul.f32 v22, v12  }
0xde: {  	_ = 	snop  }
0xdf: {  	v28 =	vld [tilespmem:s25+$0xFFFFFFB0];
	_ =	sdelay $0x1  }
0xe0: {  	v24 =	vadd.f32 v25, v24;
	v22 =	vmul.f32 v22, v22;
	v25 =	vld [tilespmem:s25+$0xFFFFFFC0]  }
0xe1: {  	v18 =	vadd.f32 v18, v20;
	v6 =	vmul.f32 v23, v6  }
0xe2: {  	v26 =	vadd.f32 v27, v26;
	v27 =	vmul.f32 v19, v8;
	v22 =	vadd.f32 v22, v24;
	v24 =	vld [tilespmem:s25+$0xFFFFFFD0]  }
0xe3: {  	v19 =	vmul.f32 v19, v19;
	v7 =	vmul.f32 v28, v7;
	v6 =	vadd.f32 $0.0e+00, v6  }
0xe4: {  	v20 =	vadd.f32 v27, v26;
	v27 =	vld [tilespmem:s25+$0xFFFFFFE0];
	v23 =	vmul.f32 v23, v23;
	v26 =	vmul.f32 v28, v28  }
0xe5: {  	v63 =	vld [tilespmem:s24+$0x0];
	v6 =	vadd.f32 v7, v6;
	v7 =	vmul.f32 v25, v10  }
0xe6: {  	v19 =	vadd.f32 v19, v22;
	v23 =	vadd.f32 v26, v23;
	v26 =	vld [tilespmem:s25+$0xFFFFFFF0];
	v25 =	vmul.f32 v25, v25  }
0xe7: {  	v12 =	vmul.f32 v24, v12;
	v10 =	vmul.f32 v21, v11;
	v6 =	vadd.f32 v7, v6  }
0xe8: {  	v22 =	vmul.f32 v24, v24;
	v7 =	vmul.f32 v21, v21;
	v21 =	vadd.f32 v25, v23;
	v23 =	vld [tilespmem:s25+$0x0]  }
0xe9: {  	v8 =	vmul.f32 v27, v8;
	v10 =	vadd.f32 v10, v20;
	v6 =	vadd.f32 v12, v6  }
0xea: {  	v20 =	vmul.f32 v27, v27;
	v12 =	vmul.f32 v63, v9;
	v21 =	vadd.f32 v22, v21  }
0xeb: {  	v22 =	vmul.f32 v63, v63;
	v6 =	vadd.f32 v8, v6;
	v8 =	vmul.f32 v26, v11  }
0xec: {  	v7 =	vadd.f32 v7, v19;
	v11 =	vmul.f32 v26, v26;
	v19 =	vadd.f32 v20, v21  }
0xed: {  	v10 =	vadd.f32 v12, v10;
	v6 =	vadd.f32 v8, v6;
	v8 =	vmul.f32 v23, v9  }
0xee: {  	(xrf2) =	vadd.scan.msk.f32 $0xffff, v18;
	v7 =	vadd.f32 v22, v7;
	v9 =	vmul.f32 v23, v23;
	v11 =	vadd.f32 v11, v19  }
0xef: {  	(xrf2) =	vadd.scan.msk.f32 $0xffff, v10;
	v6 =	vadd.f32 v8, v6  }
0xf0: {  	(xrf2) =	vadd.scan.msk.f32 $0xffff, v7;
	v7 =	vadd.f32 v9, v11  }
0xf1: {  	(xrf2) =	vadd.scan.msk.f32 $0xffff, v6  }
0xf2: {  	(xrf2) =	vadd.scan.msk.f32 $0xffff, v7;
	_ =	sdelay $0x3  }
0xf3: {  	v8 =	vmov s13;
	v6, _, _ =	vpop (xrf2)  }
0xf4: {  	vm2 =	vmmov vm2;
	vm4 =	vmmov vm3;
	v7, _, _ =	vpop (xrf2)  }
0xf5: {  	v5 =	vsel vm2, v17, v5;
	v10 =	vmov s12;
	v6 =	vbroadcast v6, $0xF;
	v9, _, _ =	vpop (xrf2)  }
0xf6: {  	vm4 =	vmmov vm4;
	vm13 =	veq.s32 v10, v0;
	vm2 =	veq.s32 v8, v0;
	v8, _, _ =	vpop (xrf2)  }
0xf7: {  	vm5 =	vmmov vm2;
	v5 =	vsel vm4, v6, v5;
	v6 =	vbroadcast v9, $0xF;
	v9, _, _ =	vpop (xrf2)  }
0xf8: {  	vm6 =	vmmov vm13;
	v11 =	vmov s3;
	vm5 =	vmmov vm5;
	v10, _, _ =	vpop (xrf2)  }
0xf9: {  	vm14 =	veq.s32 v11, v0;
	v5 =	vsel vm5, v6, v5;
	v6 =	vbroadcast v9, $0xF;
	v9, _, _ =	vpop (xrf2)  }
0xfa: {  	vm6 =	vmmov vm6;
	vm7 =	vmmov vm14;
	v9 =	vbroadcast v9, $0xF  }
0xfb: {  	vm15 =	vmmov vm7;
	v5 =	vsel vm6, v6, v5  }
0xfc: {  	v6 =	vmax.f32 v14, $1.000000020e-24;
	v5 =	vsel vm15, v9, v5  }
0xfd: {  	v9 =	vshra.s32 v6, $0x1;
	v6 =	vmul.f32 $5.000000000e-01, v6;
	v5 =	vmax.f32 v5, $1.000000020e-24  }
0xfe: {  	v9 =	vsub.s32 $0x5F3759DF, v9;
	v11 =	vshra.s32 v5, $0x1;
	v5 =	vmul.f32 $5.000000000e-01, v5  }
0xff: {  	v12 =	vmul.f32 v9, v6;
	v11 =	vsub.s32 $0x5F3759DF, v11  }
0x100: {  	v14 =	vmul.f32 v11, v5  }
0x101: {  	v12 =	vmul.f32 v9, v12  }
0x102: {  	v14 =	vmul.f32 v11, v14  }
0x103: {  	v12 =	vsub.f32 $1.500000000e+00, v12  }
0x104: {  	v14 =	vsub.f32 $1.500000000e+00, v14  }
0x105: {  	v9 =	vmul.f32 v9, v12  }
0x106: {  	v11 =	vmul.f32 v11, v14  }
0x107: {  	v12 =	vmul.f32 v9, v6  }
0x108: {  	v14 =	vmul.f32 v11, v5  }
0x109: {  	v12 =	vmul.f32 v12, v9  }
0x10a: {  	v14 =	vmul.f32 v14, v11  }
0x10b: {  	v12 =	vsub.f32 $1.500000000e+00, v12  }
0x10c: {  	v14 =	vsub.f32 $1.500000000e+00, v14  }
0x10d: {  	v9 =	vmul.f32 v12, v9  }
0x10e: {  	v11 =	vmul.f32 v14, v11  }
0x10f: {  	v6 =	vmul.f32 v9, v6  }
0x110: {  	v5 =	vmul.f32 v11, v5  }
0x111: {  	v6 =	vmul.f32 v6, v9  }
0x112: {  	v5 =	vmul.f32 v5, v11  }
0x113: {  	v7 =	vbroadcast v7, $0xF;
	v6 =	vsub.f32 $1.500000000e+00, v6  }
0x114: {  	v8 =	vbroadcast v8, $0xF;
	v12 =	vsel vm3, v16, v15;
	v5 =	vsub.f32 $1.500000000e+00, v5  }
0x115: {  	v10 =	vbroadcast v10, $0xF;
	v7 =	vsel vm2, v7, v12;
	v6 =	vmul.f32 v6, v9  }
0x116: {  	v7 =	vsel vm13, v8, v7;
	v5 =	vmul.f32 v5, v11  }
0x117: {  	v7 =	vsel vm14, v10, v7;
	v6 =	vmul.f32 v6, v13  }
0x118: {  	v5 =	vmul.f32 v5, v7  }
0x119: {  	v6 =	vnsel vm0, $0xCE6E6B28, v6  }
0x11a: {  	(xrf0) =	vmax.scan.msk.f32 $0xffff, v6;
	v5 =	vnsel vm1, $0xCE6E6B28, v5  }
0x11b: {  	(xrf0) =	vmax.scan.msk.f32 $0xffff, v5;
	_ =	sdelay $0x4  }
0x11c: {  	v7, _, _ =	vpop (xrf0)  }
0x11d: {  	v7 =	vbroadcast v7, $0xF;
	v8, _, _ =	vpop (xrf0)  }
0x11e: {  	v8 =	vbroadcast v8, $0xF  }
0x11f: {  	v6 =	vsub.f32 v6, v7  }
0x120: {  	v5 =	vsub.f32 v5, v8  }
0x121: {  	v6 =	vmul.f32 $1.442695020e+00, v6  }
0x122: {  	v5 =	vmul.f32 $1.442695020e+00, v5  }
0x123: {  	(erf) = vpow2.f32 v6  }
0x124: {  	(erf) = vpow2.f32 v5;
	_ =	sdelay $0x7  }
0x125: {  	v5 =	vpop (erf)  }
0x126: {  	(xrf2) =	vadd.scan.msk.f32 $0xffff, v5;
	v6 =	vpop (erf)  }
0x127: {  	(xrf2) =	vadd.scan.msk.f32 $0xffff, v6;
	_ =	sdelay $0x8  }
0x128: {  	v7, _, _ =	vpop (xrf2)  }
0x129: {  	v7 =	vbroadcast v7, $0xF;
	v8, _, _ =	vpop (xrf2)  }
0x12a: {  	v8 =	vbroadcast v8, $0xF  }
0x12b: {  	(erf) = vrcp.f32 v7  }
0x12c: {  	(erf) = vrcp.f32 v8;
	_ =	sdelay $0x7  }
0x12d: {  	v7 =	vpop (erf)  }
0x12e: {  	v7 =	vmul.f32 v7, v5;
	v5 =	vpop (erf)  }
0x12f: {  	v5 =	vmul.f32 v5, v6  }
0x130: {  	v6 =	vmul.f32 v7, v1  }
0x131: {  	v8 =	vmul.f32 v5, v2  }
0x132: {  	(xrf2) =	vadd.scan.msk.f32 $0xffff, v6;
	v6 =	vmul.f32 v7, v3  }
0x133: {  	(xrf2) =	vadd.scan.msk.f32 $0xffff, v8;
	v8 =	vmul.f32 v5, v4  }
0x134: {  	(xrf2) =	vadd.scan.msk.f32 $0xffff, v6  }
0x135: {  	(xrf2) =	vadd.scan.msk.f32 $0xffff, v8;
	_ =	sdelay $0x6  }
0x136: {  	v6, _, _ =	vpop (xrf2)  }
0x137: {  	(v2sf) =	vpush v6, $0xF;
	v8, _, _ =	vpop (xrf2)  }
0x138: {  	(v2sf) =	vpush v8, $0xF;
	v6, _, _ =	vpop (xrf2)  }
0x139: {  	(v2sf) =	vpush v6, $0xF;
	v6, _, _ =	vpop (xrf2)  }
0x13a: {  	(v2sf) =	vpush v6, $0xF;
	_ =	sdelay $0xb  }
0x13b: {  	s13 =	spop (v2sf)  }
0x13c: {  	s24 =	spop (v2sf)  }
0x13d: {  	s25 =	spop (v2sf)  }
0x13e: {  	s3 =	sadd.f32 s24, s13;
	s26 =	spop (v2sf)  }
0x13f: {  	s12 =	sadd.f32 s26, s25  }
0x140: {  	s3 =	sadd.f32 s3, s15  }
0x141: {  	s12 =	sadd.f32 s12, s16;
	_ =	sdelay $0x1  }
0x142: {  	s3 =	ssub.f32 s12, s3;
	_ =	sdelay $0x1  }
0x143: {  	v6 =	vmov s3  }
0x144: {  	v6 =	vmul.f32 $1.442695020e+00, v6;
	_ =	sdelay $0x1  }
0x145: {  	v6 =	vbroadcast v6, $0x0;
	_ =	sdelay $0x1  }
0x146: {  	(erf) = vpow2.f32 v6;
	_ =	sdelay $0x8  }
0x147: {  	v6 =	vpop (erf)  }
0x148: {  	v6 =	vadd.f32 $1.000000000e+00, v6;
	_ =	sdelay $0x1  }
0x149: {  	(erf) = vrcp.f32 v6;
	_ =	sdelay $0x8  }
0x14a: {  	s13 =	simm.s32 $0x0;
	v6 =	vpop (erf)  }
0x14b: {  	v9 =	vmov s13;
	v8 =	vmul.f32 v6, v7  }
0x14c: {  	vm2 =	veq.s32 v9, v0  }
0x14d: {  	v9 =	vnsel vm2, $0x0, v8  }
0x14e: {  	(xrf2) =	vadd.scan.msk.f32 $0xffff, v9;
	_ =	sdelay $0x1  }
0x14f: {  	s24 =	simm.s32 $0x1  }
0x150: {  	v9 =	vmov s24  }
0x151: {  	vm2 =	veq.s32 v9, v0  }
0x152: {  	v20 =	vld [tilespmem:s8+$0x10];
	v9 =	vnsel vm2, $0x0, v8  }
0x153: {  	v15 =	vld [tilespmem:s8+$0x0];
	(xrf2) =	vadd.scan.msk.f32 $0xffff, v9  }
0x154: {  	v10 =	vld [tilespmem:s8+$0xFFFFFFC0]  }
0x155: {  	v9 =	vld [tilespmem:s8+$0x30]  }
0x156: {  	v11 =	vld [tilespmem:s8+$0xFFFFFFD0]  }
0x157: {  	v14 =	vld [tilespmem:s8+$0xFFFFFFF0];
	s25 =	simm.s32 $0x2;
	v13, _, _ =	vpop (xrf2)  }
0x158: {  	v12 =	vld [tilespmem:s8+$0xFFFFFFE0];
	v16 =	vbroadcast v13, $0xF;
	v13 =	vmov s25  }
0x159: {  	vm2 =	veq.s32 v13, v0  }
0x15a: {  	v21 =	vld [tilespmem:s8+$0x20];
	s26 =	simm.s32 $0x3;
	s3 =	sadd.s32 $0x400, s8;
	v9 =	vmul.f32 v9, v16;
	v23 =	vnsel vm2, $0x0, v8  }
0x15b: {  	v24 =	vmov s26;
	v25 =	vld [tilespmem:s3+$0x30];
	v10 =	vmul.f32 v10, v16;
	v17 =	vmul.f32 v11, v16;
	(xrf2) =	vadd.scan.msk.f32 $0xffff, v23  }
0x15c: {  	v19 =	vld [tilespmem:s3+$0xFFFFFFC0];
	v7 =	vimm.f32 $0.0e+00;
	v14 =	vmul.f32 v14, v16;
	v22 =	vmul.f32 v15, v16  }
0x15d: {  	v18 =	vld [tilespmem:s3+$0xFFFFFFD0];
	v26 =	vmul.f32 v20, v16;
	v11 =	vadd.f32 v10, v7;
	v10 =	vmul.f32 v12, v16;
	v12, _, _ =	vpop (xrf2)  }
0x15e: {  	v13 =	vadd.f32 v9, v7;
	v9 =	vadd.f32 v17, v7;
	v17 =	vld [tilespmem:s3+$0xFFFFFFE0];
	v12 =	vbroadcast v12, $0xF  }
0x15f: {  	v20 =	vld [tilespmem:s3+$0xFFFFFFF0];
	v15 =	vadd.f32 v14, v7;
	v14 =	vadd.f32 v22, v7;
	v22 =	vmul.f32 v21, v16  }
0x160: {  	s12 =	simm.s32 $0x4;
	v21 =	vld [tilespmem:s3+$0x0];
	v16 =	vadd.f32 v26, v7;
	v10 =	vadd.f32 v10, v7;
	v23 =	vmul.f32 v25, v12  }
.LBB2_8:
0x161: {  	p0 =	seq.s32 s12, $0x6;
	vm2 =	veq.s32 v24, v0;
	v19 =	vmul.f32 v19, v12;
	v24 =	vld [tilespmem:s3+$0x10];
	v7 =	vadd.f32 v22, v7  }
0x162: {  	v22 =	vnsel vm2, $0x0, v8;
	v18 =	vmul.f32 v18, v12;
	v25 =	vld [tilespmem:s3+$0x20];
	v13 =	vadd.f32 v23, v13;
	s3 =	sadd.s32 $0x400, s3  }
0x163: {  	(xrf2) =	vadd.scan.msk.f32 $0xffff, v22;
	v23 =	vld [tilespmem:s3+$0x30];
	v11 =	vadd.f32 v19, v11;
	v17 =	vmul.f32 v17, v12  }
.Ltmp2:
0x164: {  	v19 =	vld [tilespmem:s3+$0xFFFFFFC0];
	v9 =	vadd.f32 v18, v9;
	v20 =	vmul.f32 v20, v12;
	(pc) =	sbr.rel @!p0 .LBB2_8-.Ltmp2, $4  }
0x165: {  	v18 =	vld [tilespmem:s3+$0xFFFFFFD0];
	v22, _, _ =	vpop (xrf2);
	v10 =	vadd.f32 v17, v10;
	v21 =	vmul.f32 v21, v12  }
0x166: {  	v26 =	vbroadcast v22, $0xF;
	v17 =	vld [tilespmem:s3+$0xFFFFFFE0];
	v15 =	vadd.f32 v20, v15;
	v27 =	vmul.f32 v24, v12  }
0x167: {  	v20 =	vld [tilespmem:s3+$0xFFFFFFF0];
	v14 =	vadd.f32 v21, v14;
	v22 =	vmul.f32 v25, v12  }
0x168: {  	v24 =	vmov s12;
	s12 =	sadd.s32 $0x1, s12;
	v21 =	vld [tilespmem:s3+$0x0];
	v23 =	vmul.f32 v23, v26;
	v16 =	vadd.f32 v27, v16;
	v12 =	vmovc v26  }
0x169: {  	v25 =	vld [tilespmem:s3+$0x10]  }
0x16a: {  	v26 =	vld [tilespmem:s3+$0x20];
	s13 =	sadd.s32 $0x400, s3  }
0x16b: {  	vm2 =	veq.s32 v24, v0;
	v27 =	vld [tilespmem:s13+$0x30]  }
0x16c: {  	v54 =	vld [tilespmem:s13+$0xFFFFFFC0];
	v8 =	vnsel vm2, $0x0, v8  }
0x16d: {  	v19 =	vmul.f32 v19, v12;
	v6 =	vsub.f32 $1.000000000e+00, v6;
	v28 =	vld [tilespmem:s13+$0xFFFFFFD0];
	(xrf2) =	vadd.scan.msk.f32 $0xffff, v8  }
0x16e: {  	v7 =	vadd.f32 v22, v7;
	v29 =	vld [tilespmem:s13+$0xFFFFFFF0];
	v18 =	vmul.f32 v18, v12  }
0x16f: {  	s24 =	simm.s32 $0x0;
	v30 =	vld [tilespmem:s13+$0x0];
	v11 =	vadd.f32 v19, v11;
	v17 =	vmul.f32 v17, v12;
	v5 =	vmul.f32 v6, v5  }
0x170: {  	v22 =	vld [tilespmem:s13+$0x10];
	v6 =	vmov s24;
	v19 =	vmul.f32 v20, v12;
	v9 =	vadd.f32 v18, v9;
	v20, _, _ =	vpop (xrf2)  }
0x171: {  	v8 =	vld [tilespmem:s13+$0xFFFFFFE0];
	vm2 =	veq.s32 v6, v0;
	v18 =	vmul.f32 v21, v12;
	v20 =	vbroadcast v20, $0xF  }
0x172: {  	v13 =	vadd.f32 v23, v13;
	v23 =	vld [tilespmem:s13+$0x20];
	s3 =	sadd.s32 $0x400, s13;
	v10 =	vadd.f32 v17, v10;
	v6 =	vnsel vm2, $0x0, v5  }
0x173: {  	s25 =	simm.s32 $0x1;
	v55 =	vld [tilespmem:s3+$0xFFFFFFD0];
	v17 =	vmul.f32 v25, v12;
	v14 =	vadd.f32 v18, v14;
	v18 =	vmul.f32 v27, v20  }
0x174: {  	v57 =	vld [tilespmem:s3+$0xFFFFFFE0];
	v15 =	vadd.f32 v19, v15;
	v12 =	vmul.f32 v26, v12;
	(xrf2) =	vadd.scan.msk.f32 $0xffff, v6;
	v6 =	vmov s25  }
0x175: {  	v21 =	vld [tilespmem:s3+$0x30];
	v16 =	vadd.f32 v17, v16;
	v17 =	vmul.f32 v54, v20;
	v56 =	vmul.f32 v28, v20  }
0x176: {  	v19 =	vld [tilespmem:s3+$0xFFFFFFC0];
	v7 =	vadd.f32 v12, v7;
	v8 =	vmul.f32 v8, v20;
	v12 =	vadd.f32 v18, v13  }
0x177: {  	v58 =	vld [tilespmem:s3+$0x0];
	v11 =	vadd.f32 v17, v11;
	v17 =	vadd.f32 v56, v9;
	v9 =	vmul.f32 v29, v20;
	v18, _, _ =	vpop (xrf2)  }
0x178: {  	v13 =	vld [tilespmem:s3+$0xFFFFFFF0];
	v59 =	vadd.f32 v8, v10;
	v8 =	vmul.f32 v30, v20;
	v60 =	vbroadcast v18, $0xF  }
0x179: {  	v10 =	vmul.f32 v23, v20;
	v15 =	vadd.f32 v9, v15;
	v9 =	vmul.f32 v22, v20;
	v20 =	vld [tilespmem:s3+$0x20]  }
0x17a: {  	v61 =	vld [tilespmem:s3+$0x10];
	vm2 =	veq.s32 v6, v0;
	v14 =	vadd.f32 v8, v14;
	v8 =	vmul.f32 v21, v60  }
0x17b: {  	v6 =	vnsel vm2, $0x0, v5;
	v7 =	vadd.f32 v10, v7;
	v18 =	vmul.f32 v19, v60  }
0x17c: {  	v19 =	vadd.f32 v9, v16;
	v16 =	vmul.f32 v55, v60;
	v9 =	vadd.f32 v8, v12  }
0x17d: {  	(xrf2) =	vadd.scan.msk.f32 $0xffff, v6;
	v6 =	vld [tilespmem:s9+$0x0];
	v10 =	vadd.f32 v18, v11;
	v11 =	vmul.f32 v57, v60;
	v12 =	vmul.f32 v13, v60  }
0x17e: {  	v21 =	vld [tilespmem:s9+$0xFFFFFFE0];
	v8 =	vadd.f32 v16, v17;
	v13 =	vmul.f32 v58, v60;
	v17 =	vmul.f32 v20, v60  }
0x17f: {  	v18 =	vadd.f32 v11, v59;
	v11 =	vmul.f32 v61, v60;
	v16 =	vadd.f32 v12, v15;
	v12 =	vld [tilespmem:s9+$0xFFFFFFA0]  }
0x180: {  	v7 =	vadd.f32 v17, v7;
	v17 =	vld [tilespmem:s9+$0xFFFFFFB0]  }
0x181: {  	v13 =	vadd.f32 v13, v14;
	v15, _, _ =	vpop (xrf2);
	v14 =	vadd.f32 v11, v19;
	v11 =	vld [tilespmem:s9+$0xFFFFFF90]  }
0x182: {  	s26 =	simm.s32 $0x2;
	v19 =	vbroadcast v15, $0xF;
	v15 =	vld [tilespmem:s9+$0xFFFFFFC0]  }
0x183: {  	v22 =	vmov s26;
	v20 =	vld [tilespmem:s9+$0xFFFFFFD0]  }
0x184: {  	vm2 =	veq.s32 v22, v0;
	v6 =	vmul.f32 v6, v19  }
0x185: {  	v23 =	vld [tilespmem:s9+$0xFFFFFFF0];
	s3 =	sadd.s32 $0x400, s9;
	v63 =	vmul.f32 v21, v19;
	v21 =	vnsel vm2, $0x0, v5  }
0x186: {  	v62 =	vld [tilespmem:s3+$0x0];
	v12 =	vmul.f32 v12, v19;
	(xrf2) =	vadd.scan.msk.f32 $0xffff, v21;
	v9 =	vadd.f32 v6, v9;
	v6 =	vmul.f32 v17, v19  }
0x187: {  	v17 =	vld [tilespmem:s3+$0xFFFFFF90];
	v11 =	vmul.f32 v11, v19;
	v22 =	vmul.f32 v15, v19  }
0x188: {  	v12 =	vadd.f32 v12, v8;
	v15 =	vld [tilespmem:s3+$0xFFFFFFA0];
	v8, _, _ =	vpop (xrf2);
	v6 =	vadd.f32 v6, v18;
	v18 =	vmul.f32 v20, v19  }
0x189: {  	v11 =	vadd.f32 v11, v10;
	v10 =	vbroadcast v8, $0xF;
	v8 =	vadd.f32 v22, v16;
	v16 =	vld [tilespmem:s3+$0xFFFFFFB0]  }
0x18a: {  	s12 =	simm.s32 $0x3;
	v20 =	vmul.f32 v23, v19;
	v13 =	vadd.f32 v18, v13;
	v18 =	vld [tilespmem:s3+$0xFFFFFFC0]  }
0x18b: {  	v14 =	vadd.f32 v63, v14;
	v19 =	vld [tilespmem:s3+$0xFFFFFFD0];
	v22 =	vmov s12;
	s12 =	simm.s32 $0x4;
	v21 =	vmul.f32 v62, v10  }
.LBB2_10:
0x18c: {  	p0 =	sne.s32 s12, $0x9;
	vm2 =	veq.s32 v22, v0;
	v17 =	vmul.f32 v17, v10;
	v22 =	vld [tilespmem:s3+$0xFFFFFFE0];
	v7 =	vadd.f32 v20, v7  }
0x18d: {  	v20 =	vnsel vm2, $0x0, v5;
	v15 =	vmul.f32 v15, v10;
	v23 =	vld [tilespmem:s3+$0xFFFFFFF0];
	v9 =	vadd.f32 v21, v9;
	s3 =	sadd.s32 $0x400, s3  }
0x18e: {  	(xrf2) =	vadd.scan.msk.f32 $0xffff, v20;
	v21 =	vld [tilespmem:s3+$0x0];
	v11 =	vadd.f32 v17, v11;
	v16 =	vmul.f32 v16, v10  }
.Ltmp3:
0x18f: {  	v17 =	vld [tilespmem:s3+$0xFFFFFF90];
	v12 =	vadd.f32 v15, v12;
	v18 =	vmul.f32 v18, v10;
	(pc) =	sbr.rel @p0 .LBB2_10-.Ltmp3, $4  }
0x190: {  	v15 =	vld [tilespmem:s3+$0xFFFFFFA0];
	v20, _, _ =	vpop (xrf2);
	v6 =	vadd.f32 v16, v6;
	v19 =	vmul.f32 v19, v10  }
0x191: {  	v24 =	vbroadcast v20, $0xF;
	v16 =	vld [tilespmem:s3+$0xFFFFFFB0];
	v8 =	vadd.f32 v18, v8;
	v25 =	vmul.f32 v22, v10  }
0x192: {  	v18 =	vld [tilespmem:s3+$0xFFFFFFC0];
	v13 =	vadd.f32 v19, v13;
	v20 =	vmul.f32 v23, v10  }
0x193: {  	v22 =	vmov s12;
	s12 =	sadd.s32 $0x1, s12;
	v19 =	vld [tilespmem:s3+$0xFFFFFFD0];
	v21 =	vmul.f32 v21, v24;
	v14 =	vadd.f32 v25, v14;
	v10 =	vmovc v24  }
0x194: {  	vm2 =	veq.s32 v22, v0;
	v32 =	vld [tilespmem:s3+$0xFFFFFFE0]  }
0x195: {  	v23 =	vld [tilespmem:s3+$0xFFFFFFF0];
	s25 =	sadd.s32 $0x400, s3;
	v5 =	vnsel vm2, $0x0, v5  }
0x196: {  	v24 =	vld [tilespmem:s25+$0xFFFFFF90];
	(xrf2) =	vadd.scan.msk.f32 $0xffff, v5  }
0x197: {  	v25 =	vld [tilespmem:s25+$0xFFFFFFA0]  }
0x198: {  	v26 =	vld [tilespmem:s25+$0xFFFFFFB0]  }
0x199: {  	v27 =	vld [tilespmem:s25+$0xFFFFFFC0]  }
0x19a: {  	v17 =	vmul.f32 v17, v10;
	v33 =	vld [tilespmem:s25+$0xFFFFFFD0]  }
0x19b: {  	v7 =	vadd.f32 v20, v7;
	v15 =	vmul.f32 v15, v10;
	v34 =	vld [tilespmem:s25+$0xFFFFFFE0]  }
0x19c: {  	v9 =	vadd.f32 v21, v9;
	v37 =	vld [tilespmem:s25+$0xFFFFFFF0];
	v11 =	vadd.f32 v17, v11;
	v16 =	vmul.f32 v16, v10;
	v36, _, _ =	vpop (xrf2)  }
0x19d: {  	s3 =	sadd.s32 $0x400, s25;
	v5 =	vld [tilespmem:s25+$0x0];
	v12 =	vadd.f32 v15, v12;
	v35 =	vmul.f32 v18, v10;
	v38 =	vbroadcast v36, $0xF  }
0x19e: {  	v40 =	vld [tilespmem:s3+$0xFFFFFF90];
	v19 =	vmul.f32 v19, v10;
	v6 =	vadd.f32 v16, v6;
	v39 =	vmul.f32 v32, v10  }
0x19f: {  	v42 =	vld [tilespmem:s3+$0xFFFFFFA0];
	v8 =	vadd.f32 v35, v8;
	v41 =	vmul.f32 v23, v10;
	v43 =	vmul.f32 v24, v38  }
0x1a0: {  	v46 =	vld [tilespmem:s3+$0xFFFFFFB0];
	v13 =	vadd.f32 v19, v13;
	v44 =	vmul.f32 v25, v38;
	v47 =	vmul.f32 v26, v38;
	v45, _, _ =	vpop (xrf2)  }
0x1a1: {  	v48 =	vld [tilespmem:s3+$0xFFFFFFC0];
	v14 =	vadd.f32 v39, v14;
	v49 =	vmul.f32 v27, v38;
	v23 =	vbroadcast v45, $0xF  }
0x1a2: {  	v50 =	vld [tilespmem:s3+$0xFFFFFFD0];
	v7 =	vadd.f32 v41, v7;
	v20 =	vmul.f32 v33, v38;
	v5 =	vmul.f32 v5, v38  }
0x1a3: {  	v52 =	vld [tilespmem:s3+$0xFFFFFFE0];
	v56 =	vmul.f32 v34, v38;
	v11 =	vadd.f32 v43, v11;
	v51 =	vmul.f32 v40, v23  }
0x1a4: {  	v53 =	vld [tilespmem:s3+$0xFFFFFFF0];
	v16 =	vmul.f32 v37, v38;
	v12 =	vadd.f32 v44, v12;
	v15 =	vmul.f32 v42, v23  }
0x1a5: {  	s26 =	sshll.u32 s11, $0x7;
	v54 =	vld [tilespmem:s3+$0x0];
	v6 =	vadd.f32 v47, v6;
	v55 =	vmul.f32 v46, v23;
	v10 =	vadd.f32 v51, v11  }
0x1a6: {  	s3 =	sand.u32 $0x3FFFFF80, s26;
	v8 =	vadd.f32 v49, v8;
	v57 =	vmul.f32 v48, v23;
	v12 =	vadd.f32 v15, v12  }
0x1a7: {  	v13 =	vadd.f32 v20, v13;
	v58 =	vmul.f32 v50, v23;
	v6 =	vadd.f32 v55, v6;
	[tilespmem:s3+$0x18180] =	vst v10  }
0x1a8: {  	s10 =	sadd.s32 $0x1, s10;
	v59 =	vadd.f32 v56, v14;
	v60 =	vmul.f32 v52, v23;
	v8 =	vadd.f32 v57, v8;
	[tilespmem:s3+$0x18190] =	vst v12  }
0x1a9: {  	p0 =	sne.s32 s10, $0x8;
	v7 =	vadd.f32 v16, v7;
	v62 =	vmul.f32 v53, v23;
	v61 =	vadd.f32 v58, v13;
	[tilespmem:s3+$0x181A0] =	vst v6  }
.Ltmp4:
0x1aa: {  	v5 =	vadd.f32 v5, v9;
	v63 =	vadd.f32 v60, v59;
	v6 =	vmul.f32 v54, v23;
	[tilespmem:s3+$0x181B0] =	vst v8;
	(pc) =	sbr.rel @p0 .LBB2_3-.Ltmp4, $4  }
0x1ab: {  	v7 =	vadd.f32 v62, v7;
	[tilespmem:s3+$0x181C0] =	vst v61  }
0x1ac: {  	[tilespmem:s3+$0x181D0] =	vst v63;
	v5 =	vadd.f32 v6, v5  }
0x1ad: {  	s6 =	sadd.s32 $0x70, s6;
	[tilespmem:s3+$0x181E0] =	vst v7  }
0x1ae: {  	s7 =	sadd.s32 $0x70, s7;
	s8 =	sadd.s32 $0x80, s8;
	s9 =	sadd.s32 $0x80, s9;
	[tilespmem:s3+$0x181F0] =	vst v5  }
0x1af: {  	s0 =	smin.u32 s0, $0xD  }
0x1b0: {  	s0 =	smul.u32 $0x90, s0;
	_ =	sdelay $0x1  }
0x1b1: {  	s3 =	sadd.s32 $0x120, s0  }
0x1b2: {  	[tilespmem:s18], [sflag:$0x1] =	stream.indirect.gather [hbm4b:s4+s17], $0x70, s3, s17, $0xb8;
	[tilespmem:$0x1C180] =	vst v63  }
0x1b3: {  	s25 =	sadd.s32 $0x168, s0  }
0x1b4: {  	[tilespmem:s20], [sflag:$0x1] =	stream.indirect.gather [hbm4b:s4+s17], $0x70, s25, s17, $0xb8;
	[tilespmem:$0x1C180] =	vst v63  }
0x1b5: {  	s26 =	sadd.s32 $0xA20, s0  }
0x1b6: {  	[tilespmem:s21], [sflag:$0x3] =	stream.indirect.gather [hbm4b:s2+s17], $0x80, s26, s17, $0xb8;
	[tilespmem:$0x1C180] =	vst v63  }
0x1b7: {  	s0 =	sadd.s32 $0xA68, s0  }
0x1b8: {  	[tilespmem:s23], [sflag:$0x3] =	stream.indirect.gather [hbm4b:s2+s17], $0x80, s0, s17, $0xb8;
	[tilespmem:$0x1C180] =	vst v63  }
0x1b9: {  	_ =	swait.ge [sflag:s31], $0x1DC0  }
0x1ba: {  	[sflag:s31] =	ssyncset.done $0x0  }
0x1bb: {  	[sflag:s31] =	ssyncadd.s32 $0xFFFFE240  }
0x1bc: {  	_ =	swait.ge [sflag:s31], $0x1DC0  }
0x1bd: {  	[sflag:s31] =	ssyncset.done $0x0  }
0x1be: {  	[sflag:s31] =	ssyncadd.s32 $0xFFFFE240  }
0x1bf: {  	_ =	swait.ge [sflag:s1], $0x2200  }
0x1c0: {  	[sflag:s1] =	ssyncset.done $0x0  }
0x1c1: {  	s5 =	simm.s32 $0x0;
	[sflag:s1] =	ssyncadd.s32 $0xFFFFDE00  }
0x1c2: {  	s6 =	simm.s32 $0x4DB0;
	s7 =	simm.s32 $0x6660;
	_ =	swait.ge [sflag:s1], $0x2200  }
0x1c3: {  	s8 =	simm.s32 $0xCD40;
	s9 =	simm.s32 $0xE970;
	[sflag:s1] =	ssyncset.done $0x0  }
0x1c4: {  	s10 =	simm.s32 $0x0;
	s0 =	sshll.u32 s22, $0x3;
	[sflag:s1] =	ssyncadd.s32 $0xFFFFDE00  }
.LBB2_13:
0x1c5: {  	s11 =	sadd.s32 s0, s10;
	v5 =	vld [tilespmem:s6+$0xFFFFFFD0]  }
0x1c6: {  	v6 =	vld [tilespmem:s6+$0xFFFFFFE0];
	s3 =	smul.u32 $0x70, s11  }
0x1c7: {  	v7 =	vld [tilespmem:s6+$0xFFFFFFF0]  }
0x1c8: {  	v19 =	vld [tilespmem:s3+$0x11100]  }
0x1c9: {  	v9 =	vld [tilespmem:s6+$0x0]  }
0x1ca: {  	v18 =	vld [tilespmem:s3+$0x11110]  }
0x1cb: {  	v11 =	vld [tilespmem:s6+$0x10]  }
0x1cc: {  	v17 =	vld [tilespmem:s3+$0x11120]  }
0x1cd: {  	v20 =	vld [tilespmem:s6+$0x20];
	v8 =	vmul.f32 v5, v19  }
0x1ce: {  	s12 =	sadd.s32 $0x380, s6;
	v16 =	vld [tilespmem:s3+$0x11130]  }
0x1cf: {  	v12 =	vld [tilespmem:s12+$0xFFFFFFD0];
	v10 =	vmul.f32 v6, v18;
	v8 =	vadd.f32 $0.0e+00, v8  }
0x1d0: {  	v15 =	vld [tilespmem:s3+$0x11140]  }
0x1d1: {  	v21 =	vld [tilespmem:s12+$0xFFFFFFE0];
	v8 =	vadd.f32 v10, v8;
	v10 =	vmul.f32 v7, v17  }
0x1d2: {  	v14 =	vld [tilespmem:s3+$0x11150];
	v5 =	vmul.f32 v5, v5;
	v6 =	vmul.f32 v6, v6  }
0x1d3: {  	v22 =	vld [tilespmem:s6+$0x30];
	v8 =	vadd.f32 v10, v8;
	v10 =	vmul.f32 v9, v16  }
0x1d4: {  	v13 =	vld [tilespmem:s3+$0x11160];
	v6 =	vadd.f32 v6, v5  }
0x1d5: {  	v7 =	vmul.f32 v7, v7;
	v8 =	vadd.f32 v10, v8;
	v10 =	vmul.f32 v11, v15  }
0x1d6: {  	v23 =	vld [tilespmem:s12+$0xFFFFFFF0];
	v24 =	vmul.f32 v12, v19;
	v25 =	vmul.f32 v21, v18  }
0x1d7: {  	v6 =	vadd.f32 v7, v6;
	v7 =	vadd.f32 v10, v8;
	v8 =	vmul.f32 v20, v14  }
0x1d8: {  	v12 =	vmul.f32 v12, v12;
	v24 =	vadd.f32 $0.0e+00, v24;
	v9 =	vmul.f32 v9, v9;
	v10 =	vld [tilespmem:s12+$0x0]  }
0x1d9: {  	v21 =	vmul.f32 v21, v21;
	v7 =	vadd.f32 v8, v7;
	v8 =	vmul.f32 v22, v13  }
0x1da: {  	v26 =	vld [tilespmem:s12+$0x10];
	s13 =	sadd.s32 $0x380, s12;
	v11 =	vmul.f32 v11, v11;
	v6 =	vadd.f32 v9, v6;
	v9 =	vadd.f32 v25, v24  }
0x1db: {  	v24 =	vmul.f32 v23, v17;
	v25 =	vld [tilespmem:s13+$0xFFFFFFD0];
	v20 =	vmul.f32 v20, v20;
	v7 =	vadd.f32 v8, v7  }
0x1dc: {  	v6 =	vadd.f32 v11, v6;
	v11 =	vadd.f32 v21, v12;
	v12 =	vmul.f32 v23, v23;
	v8 =	vld [tilespmem:s12+$0x20]  }
0x1dd: {  	v9 =	vadd.f32 v24, v9;
	v21 =	vmul.f32 v22, v22;
	v22 =	vld [tilespmem:s13+$0xFFFFFFE0];
	v24 =	vmul.f32 v10, v16;
	(xrf2) =	vadd.scan.msk.f32 $0xffff, v7  }
0x1de: {  	v6 =	vadd.f32 v20, v6;
	v11 =	vadd.f32 v12, v11;
	v10 =	vmul.f32 v10, v10;
	v7 =	vld [tilespmem:s12+$0x30]  }
0x1df: {  	v23 =	vmul.f32 v26, v15;
	v12 =	vmul.f32 v26, v26;
	v9 =	vadd.f32 v24, v9  }
0x1e0: {  	v20 =	vld [tilespmem:s13+$0xFFFFFFF0];
	v10 =	vadd.f32 v10, v11;
	v11 =	vadd.f32 v21, v6;
	v21 =	vmul.f32 v25, v19  }
0x1e1: {  	v24 =	vmul.f32 v25, v25;
	v9 =	vadd.f32 v23, v9;
	v23 =	vmul.f32 v8, v14  }
0x1e2: {  	v25 =	vld [tilespmem:s13+$0x0];
	v26 =	vmul.f32 v22, v18;
	v21 =	vadd.f32 $0.0e+00, v21;
	v10 =	vadd.f32 v12, v10  }
0x1e3: {  	v12 =	vmul.f32 v22, v22;
	v9 =	vadd.f32 v23, v9;
	v23 =	vmul.f32 v7, v13  }
0x1e4: {  	v8 =	vmul.f32 v8, v8  }
0x1e5: {  	v21 =	vadd.f32 v26, v21;
	v9 =	vadd.f32 v23, v9;
	v23 =	vmul.f32 v20, v17  }
0x1e6: {  	s14 =	sadd.s32 $0x380, s13;
	v22 =	vld [tilespmem:s13+$0x10];
	(xrf2) =	vadd.scan.msk.f32 $0xffff, v11;
	v11 =	vmul.f32 v20, v20;
	v8 =	vadd.f32 v8, v10;
	v10 =	vadd.f32 v12, v24  }
0x1e7: {  	v26 =	vld [tilespmem:s14+$0xFFFFFFD0];
	v20 =	vadd.f32 v23, v21;
	v21 =	vmul.f32 v25, v16;
	v12, _, _ =	vpop (xrf2);
	(xrf2) =	vadd.scan.msk.f32 $0xffff, v9;
	v9 =	vmov s5  }
0x1e8: {  	vm2 =	veq.s32 v9, v0;
	v9 =	vadd.f32 v11, v10;
	v11 =	vmul.f32 v25, v25;
	v25 =	vld [tilespmem:s14+$0xFFFFFFE0]  }
0x1e9: {  	v29 =	vld [tilespmem:s14+$0xFFFFFFF0]  }
0x1ea: {  	v6 =	vld [tilespmem:s3+$0x14900];
	v27 =	vmul.f32 v7, v7  }
0x1eb: {  	v24 =	vld [tilespmem:s13+$0x20];
	v28 =	vmul.f32 v22, v15  }
0x1ec: {  	v7 =	vld [tilespmem:s3+$0x14910];
	v32 =	vadd.f32 v27, v8;
	v27 =	vmul.f32 v26, v19;
	v12 =	vbroadcast v12, $0xF  }
0x1ed: {  	v5 =	vimm.f32 $0.0e+00;
	v23 =	vld [tilespmem:s13+$0x30];
	v30 =	vmul.f32 v25, v18;
	v25 =	vmul.f32 v25, v25  }
0x1ee: {  	v8 =	vld [tilespmem:s3+$0x14940];
	v22 =	vmul.f32 v22, v22;
	v21 =	vadd.f32 v21, v20;
	v9 =	vadd.f32 v11, v9  }
0x1ef: {  	v26 =	vmul.f32 v26, v26;
	v10 =	vld [tilespmem:s3+$0x14920];
	v27 =	vadd.f32 $0.0e+00, v27;
	v20 =	vsel vm2, v12, v5  }
0x1f0: {  	v11 =	vadd.f32 v28, v21;
	v21 =	vmul.f32 v24, v14;
	v12 =	vld [tilespmem:s3+$0x14930];
	v31, _, _ =	vpop (xrf2);
	v9 =	vadd.f32 v22, v9  }
0x1f1: {  	s26 =	simm.s32 $0x1;
	v24 =	vmul.f32 v24, v24;
	v28 =	vld [tilespmem:s14+$0x0];
	v33 =	vadd.f32 v30, v27;
	v30 =	vadd.f32 v25, v26;
	v25, _, _ =	vpop (xrf2);
	(xrf2) =	vadd.scan.msk.f32 $0xffff, v32  }
0x1f2: {  	v35 =	vmov s26;
	v21 =	vadd.f32 v21, v11;
	v22 =	vmul.f32 v23, v13;
	v11 =	vld [tilespmem:s3+$0x14950]  }
0x1f3: {  	vm3 =	veq.s32 v35, v0;
	v34 =	vmul.f32 v29, v17;
	v24 =	vadd.f32 v24, v9;
	v9 =	vld [tilespmem:s3+$0x14960]  }
0x1f4: {  	s22 =	sadd.s32 $0x380, s14;
	vm2 =	vmmov vm2;
	v23 =	vmul.f32 v23, v23;
	v21 =	vadd.f32 v22, v21;
	v27 =	vld [tilespmem:s14+$0x10]  }
0x1f5: {  	s24 =	simm.s32 $0x5;
	v22 =	vbroadcast v31, $0xF;
	v31 =	vmul.f32 v29, v29;
	v29 =	vld [tilespmem:s22+$0xFFFFFFD0];
	v32 =	vadd.f32 v34, v33  }
0x1f6: {  	s12 =	simm.s32 $0x3;
	s13 =	simm.s32 $0x2;
	s3 =	simm.s32 $0x4;
	v26 =	vld [tilespmem:s14+$0x20];
	v33 =	vmul.f32 v28, v16;
	v25 =	vbroadcast v25, $0xF;
	(xrf2) =	vadd.scan.msk.f32 $0xffff, v21;
	v21 =	vimm.f32 $0.0e+00  }
.LBB2_14:
0x1f7: {  	v35 =	vadd.f32 v31, v30;
	v28 =	vmul.f32 v28, v28  }
0x1f8: {  	p0 =	sne.s32 s24, $0x6;
	v31 =	vld [tilespmem:s14+$0x30];
	v20 =	vsel vm3, v25, v20;
	vm4 =	vmmov vm2;
	vm2 =	vmmov vm3;
	s14 =	smov.u32 s22  }
0x1f9: {  	v25 =	vld [tilespmem:s22+$0xFFFFFFE0];
	v32 =	vadd.f32 v33, v32;
	v33 =	vmul.f32 v27, v15;
	v27 =	vmul.f32 v27, v27  }
0x1fa: {  	v23 =	vadd.f32 v23, v24;
	v21 =	vsel vm4, v22, v21;
	v28 =	vadd.f32 v28, v35  }
0x1fb: {  	v34 =	vld [tilespmem:s22+$0xFFFFFFF0];
	v22 =	vadd.f32 v33, v32;
	v24 =	vmul.f32 v26, v14;
	v26 =	vmul.f32 v26, v26;
	v30, _, _ =	vpop (xrf2)  }
0x1fc: {  	v32 =	vmul.f32 v29, v19;
	v29 =	vmul.f32 v29, v29;
	v33 =	vadd.f32 v27, v28;
	(xrf2) =	vadd.scan.msk.f32 $0xffff, v23  }
0x1fd: {  	v28 =	vld [tilespmem:s22+$0x0];
	v22 =	vadd.f32 v24, v22;
	v35 =	vmul.f32 v31, v13;
	v23 =	vmul.f32 v31, v31  }
.Ltmp5:
0x1fe: {  	v31 =	vadd.f32 $0.0e+00, v32;
	v32 =	vmul.f32 v25, v18;
	v36 =	vmul.f32 v25, v25;
	(pc) =	sbr.rel @p0 .LBB2_14-.Ltmp5, $4  }
0x1ff: {  	v24 =	vadd.f32 v26, v33;
	v27 =	vld [tilespmem:s22+$0x10];
	v33 =	vadd.f32 v35, v22;
	v22 =	vbroadcast v30, $0xF  }
0x200: {  	v32 =	vadd.f32 v32, v31;
	v30 =	vadd.f32 v36, v29;
	v35 =	vmul.f32 v34, v17;
	v25, _, _ =	vpop (xrf2)  }
0x201: {  	s22 =	sadd.s32 $0x380, s22;
	v31 =	vmul.f32 v34, v34;
	v34 =	vmov s13;
	s13 =	smov.u32 s12;
	s12 =	smov.u32 s3;
	v26 =	vld [tilespmem:s14+$0x20];
	(xrf2) =	vadd.scan.msk.f32 $0xffff, v33;
	v25 =	vbroadcast v25, $0xF  }
0x202: {  	s3 =	smov.u32 s24;
	s24 =	sadd.s32 $0x1, s24;
	vm3 =	veq.s32 v34, v0;
	v29 =	vld [tilespmem:s22+$0xFFFFFFD0];
	v32 =	vadd.f32 v35, v32;
	v33 =	vmul.f32 v28, v16  }
0x203: {  	_ = 	snop  }
0x204: {  	v34 =	vld [tilespmem:s22+$0xFFFFFFE0];
	_ =	sdelay $0x1  }
0x205: {  	v35 =	vld [tilespmem:s22+$0xFFFFFFF0]  }
0x206: {  	v58 =	vld [tilespmem:s22+$0x0];
	v19 =	vmul.f32 v29, v19  }
0x207: {  	v30 =	vadd.f32 v31, v30;
	v28 =	vmul.f32 v28, v28;
	v36 =	vld [tilespmem:s14+$0x30];
	v56 =	vadd.f32 v33, v32  }
0x208: {  	v61 =	vld [tilespmem:s22+$0x10];
	v57 =	vmul.f32 v27, v15;
	v18 =	vmul.f32 v34, v18;
	v19 =	vadd.f32 $0.0e+00, v19  }
0x209: {  	v23 =	vadd.f32 v23, v24;
	v27 =	vmul.f32 v27, v27;
	v28 =	vadd.f32 v28, v30  }
0x20a: {  	v62 =	vld [tilespmem:s22+$0x20];
	v59 =	vadd.f32 v57, v56;
	v17 =	vmul.f32 v35, v17;
	v18 =	vadd.f32 v18, v19  }
0x20b: {  	v60 =	vmul.f32 v26, v14;
	v27 =	vadd.f32 v27, v28;
	v16 =	vmul.f32 v58, v16  }
0x20c: {  	v19 =	vmul.f32 v29, v29;
	v29 =	vmul.f32 v34, v34;
	v17 =	vadd.f32 v17, v18  }
0x20d: {  	v63 =	vld [tilespmem:s22+$0x30];
	v24 =	vadd.f32 v60, v59;
	v15 =	vmul.f32 v61, v15;
	v18 =	vmul.f32 v36, v13  }
0x20e: {  	v19 =	vadd.f32 v29, v19;
	v29 =	vmul.f32 v35, v35;
	v16 =	vadd.f32 v16, v17  }
0x20f: {  	v14 =	vmul.f32 v62, v14;
	v17 =	vmul.f32 v26, v26;
	v18 =	vadd.f32 v18, v24  }
0x210: {  	v19 =	vadd.f32 v29, v19;
	v24 =	vmul.f32 v58, v58;
	v15 =	vadd.f32 v15, v16  }
0x211: {  	(xrf2) =	vadd.scan.msk.f32 $0xffff, v23;
	v23 =	vmul.f32 v61, v61;
	v16 =	vmul.f32 v36, v36;
	v17 =	vadd.f32 v17, v27  }
0x212: {  	v13 =	vmul.f32 v63, v13;
	(xrf2) =	vadd.scan.msk.f32 $0xffff, v18;
	v18 =	vadd.f32 v24, v19;
	v14 =	vadd.f32 v14, v15  }
0x213: {  	v15 =	vadd.f32 v16, v17  }
0x214: {  	v16 =	vmul.f32 v62, v62;
	v17 =	vadd.f32 v23, v18;
	v13 =	vadd.f32 v13, v14  }
0x215: {  	(xrf2) =	vadd.scan.msk.f32 $0xffff, v15  }
0x216: {  	v14 =	vmul.f32 v63, v63;
	v15 =	vadd.f32 v16, v17;
	v16 =	vld [tilespmem:s7+$0xFFFFFFA0]  }
0x217: {  	v19 =	vld [tilespmem:s7+$0xFFFFFFB0];
	(xrf2) =	vadd.scan.msk.f32 $0xffff, v13  }
0x218: {  	vm2 =	vmmov vm2;
	v14 =	vadd.f32 v14, v15;
	v13, _, _ =	vpop (xrf2)  }
0x219: {  	v17 =	vsel vm3, v25, v20;
	vm3 =	vmmov vm3;
	v20 =	vsel vm2, v22, v21;
	v18, _, _ =	vpop (xrf2)  }
0x21a: {  	v15 =	vmov s13;
	v13 =	vbroadcast v13, $0xF;
	(xrf2) =	vadd.scan.msk.f32 $0xffff, v14;
	v18 =	vbroadcast v18, $0xF  }
0x21b: {  	vm3 =	vmmov vm3;
	vm2 =	veq.s32 v15, v0;
	v21 =	vmul.f32 v16, v6  }
0x21c: {  	v22 =	vmul.f32 v19, v7;
	v14, _, _ =	vpop (xrf2);
	v13 =	vsel vm3, v13, v20;
	v15 =	vsel vm2, v18, v17;
	v17 =	vld [tilespmem:s7+$0xFFFFFFC0]  }
0x21d: {  	v20 =	vmov s12;
	v14 =	vbroadcast v14, $0xF;
	v21 =	vadd.f32 $0.0e+00, v21  }
0x21e: {  	v24 =	vmov s3;
	vm2 =	vmmov vm2;
	vm3 =	veq.s32 v20, v0;
	v20 =	vld [tilespmem:s7+$0xFFFFFFD0];
	v18, _, _ =	vpop (xrf2)  }
0x21f: {  	vm2 =	vmmov vm2;
	v21 =	vadd.f32 v22, v21;
	v18 =	vbroadcast v18, $0xF;
	v23, _, _ =	vpop (xrf2)  }
0x220: {  	v13 =	vsel vm2, v14, v13;
	vm2 =	veq.s32 v24, v0;
	v23 =	vbroadcast v23, $0xF  }
0x221: {  	s22 =	sadd.s32 $0x380, s7;
	v14, _, _ =	vpop (xrf2);
	v15 =	vsel vm3, v18, v15;
	vm3 =	vmmov vm3;
	v18 =	vld [tilespmem:s7+$0xFFFFFFE0];
	v22 =	vmul.f32 v17, v10  }
0x222: {  	v25 =	vld [tilespmem:s22+$0xFFFFFFA0];
	v14 =	vbroadcast v14, $0xF;
	v17 =	vmul.f32 v17, v17;
	vm3 =	vmmov vm3  }
0x223: {  	v24 =	vld [tilespmem:s7+$0xFFFFFFF0];
	v21 =	vadd.f32 v22, v21;
	v22 =	vmul.f32 v20, v12;
	v23 =	vsel vm3, v23, v13  }
0x224: {  	v27 =	vld [tilespmem:s22+$0xFFFFFFB0];
	v13 =	vmul.f32 v16, v16;
	v16 =	vmul.f32 v19, v19;
	vm3 =	vmmov vm2;
	v26, _, _ =	vpop (xrf2)  }
0x225: {  	v19 =	vld [tilespmem:s7+$0x0];
	v20 =	vmul.f32 v20, v20;
	v26 =	vbroadcast v26, $0xF;
	vm3 =	vmmov vm3  }
0x226: {  	v21 =	vadd.f32 v22, v21;
	v16 =	vadd.f32 v16, v13;
	v22 =	vmul.f32 v18, v8  }
0x227: {  	v28 =	vld [tilespmem:s22+$0xFFFFFFC0];
	v13 =	vsel vm2, v14, v15;
	v15 =	vmul.f32 v25, v6;
	v25 =	vmul.f32 v25, v25  }
0x228: {  	v14 =	vsel vm3, v26, v23;
	v21 =	vadd.f32 v22, v21;
	v22 =	vmul.f32 v24, v11  }
0x229: {  	v23 =	vmul.f32 v27, v7;
	v16 =	vadd.f32 v17, v16;
	v15 =	vadd.f32 $0.0e+00, v15  }
0x22a: {  	v26 =	vmul.f32 v27, v27;
	v17 =	vld [tilespmem:s22+$0xFFFFFFD0];
	v21 =	vadd.f32 v22, v21;
	v22 =	vmul.f32 v19, v9  }
0x22b: {  	v18 =	vmul.f32 v18, v18;
	v15 =	vadd.f32 v23, v15;
	v16 =	vadd.f32 v20, v16  }
0x22c: {  	v27 =	vld [tilespmem:s22+$0xFFFFFFE0];
	v20 =	vadd.f32 v26, v25;
	v23 =	vmul.f32 v28, v28;
	v21 =	vadd.f32 v22, v21  }
0x22d: {  	v25 =	vld [tilespmem:s22+$0xFFFFFFF0];
	v22 =	vmul.f32 v28, v10  }
0x22e: {  	s24 =	sadd.s32 $0x380, s22;
	v16 =	vadd.f32 v18, v16;
	v18 =	vadd.f32 v23, v20;
	v20 =	vld [tilespmem:s22+$0x0];
	(xrf2) =	vadd.scan.msk.f32 $0xffff, v21  }
0x22f: {  	v21 =	vmul.f32 v24, v24;
	v24 =	vld [tilespmem:s24+$0xFFFFFFA0];
	v15 =	vadd.f32 v22, v15;
	v22 =	vmul.f32 v17, v12  }
0x230: {  	v23 =	vld [tilespmem:s24+$0xFFFFFFB0]  }
0x231: {  	v17 =	vmul.f32 v17, v17;
	v15 =	vadd.f32 v22, v15;
	v22 =	vmul.f32 v27, v8  }
0x232: {  	v19 =	vmul.f32 v19, v19;
	v16 =	vadd.f32 v21, v16;
	v21 =	vmul.f32 v27, v27  }
0x233: {  	v17 =	vadd.f32 v17, v18;
	v18 =	vld [tilespmem:s24+$0xFFFFFFC0];
	v15 =	vadd.f32 v22, v15;
	v22 =	vmul.f32 v25, v11  }
0x234: {  	v16 =	vadd.f32 v19, v16;
	v19 =	vmul.f32 v24, v6;
	v24 =	vmul.f32 v24, v24  }
0x235: {  	v26 =	vmul.f32 v23, v7;
	v15 =	vadd.f32 v22, v15;
	v22 =	vmul.f32 v20, v9  }
0x236: {  	v23 =	vmul.f32 v23, v23;
	v25 =	vmul.f32 v25, v25;
	v17 =	vadd.f32 v21, v17;
	v21 =	vld [tilespmem:s24+$0xFFFFFFD0]  }
0x237: {  	(xrf2) =	vadd.scan.msk.f32 $0xffff, v16;
	v16 =	vmul.f32 v20, v20;
	v19 =	vadd.f32 $0.0e+00, v19;
	v15 =	vadd.f32 v22, v15  }
0x238: {  	s25 =	simm.s32 $0x0;
	v20 =	vld [tilespmem:s24+$0xFFFFFFE0];
	v17 =	vadd.f32 v25, v17;
	v22 =	vadd.f32 v23, v24;
	v23 =	vmul.f32 v18, v10;
	v24, _, _ =	vpop (xrf2)  }
0x239: {  	s14 =	sadd.s32 $0x380, s24;
	v25 =	vld [tilespmem:s24+$0xFFFFFFF0];
	v19 =	vadd.f32 v26, v19;
	(xrf2) =	vadd.scan.msk.f32 $0xffff, v15;
	v15 =	vmov s25;
	v24 =	vbroadcast v24, $0xF  }
0x23a: {  	v18 =	vmul.f32 v18, v18;
	v26 =	vld [tilespmem:s14+$0xFFFFFFA0];
	vm2 =	veq.s32 v15, v0  }
0x23b: {  	v19 =	vadd.f32 v23, v19;
	v23 =	vmul.f32 v21, v12;
	v15 =	vsel vm2, v24, v5;
	v24 =	vld [tilespmem:s14+$0xFFFFFFB0]  }
0x23c: {  	v18 =	vadd.f32 v18, v22;
	v21 =	vmul.f32 v21, v21  }
0x23d: {  	v27 =	vld [tilespmem:s24+$0x0];
	v22 =	vmul.f32 v20, v8;
	v19 =	vadd.f32 v23, v19  }
0x23e: {  	v16 =	vadd.f32 v16, v17;
	v20 =	vmul.f32 v20, v20;
	v18 =	vadd.f32 v21, v18  }
0x23f: {  	v23 =	vmul.f32 v25, v25;
	v17 =	vadd.f32 v22, v19;
	v19 =	vmul.f32 v25, v11  }
0x240: {  	v25 =	vmul.f32 v26, v6;
	v28 =	vmul.f32 v24, v7  }
0x241: {  	v20 =	vadd.f32 v20, v18  }
0x242: {  	v21 =	vld [tilespmem:s14+$0xFFFFFFC0];
	v17 =	vadd.f32 v19, v17;
	v19 =	vmul.f32 v27, v9;
	v25 =	vadd.f32 $0.0e+00, v25  }
0x243: {  	v18 =	vmul.f32 v27, v27;
	v27, _, _ =	vpop (xrf2);
	v20 =	vadd.f32 v23, v20  }
0x244: {  	v22 =	vld [tilespmem:s14+$0xFFFFFFD0];
	v23 =	vadd.f32 v19, v17;
	v17 =	vbroadcast v27, $0xF;
	v27 =	vadd.f32 v28, v25;
	v28, _, _ =	vpop (xrf2);
	(xrf2) =	vadd.scan.msk.f32 $0xffff, v16  }
0x245: {  	v26 =	vmul.f32 v26, v26;
	v24 =	vmul.f32 v24, v24  }
0x246: {  	s26 =	simm.s32 $0x1  }
0x247: {  	v29 =	vmov s26;
	v19 =	vld [tilespmem:s14+$0xFFFFFFE0];
	v24 =	vadd.f32 v24, v26;
	v26 =	vmul.f32 v21, v10  }
0x248: {  	s3 =	simm.s32 $0x4;
	vm3 =	veq.s32 v29, v0;
	s22 =	sadd.s32 $0x380, s14;
	vm2 =	vmmov vm2;
	v25 =	vmul.f32 v21, v21;
	v21 =	vld [tilespmem:s14+$0xFFFFFFF0]  }
0x249: {  	s13 =	simm.s32 $0x2;
	s12 =	simm.s32 $0x3;
	s24 =	simm.s32 $0x5;
	v26 =	vadd.f32 v26, v27;
	v27 =	vmul.f32 v22, v12;
	v16 =	vbroadcast v28, $0xF;
	(xrf2) =	vadd.scan.msk.f32 $0xffff, v23;
	v23 =	vld [tilespmem:s22+$0xFFFFFFA0]  }
.LBB2_16:
0x24a: {  	v29 =	vadd.f32 v25, v24;
	v22 =	vmul.f32 v22, v22  }
0x24b: {  	p0 =	sne.s32 s24, $0x9;
	v25 =	vld [tilespmem:s14+$0x0];
	v15 =	vsel vm3, v16, v15;
	vm4 =	vmmov vm2;
	vm2 =	vmmov vm3;
	s14 =	smov.u32 s22  }
0x24c: {  	v16 =	vld [tilespmem:s22+$0xFFFFFFB0];
	v26 =	vadd.f32 v27, v26;
	v27 =	vmul.f32 v19, v8;
	v19 =	vmul.f32 v19, v19  }
0x24d: {  	v18 =	vadd.f32 v18, v20;
	v5 =	vsel vm4, v17, v5;
	v22 =	vadd.f32 v22, v29  }
0x24e: {  	v28 =	vld [tilespmem:s22+$0xFFFFFFC0];
	v17 =	vadd.f32 v27, v26;
	v20 =	vmul.f32 v21, v11;
	v21 =	vmul.f32 v21, v21;
	v24, _, _ =	vpop (xrf2)  }
0x24f: {  	v26 =	vmul.f32 v23, v6;
	v23 =	vmul.f32 v23, v23;
	v27 =	vadd.f32 v19, v22;
	(xrf2) =	vadd.scan.msk.f32 $0xffff, v18  }
0x250: {  	v22 =	vld [tilespmem:s22+$0xFFFFFFD0];
	v17 =	vadd.f32 v20, v17;
	v29 =	vmul.f32 v25, v9;
	v18 =	vmul.f32 v25, v25  }
.Ltmp6:
0x251: {  	v25 =	vadd.f32 $0.0e+00, v26;
	v26 =	vmul.f32 v16, v7;
	v30 =	vmul.f32 v16, v16;
	(pc) =	sbr.rel @p0 .LBB2_16-.Ltmp6, $4  }
0x252: {  	v20 =	vadd.f32 v21, v27;
	v19 =	vld [tilespmem:s22+$0xFFFFFFE0];
	v27 =	vadd.f32 v29, v17;
	v17 =	vbroadcast v24, $0xF  }
0x253: {  	v26 =	vadd.f32 v26, v25;
	v24 =	vadd.f32 v30, v23;
	v29 =	vmul.f32 v28, v10;
	v16, _, _ =	vpop (xrf2)  }
0x254: {  	s22 =	sadd.s32 $0x380, s22;
	v25 =	vmul.f32 v28, v28;
	v28 =	vmov s13;
	s13 =	smov.u32 s12;
	s12 =	smov.u32 s3;
	v21 =	vld [tilespmem:s14+$0xFFFFFFF0];
	(xrf2) =	vadd.scan.msk.f32 $0xffff, v27;
	v16 =	vbroadcast v16, $0xF  }
0x255: {  	s3 =	smov.u32 s24;
	s24 =	sadd.s32 $0x1, s24;
	vm3 =	veq.s32 v28, v0;
	v23 =	vld [tilespmem:s22+$0xFFFFFFA0];
	v26 =	vadd.f32 v29, v26;
	v27 =	vmul.f32 v22, v12  }
0x256: {  	_ = 	snop  }
0x257: {  	v28 =	vld [tilespmem:s22+$0xFFFFFFB0];
	_ =	sdelay $0x1  }
0x258: {  	v24 =	vadd.f32 v25, v24;
	v22 =	vmul.f32 v22, v22;
	v25 =	vld [tilespmem:s22+$0xFFFFFFC0]  }
0x259: {  	v18 =	vadd.f32 v18, v20;
	v6 =	vmul.f32 v23, v6  }
0x25a: {  	v26 =	vadd.f32 v27, v26;
	v27 =	vmul.f32 v19, v8;
	v22 =	vadd.f32 v22, v24;
	v24 =	vld [tilespmem:s22+$0xFFFFFFD0]  }
0x25b: {  	v19 =	vmul.f32 v19, v19;
	v7 =	vmul.f32 v28, v7;
	v6 =	vadd.f32 $0.0e+00, v6  }
0x25c: {  	v20 =	vadd.f32 v27, v26;
	v27 =	vld [tilespmem:s22+$0xFFFFFFE0];
	v23 =	vmul.f32 v23, v23;
	v26 =	vmul.f32 v28, v28  }
0x25d: {  	v63 =	vld [tilespmem:s14+$0x0];
	v6 =	vadd.f32 v7, v6;
	v7 =	vmul.f32 v25, v10  }
0x25e: {  	v19 =	vadd.f32 v19, v22;
	v23 =	vadd.f32 v26, v23;
	v26 =	vld [tilespmem:s22+$0xFFFFFFF0];
	v25 =	vmul.f32 v25, v25  }
0x25f: {  	v12 =	vmul.f32 v24, v12;
	v10 =	vmul.f32 v21, v11;
	v6 =	vadd.f32 v7, v6  }
0x260: {  	v22 =	vmul.f32 v24, v24;
	v7 =	vmul.f32 v21, v21;
	v21 =	vadd.f32 v25, v23;
	v23 =	vld [tilespmem:s22+$0x0]  }
0x261: {  	v8 =	vmul.f32 v27, v8;
	v10 =	vadd.f32 v10, v20;
	v6 =	vadd.f32 v12, v6  }
0x262: {  	v20 =	vmul.f32 v27, v27;
	v12 =	vmul.f32 v63, v9;
	v21 =	vadd.f32 v22, v21  }
0x263: {  	v22 =	vmul.f32 v63, v63;
	v6 =	vadd.f32 v8, v6;
	v8 =	vmul.f32 v26, v11  }
0x264: {  	v7 =	vadd.f32 v7, v19;
	v11 =	vmul.f32 v26, v26;
	v19 =	vadd.f32 v20, v21  }
0x265: {  	v10 =	vadd.f32 v12, v10;
	v6 =	vadd.f32 v8, v6;
	v8 =	vmul.f32 v23, v9  }
0x266: {  	(xrf2) =	vadd.scan.msk.f32 $0xffff, v18;
	v7 =	vadd.f32 v22, v7;
	v9 =	vmul.f32 v23, v23;
	v11 =	vadd.f32 v11, v19  }
0x267: {  	(xrf2) =	vadd.scan.msk.f32 $0xffff, v10;
	v6 =	vadd.f32 v8, v6  }
0x268: {  	(xrf2) =	vadd.scan.msk.f32 $0xffff, v7;
	v7 =	vadd.f32 v9, v11  }
0x269: {  	(xrf2) =	vadd.scan.msk.f32 $0xffff, v6  }
0x26a: {  	(xrf2) =	vadd.scan.msk.f32 $0xffff, v7;
	_ =	sdelay $0x3  }
0x26b: {  	v8 =	vmov s13;
	v6, _, _ =	vpop (xrf2)  }
0x26c: {  	vm2 =	vmmov vm2;
	vm4 =	vmmov vm3;
	v7, _, _ =	vpop (xrf2)  }
0x26d: {  	v5 =	vsel vm2, v17, v5;
	v10 =	vmov s12;
	v6 =	vbroadcast v6, $0xF;
	v9, _, _ =	vpop (xrf2)  }
0x26e: {  	vm4 =	vmmov vm4;
	vm13 =	veq.s32 v10, v0;
	vm2 =	veq.s32 v8, v0;
	v8, _, _ =	vpop (xrf2)  }
0x26f: {  	vm5 =	vmmov vm2;
	v5 =	vsel vm4, v6, v5;
	v6 =	vbroadcast v9, $0xF;
	v9, _, _ =	vpop (xrf2)  }
0x270: {  	vm6 =	vmmov vm13;
	v11 =	vmov s3;
	vm5 =	vmmov vm5;
	v10, _, _ =	vpop (xrf2)  }
0x271: {  	vm14 =	veq.s32 v11, v0;
	v5 =	vsel vm5, v6, v5;
	v6 =	vbroadcast v9, $0xF;
	v9, _, _ =	vpop (xrf2)  }
0x272: {  	vm6 =	vmmov vm6;
	vm7 =	vmmov vm14;
	v9 =	vbroadcast v9, $0xF  }
0x273: {  	vm15 =	vmmov vm7;
	v5 =	vsel vm6, v6, v5  }
0x274: {  	v6 =	vmax.f32 v14, $1.000000020e-24;
	v5 =	vsel vm15, v9, v5  }
0x275: {  	v9 =	vshra.s32 v6, $0x1;
	v6 =	vmul.f32 $5.000000000e-01, v6;
	v5 =	vmax.f32 v5, $1.000000020e-24  }
0x276: {  	v9 =	vsub.s32 $0x5F3759DF, v9;
	v11 =	vshra.s32 v5, $0x1;
	v5 =	vmul.f32 $5.000000000e-01, v5  }
0x277: {  	v12 =	vmul.f32 v9, v6;
	v11 =	vsub.s32 $0x5F3759DF, v11  }
0x278: {  	v14 =	vmul.f32 v11, v5  }
0x279: {  	v12 =	vmul.f32 v9, v12  }
0x27a: {  	v14 =	vmul.f32 v11, v14  }
0x27b: {  	v12 =	vsub.f32 $1.500000000e+00, v12  }
0x27c: {  	v14 =	vsub.f32 $1.500000000e+00, v14  }
0x27d: {  	v9 =	vmul.f32 v9, v12  }
0x27e: {  	v11 =	vmul.f32 v11, v14  }
0x27f: {  	v12 =	vmul.f32 v9, v6  }
0x280: {  	v14 =	vmul.f32 v11, v5  }
0x281: {  	v12 =	vmul.f32 v12, v9  }
0x282: {  	v14 =	vmul.f32 v14, v11  }
0x283: {  	v12 =	vsub.f32 $1.500000000e+00, v12  }
0x284: {  	v14 =	vsub.f32 $1.500000000e+00, v14  }
0x285: {  	v9 =	vmul.f32 v12, v9  }
0x286: {  	v11 =	vmul.f32 v14, v11  }
0x287: {  	v6 =	vmul.f32 v9, v6  }
0x288: {  	v5 =	vmul.f32 v11, v5  }
0x289: {  	v6 =	vmul.f32 v6, v9  }
0x28a: {  	v5 =	vmul.f32 v5, v11  }
0x28b: {  	v7 =	vbroadcast v7, $0xF;
	v6 =	vsub.f32 $1.500000000e+00, v6  }
0x28c: {  	v8 =	vbroadcast v8, $0xF;
	v12 =	vsel vm3, v16, v15;
	v5 =	vsub.f32 $1.500000000e+00, v5  }
0x28d: {  	v10 =	vbroadcast v10, $0xF;
	v7 =	vsel vm2, v7, v12;
	v6 =	vmul.f32 v6, v9  }
0x28e: {  	v7 =	vsel vm13, v8, v7;
	v5 =	vmul.f32 v5, v11  }
0x28f: {  	v7 =	vsel vm14, v10, v7;
	v6 =	vmul.f32 v6, v13  }
0x290: {  	v5 =	vmul.f32 v5, v7  }
0x291: {  	v6 =	vnsel vm0, $0xCE6E6B28, v6  }
0x292: {  	(xrf0) =	vmax.scan.msk.f32 $0xffff, v6;
	v5 =	vnsel vm1, $0xCE6E6B28, v5  }
0x293: {  	(xrf0) =	vmax.scan.msk.f32 $0xffff, v5;
	_ =	sdelay $0x4  }
0x294: {  	v7, _, _ =	vpop (xrf0)  }
0x295: {  	v7 =	vbroadcast v7, $0xF;
	v8, _, _ =	vpop (xrf0)  }
0x296: {  	v8 =	vbroadcast v8, $0xF  }
0x297: {  	v6 =	vsub.f32 v6, v7  }
0x298: {  	v5 =	vsub.f32 v5, v8  }
0x299: {  	v6 =	vmul.f32 $1.442695020e+00, v6  }
0x29a: {  	v5 =	vmul.f32 $1.442695020e+00, v5  }
0x29b: {  	(erf) = vpow2.f32 v6  }
0x29c: {  	(erf) = vpow2.f32 v5;
	_ =	sdelay $0x7  }
0x29d: {  	v5 =	vpop (erf)  }
0x29e: {  	(xrf2) =	vadd.scan.msk.f32 $0xffff, v5;
	v6 =	vpop (erf)  }
0x29f: {  	(xrf2) =	vadd.scan.msk.f32 $0xffff, v6;
	_ =	sdelay $0x8  }
0x2a0: {  	v7, _, _ =	vpop (xrf2)  }
0x2a1: {  	v7 =	vbroadcast v7, $0xF;
	v8, _, _ =	vpop (xrf2)  }
0x2a2: {  	v8 =	vbroadcast v8, $0xF  }
0x2a3: {  	(erf) = vrcp.f32 v7  }
0x2a4: {  	(erf) = vrcp.f32 v8;
	_ =	sdelay $0x7  }
0x2a5: {  	v7 =	vpop (erf)  }
0x2a6: {  	v7 =	vmul.f32 v7, v5;
	v5 =	vpop (erf)  }
0x2a7: {  	v5 =	vmul.f32 v5, v6  }
0x2a8: {  	v6 =	vmul.f32 v7, v1  }
0x2a9: {  	v8 =	vmul.f32 v5, v2  }
0x2aa: {  	(xrf2) =	vadd.scan.msk.f32 $0xffff, v6;
	v6 =	vmul.f32 v7, v3  }
0x2ab: {  	(xrf2) =	vadd.scan.msk.f32 $0xffff, v8;
	v8 =	vmul.f32 v5, v4  }
0x2ac: {  	(xrf2) =	vadd.scan.msk.f32 $0xffff, v6  }
0x2ad: {  	(xrf2) =	vadd.scan.msk.f32 $0xffff, v8;
	_ =	sdelay $0x6  }
0x2ae: {  	v6, _, _ =	vpop (xrf2)  }
0x2af: {  	(v2sf) =	vpush v6, $0xF;
	v8, _, _ =	vpop (xrf2)  }
0x2b0: {  	(v2sf) =	vpush v8, $0xF;
	v6, _, _ =	vpop (xrf2)  }
0x2b1: {  	(v2sf) =	vpush v6, $0xF;
	v6, _, _ =	vpop (xrf2)  }
0x2b2: {  	(v2sf) =	vpush v6, $0xF;
	_ =	sdelay $0xb  }
0x2b3: {  	s24 =	spop (v2sf)  }
0x2b4: {  	s25 =	spop (v2sf)  }
0x2b5: {  	s26 =	spop (v2sf)  }
0x2b6: {  	s3 =	sadd.f32 s25, s24;
	s14 =	spop (v2sf)  }
0x2b7: {  	s12 =	sadd.f32 s14, s26  }
0x2b8: {  	s3 =	sadd.f32 s3, s15  }
0x2b9: {  	s12 =	sadd.f32 s12, s16;
	_ =	sdelay $0x1  }
0x2ba: {  	s3 =	ssub.f32 s12, s3;
	_ =	sdelay $0x1  }
0x2bb: {  	v6 =	vmov s3  }
0x2bc: {  	v6 =	vmul.f32 $1.442695020e+00, v6;
	_ =	sdelay $0x1  }
0x2bd: {  	v6 =	vbroadcast v6, $0x0;
	_ =	sdelay $0x1  }
0x2be: {  	(erf) = vpow2.f32 v6;
	_ =	sdelay $0x8  }
0x2bf: {  	v6 =	vpop (erf)  }
0x2c0: {  	v6 =	vadd.f32 $1.000000000e+00, v6;
	_ =	sdelay $0x1  }
0x2c1: {  	(erf) = vrcp.f32 v6;
	_ =	sdelay $0x8  }
0x2c2: {  	s22 =	simm.s32 $0x0;
	v6 =	vpop (erf)  }
0x2c3: {  	v9 =	vmov s22;
	v8 =	vmul.f32 v6, v7  }
0x2c4: {  	vm2 =	veq.s32 v9, v0  }
0x2c5: {  	v9 =	vnsel vm2, $0x0, v8  }
0x2c6: {  	(xrf2) =	vadd.scan.msk.f32 $0xffff, v9;
	_ =	sdelay $0x1  }
0x2c7: {  	s24 =	simm.s32 $0x1  }
0x2c8: {  	v9 =	vmov s24  }
0x2c9: {  	vm2 =	veq.s32 v9, v0  }
0x2ca: {  	v20 =	vld [tilespmem:s8+$0x10];
	v9 =	vnsel vm2, $0x0, v8  }
0x2cb: {  	v15 =	vld [tilespmem:s8+$0x0];
	(xrf2) =	vadd.scan.msk.f32 $0xffff, v9  }
0x2cc: {  	v10 =	vld [tilespmem:s8+$0xFFFFFFC0]  }
0x2cd: {  	v9 =	vld [tilespmem:s8+$0x30]  }
0x2ce: {  	v11 =	vld [tilespmem:s8+$0xFFFFFFD0]  }
0x2cf: {  	v14 =	vld [tilespmem:s8+$0xFFFFFFF0];
	s25 =	simm.s32 $0x2;
	v13, _, _ =	vpop (xrf2)  }
0x2d0: {  	v12 =	vld [tilespmem:s8+$0xFFFFFFE0];
	v16 =	vbroadcast v13, $0xF;
	v13 =	vmov s25  }
0x2d1: {  	vm2 =	veq.s32 v13, v0  }
0x2d2: {  	v21 =	vld [tilespmem:s8+$0x20];
	s26 =	simm.s32 $0x3;
	s3 =	sadd.s32 $0x400, s8;
	v9 =	vmul.f32 v9, v16;
	v23 =	vnsel vm2, $0x0, v8  }
0x2d3: {  	v24 =	vmov s26;
	v25 =	vld [tilespmem:s3+$0x30];
	v10 =	vmul.f32 v10, v16;
	v17 =	vmul.f32 v11, v16;
	(xrf2) =	vadd.scan.msk.f32 $0xffff, v23  }
0x2d4: {  	v19 =	vld [tilespmem:s3+$0xFFFFFFC0];
	v7 =	vimm.f32 $0.0e+00;
	v14 =	vmul.f32 v14, v16;
	v22 =	vmul.f32 v15, v16  }
0x2d5: {  	v18 =	vld [tilespmem:s3+$0xFFFFFFD0];
	v26 =	vmul.f32 v20, v16;
	v11 =	vadd.f32 v10, v7;
	v10 =	vmul.f32 v12, v16;
	v12, _, _ =	vpop (xrf2)  }
0x2d6: {  	v13 =	vadd.f32 v9, v7;
	v9 =	vadd.f32 v17, v7;
	v17 =	vld [tilespmem:s3+$0xFFFFFFE0];
	v12 =	vbroadcast v12, $0xF  }
0x2d7: {  	v20 =	vld [tilespmem:s3+$0xFFFFFFF0];
	v15 =	vadd.f32 v14, v7;
	v14 =	vadd.f32 v22, v7;
	v22 =	vmul.f32 v21, v16  }
0x2d8: {  	s12 =	simm.s32 $0x4;
	v21 =	vld [tilespmem:s3+$0x0];
	v16 =	vadd.f32 v26, v7;
	v10 =	vadd.f32 v10, v7;
	v23 =	vmul.f32 v25, v12  }
.LBB2_18:
0x2d9: {  	p0 =	seq.s32 s12, $0x6;
	vm2 =	veq.s32 v24, v0;
	v19 =	vmul.f32 v19, v12;
	v24 =	vld [tilespmem:s3+$0x10];
	v7 =	vadd.f32 v22, v7  }
0x2da: {  	v22 =	vnsel vm2, $0x0, v8;
	v18 =	vmul.f32 v18, v12;
	v25 =	vld [tilespmem:s3+$0x20];
	v13 =	vadd.f32 v23, v13;
	s3 =	sadd.s32 $0x400, s3  }
0x2db: {  	(xrf2) =	vadd.scan.msk.f32 $0xffff, v22;
	v23 =	vld [tilespmem:s3+$0x30];
	v11 =	vadd.f32 v19, v11;
	v17 =	vmul.f32 v17, v12  }
.Ltmp7:
0x2dc: {  	v19 =	vld [tilespmem:s3+$0xFFFFFFC0];
	v9 =	vadd.f32 v18, v9;
	v20 =	vmul.f32 v20, v12;
	(pc) =	sbr.rel @!p0 .LBB2_18-.Ltmp7, $4  }
0x2dd: {  	v18 =	vld [tilespmem:s3+$0xFFFFFFD0];
	v22, _, _ =	vpop (xrf2);
	v10 =	vadd.f32 v17, v10;
	v21 =	vmul.f32 v21, v12  }
0x2de: {  	v26 =	vbroadcast v22, $0xF;
	v17 =	vld [tilespmem:s3+$0xFFFFFFE0];
	v15 =	vadd.f32 v20, v15;
	v27 =	vmul.f32 v24, v12  }
0x2df: {  	v20 =	vld [tilespmem:s3+$0xFFFFFFF0];
	v14 =	vadd.f32 v21, v14;
	v22 =	vmul.f32 v25, v12  }
0x2e0: {  	v24 =	vmov s12;
	s12 =	sadd.s32 $0x1, s12;
	v21 =	vld [tilespmem:s3+$0x0];
	v23 =	vmul.f32 v23, v26;
	v16 =	vadd.f32 v27, v16;
	v12 =	vmovc v26  }
0x2e1: {  	v25 =	vld [tilespmem:s3+$0x10]  }
0x2e2: {  	v26 =	vld [tilespmem:s3+$0x20];
	s22 =	sadd.s32 $0x400, s3  }
0x2e3: {  	vm2 =	veq.s32 v24, v0;
	v27 =	vld [tilespmem:s22+$0x30]  }
0x2e4: {  	v54 =	vld [tilespmem:s22+$0xFFFFFFC0];
	v8 =	vnsel vm2, $0x0, v8  }
0x2e5: {  	v19 =	vmul.f32 v19, v12;
	v6 =	vsub.f32 $1.000000000e+00, v6;
	v28 =	vld [tilespmem:s22+$0xFFFFFFD0];
	(xrf2) =	vadd.scan.msk.f32 $0xffff, v8  }
0x2e6: {  	v7 =	vadd.f32 v22, v7;
	v29 =	vld [tilespmem:s22+$0xFFFFFFF0];
	v18 =	vmul.f32 v18, v12  }
0x2e7: {  	s24 =	simm.s32 $0x0;
	v30 =	vld [tilespmem:s22+$0x0];
	v11 =	vadd.f32 v19, v11;
	v17 =	vmul.f32 v17, v12;
	v5 =	vmul.f32 v6, v5  }
0x2e8: {  	v22 =	vld [tilespmem:s22+$0x10];
	v6 =	vmov s24;
	v19 =	vmul.f32 v20, v12;
	v9 =	vadd.f32 v18, v9;
	v20, _, _ =	vpop (xrf2)  }
0x2e9: {  	v8 =	vld [tilespmem:s22+$0xFFFFFFE0];
	vm2 =	veq.s32 v6, v0;
	v18 =	vmul.f32 v21, v12;
	v20 =	vbroadcast v20, $0xF  }
0x2ea: {  	v13 =	vadd.f32 v23, v13;
	v23 =	vld [tilespmem:s22+$0x20];
	s3 =	sadd.s32 $0x400, s22;
	v10 =	vadd.f32 v17, v10;
	v6 =	vnsel vm2, $0x0, v5  }
0x2eb: {  	s25 =	simm.s32 $0x1;
	v55 =	vld [tilespmem:s3+$0xFFFFFFD0];
	v17 =	vmul.f32 v25, v12;
	v14 =	vadd.f32 v18, v14;
	v18 =	vmul.f32 v27, v20  }
0x2ec: {  	v57 =	vld [tilespmem:s3+$0xFFFFFFE0];
	v15 =	vadd.f32 v19, v15;
	v12 =	vmul.f32 v26, v12;
	(xrf2) =	vadd.scan.msk.f32 $0xffff, v6;
	v6 =	vmov s25  }
0x2ed: {  	v21 =	vld [tilespmem:s3+$0x30];
	v16 =	vadd.f32 v17, v16;
	v17 =	vmul.f32 v54, v20;
	v56 =	vmul.f32 v28, v20  }
0x2ee: {  	v19 =	vld [tilespmem:s3+$0xFFFFFFC0];
	v7 =	vadd.f32 v12, v7;
	v8 =	vmul.f32 v8, v20;
	v12 =	vadd.f32 v18, v13  }
0x2ef: {  	v58 =	vld [tilespmem:s3+$0x0];
	v11 =	vadd.f32 v17, v11;
	v17 =	vadd.f32 v56, v9;
	v9 =	vmul.f32 v29, v20;
	v18, _, _ =	vpop (xrf2)  }
0x2f0: {  	v13 =	vld [tilespmem:s3+$0xFFFFFFF0];
	v59 =	vadd.f32 v8, v10;
	v8 =	vmul.f32 v30, v20;
	v60 =	vbroadcast v18, $0xF  }
0x2f1: {  	v10 =	vmul.f32 v23, v20;
	v15 =	vadd.f32 v9, v15;
	v9 =	vmul.f32 v22, v20;
	v20 =	vld [tilespmem:s3+$0x20]  }
0x2f2: {  	v61 =	vld [tilespmem:s3+$0x10];
	vm2 =	veq.s32 v6, v0;
	v14 =	vadd.f32 v8, v14;
	v8 =	vmul.f32 v21, v60  }
0x2f3: {  	v6 =	vnsel vm2, $0x0, v5;
	v7 =	vadd.f32 v10, v7;
	v18 =	vmul.f32 v19, v60  }
0x2f4: {  	v19 =	vadd.f32 v9, v16;
	v16 =	vmul.f32 v55, v60;
	v9 =	vadd.f32 v8, v12  }
0x2f5: {  	(xrf2) =	vadd.scan.msk.f32 $0xffff, v6;
	v6 =	vld [tilespmem:s9+$0x0];
	v10 =	vadd.f32 v18, v11;
	v11 =	vmul.f32 v57, v60;
	v12 =	vmul.f32 v13, v60  }
0x2f6: {  	v21 =	vld [tilespmem:s9+$0xFFFFFFE0];
	v8 =	vadd.f32 v16, v17;
	v13 =	vmul.f32 v58, v60;
	v17 =	vmul.f32 v20, v60  }
0x2f7: {  	v18 =	vadd.f32 v11, v59;
	v11 =	vmul.f32 v61, v60;
	v16 =	vadd.f32 v12, v15;
	v12 =	vld [tilespmem:s9+$0xFFFFFFA0]  }
0x2f8: {  	v7 =	vadd.f32 v17, v7;
	v17 =	vld [tilespmem:s9+$0xFFFFFFB0]  }
0x2f9: {  	v13 =	vadd.f32 v13, v14;
	v15, _, _ =	vpop (xrf2);
	v14 =	vadd.f32 v11, v19;
	v11 =	vld [tilespmem:s9+$0xFFFFFF90]  }
0x2fa: {  	s26 =	simm.s32 $0x2;
	v19 =	vbroadcast v15, $0xF;
	v15 =	vld [tilespmem:s9+$0xFFFFFFC0]  }
0x2fb: {  	v22 =	vmov s26;
	v20 =	vld [tilespmem:s9+$0xFFFFFFD0]  }
0x2fc: {  	vm2 =	veq.s32 v22, v0;
	v6 =	vmul.f32 v6, v19  }
0x2fd: {  	v23 =	vld [tilespmem:s9+$0xFFFFFFF0];
	s3 =	sadd.s32 $0x400, s9;
	v63 =	vmul.f32 v21, v19;
	v21 =	vnsel vm2, $0x0, v5  }
0x2fe: {  	v62 =	vld [tilespmem:s3+$0x0];
	v12 =	vmul.f32 v12, v19;
	(xrf2) =	vadd.scan.msk.f32 $0xffff, v21;
	v9 =	vadd.f32 v6, v9;
	v6 =	vmul.f32 v17, v19  }
0x2ff: {  	v17 =	vld [tilespmem:s3+$0xFFFFFF90];
	v11 =	vmul.f32 v11, v19;
	v22 =	vmul.f32 v15, v19  }
0x300: {  	v12 =	vadd.f32 v12, v8;
	v15 =	vld [tilespmem:s3+$0xFFFFFFA0];
	v8, _, _ =	vpop (xrf2);
	v6 =	vadd.f32 v6, v18;
	v18 =	vmul.f32 v20, v19  }
0x301: {  	v11 =	vadd.f32 v11, v10;
	v10 =	vbroadcast v8, $0xF;
	v8 =	vadd.f32 v22, v16;
	v16 =	vld [tilespmem:s3+$0xFFFFFFB0]  }
0x302: {  	s12 =	simm.s32 $0x3;
	v20 =	vmul.f32 v23, v19;
	v13 =	vadd.f32 v18, v13;
	v18 =	vld [tilespmem:s3+$0xFFFFFFC0]  }
0x303: {  	v14 =	vadd.f32 v63, v14;
	v19 =	vld [tilespmem:s3+$0xFFFFFFD0];
	v22 =	vmov s12;
	s12 =	simm.s32 $0x4;
	v21 =	vmul.f32 v62, v10  }
.LBB2_20:
0x304: {  	p0 =	sne.s32 s12, $0x9;
	vm2 =	veq.s32 v22, v0;
	v17 =	vmul.f32 v17, v10;
	v22 =	vld [tilespmem:s3+$0xFFFFFFE0];
	v7 =	vadd.f32 v20, v7  }
0x305: {  	v20 =	vnsel vm2, $0x0, v5;
	v15 =	vmul.f32 v15, v10;
	v23 =	vld [tilespmem:s3+$0xFFFFFFF0];
	v9 =	vadd.f32 v21, v9;
	s3 =	sadd.s32 $0x400, s3  }
0x306: {  	(xrf2) =	vadd.scan.msk.f32 $0xffff, v20;
	v21 =	vld [tilespmem:s3+$0x0];
	v11 =	vadd.f32 v17, v11;
	v16 =	vmul.f32 v16, v10  }
.Ltmp8:
0x307: {  	v17 =	vld [tilespmem:s3+$0xFFFFFF90];
	v12 =	vadd.f32 v15, v12;
	v18 =	vmul.f32 v18, v10;
	(pc) =	sbr.rel @p0 .LBB2_20-.Ltmp8, $4  }
0x308: {  	v15 =	vld [tilespmem:s3+$0xFFFFFFA0];
	v20, _, _ =	vpop (xrf2);
	v6 =	vadd.f32 v16, v6;
	v19 =	vmul.f32 v19, v10  }
0x309: {  	v24 =	vbroadcast v20, $0xF;
	v16 =	vld [tilespmem:s3+$0xFFFFFFB0];
	v8 =	vadd.f32 v18, v8;
	v25 =	vmul.f32 v22, v10  }
0x30a: {  	v18 =	vld [tilespmem:s3+$0xFFFFFFC0];
	v13 =	vadd.f32 v19, v13;
	v20 =	vmul.f32 v23, v10  }
0x30b: {  	v22 =	vmov s12;
	s12 =	sadd.s32 $0x1, s12;
	v19 =	vld [tilespmem:s3+$0xFFFFFFD0];
	v21 =	vmul.f32 v21, v24;
	v14 =	vadd.f32 v25, v14;
	v10 =	vmovc v24  }
0x30c: {  	vm2 =	veq.s32 v22, v0;
	v32 =	vld [tilespmem:s3+$0xFFFFFFE0]  }
0x30d: {  	v23 =	vld [tilespmem:s3+$0xFFFFFFF0];
	s25 =	sadd.s32 $0x400, s3;
	v5 =	vnsel vm2, $0x0, v5  }
0x30e: {  	v24 =	vld [tilespmem:s25+$0xFFFFFF90];
	(xrf2) =	vadd.scan.msk.f32 $0xffff, v5  }
0x30f: {  	v25 =	vld [tilespmem:s25+$0xFFFFFFA0]  }
0x310: {  	v26 =	vld [tilespmem:s25+$0xFFFFFFB0]  }
0x311: {  	v27 =	vld [tilespmem:s25+$0xFFFFFFC0]  }
0x312: {  	v17 =	vmul.f32 v17, v10;
	v33 =	vld [tilespmem:s25+$0xFFFFFFD0]  }
0x313: {  	v7 =	vadd.f32 v20, v7;
	v15 =	vmul.f32 v15, v10;
	v34 =	vld [tilespmem:s25+$0xFFFFFFE0]  }
0x314: {  	v9 =	vadd.f32 v21, v9;
	v37 =	vld [tilespmem:s25+$0xFFFFFFF0];
	v11 =	vadd.f32 v17, v11;
	v16 =	vmul.f32 v16, v10;
	v36, _, _ =	vpop (xrf2)  }
0x315: {  	s3 =	sadd.s32 $0x400, s25;
	v5 =	vld [tilespmem:s25+$0x0];
	v12 =	vadd.f32 v15, v12;
	v35 =	vmul.f32 v18, v10;
	v38 =	vbroadcast v36, $0xF  }
0x316: {  	v40 =	vld [tilespmem:s3+$0xFFFFFF90];
	v19 =	vmul.f32 v19, v10;
	v6 =	vadd.f32 v16, v6;
	v39 =	vmul.f32 v32, v10  }
0x317: {  	v42 =	vld [tilespmem:s3+$0xFFFFFFA0];
	v8 =	vadd.f32 v35, v8;
	v41 =	vmul.f32 v23, v10;
	v43 =	vmul.f32 v24, v38  }
0x318: {  	v46 =	vld [tilespmem:s3+$0xFFFFFFB0];
	v13 =	vadd.f32 v19, v13;
	v44 =	vmul.f32 v25, v38;
	v47 =	vmul.f32 v26, v38;
	v45, _, _ =	vpop (xrf2)  }
0x319: {  	v48 =	vld [tilespmem:s3+$0xFFFFFFC0];
	v14 =	vadd.f32 v39, v14;
	v49 =	vmul.f32 v27, v38;
	v23 =	vbroadcast v45, $0xF  }
0x31a: {  	v50 =	vld [tilespmem:s3+$0xFFFFFFD0];
	v7 =	vadd.f32 v41, v7;
	v20 =	vmul.f32 v33, v38;
	v5 =	vmul.f32 v5, v38  }
0x31b: {  	v52 =	vld [tilespmem:s3+$0xFFFFFFE0];
	v56 =	vmul.f32 v34, v38;
	v11 =	vadd.f32 v43, v11;
	v51 =	vmul.f32 v40, v23  }
0x31c: {  	v53 =	vld [tilespmem:s3+$0xFFFFFFF0];
	v16 =	vmul.f32 v37, v38;
	v12 =	vadd.f32 v44, v12;
	v15 =	vmul.f32 v42, v23  }
0x31d: {  	s26 =	sshll.u32 s11, $0x7;
	v54 =	vld [tilespmem:s3+$0x0];
	v6 =	vadd.f32 v47, v6;
	v55 =	vmul.f32 v46, v23;
	v10 =	vadd.f32 v51, v11  }
0x31e: {  	s3 =	sand.u32 $0x3FFFFF80, s26;
	v8 =	vadd.f32 v49, v8;
	v57 =	vmul.f32 v48, v23;
	v12 =	vadd.f32 v15, v12  }
0x31f: {  	v13 =	vadd.f32 v20, v13;
	v58 =	vmul.f32 v50, v23;
	v6 =	vadd.f32 v55, v6;
	[tilespmem:s3+$0x18180] =	vst v10  }
0x320: {  	s10 =	sadd.s32 $0x1, s10;
	v59 =	vadd.f32 v56, v14;
	v60 =	vmul.f32 v52, v23;
	v8 =	vadd.f32 v57, v8;
	[tilespmem:s3+$0x18190] =	vst v12  }
0x321: {  	p0 =	sne.s32 s10, $0x8;
	v7 =	vadd.f32 v16, v7;
	v62 =	vmul.f32 v53, v23;
	v61 =	vadd.f32 v58, v13;
	[tilespmem:s3+$0x181A0] =	vst v6  }
.Ltmp9:
0x322: {  	v5 =	vadd.f32 v5, v9;
	v63 =	vadd.f32 v60, v59;
	v6 =	vmul.f32 v54, v23;
	[tilespmem:s3+$0x181B0] =	vst v8;
	(pc) =	sbr.rel @p0 .LBB2_13-.Ltmp9, $4  }
0x323: {  	v7 =	vadd.f32 v62, v7;
	[tilespmem:s3+$0x181C0] =	vst v61  }
0x324: {  	[tilespmem:s3+$0x181D0] =	vst v63;
	v5 =	vadd.f32 v6, v5  }
0x325: {  	s6 =	sadd.s32 $0x70, s6;
	[tilespmem:s3+$0x181E0] =	vst v7  }
0x326: {  	s7 =	sadd.s32 $0x70, s7;
	s8 =	sadd.s32 $0x80, s8;
	s9 =	sadd.s32 $0x80, s9;
	[tilespmem:s3+$0x181F0] =	vst v5  }
0x327: {  	s19 =	sadd.s32 $0x1, s19  }
0x328: {  	p0 =	sne.s32 s19, $0x8  }
.Ltmp10:
0x329: {  	_ = 	snop;
	(pc) =	sbr.rel @p0 .LBB2_2-.Ltmp10, $1  }
0x32a: {  	_ =	sdelay $0x3  }
0x32b: {  	_ =	swait.ge [sflag:s29], $0x1DC0  }
0x32c: {  	[sflag:s29] =	ssyncset.done $0x0  }
0x32d: {  	[sflag:s29] =	ssyncadd.s32 $0xFFFFE240  }
0x32e: {  	_ =	swait.ge [sflag:s29], $0x1DC0  }
0x32f: {  	[sflag:s29] =	ssyncset.done $0x0  }
0x330: {  	[sflag:s29] =	ssyncadd.s32 $0xFFFFE240  }
0x331: {  	_ =	swait.ge [sflag:s30], $0x2200  }
0x332: {  	[sflag:s30] =	ssyncset.done $0x0  }
0x333: {  	[sflag:s30] =	ssyncadd.s32 $0xFFFFDE00  }
0x334: {  	_ =	swait.ge [sflag:s30], $0x2200  }
0x335: {  	s8 =	simm.s32 $0x0;
	s3 =	simm.s32 $0x18180;
	[sflag:s30] =	ssyncset.done $0x0  }
0x336: {  	s5 =	simm.s32 $0x5;
	s0 =	rddreg [dreg:$0x9];
	[sflag:s30] =	ssyncadd.s32 $0xFFFFDE00  }
0x337: {  	[hbm4b:s0+s8] =	stream.linear.scatter [tilespmem:s3], [sflag:$0x5], $0x4000, $0x38;
	[tilespmem:$0x1C180] =	vst v63  }
0x338: {  	_ =	swait.ge [sflag:s5], $0x4000  }
0x339: {  	s25 =	rddreg [dreg:$0xb]  }
0x33a: {  	s26 =	rddreg [dreg:$0xa];
	s3 =	sadd.s32 $0x1, s25  }
0x33b: {  	p0 =	sne.s32 s3, s26  }
.Ltmp11:
0x33c: {  	_ = 	snop;
	(pc) =	sbr.rel @p0 .LBB2_1-.Ltmp11, $3  }
0x33d: {  	_ =	sdelay $0x1  }
0x33e: {  	[sflag:s5] =	ssyncset.done $0x0  }
0x33f: {  	[sflag:s5] =	ssyncadd.s32 $0xFFFFC000  }
0x340: {  	_ =	sfence.sel $0x180000  }
0x341: {  	[bflag:$0x0] =	sbarrier.arrive $0xFFFF  }
0x342: {  	_ =	strace $0x9000004A  }
0x343: {  	s0 =	stileid.u32;
	[bflag:$0x2] =	sbarrier.arrive $0xFFFF  }
0x344: {  	p0 =	sne.s32 s0, $0x0;
	s0 =	rddreg [dreg:$0x3]  }
0x345: {  	s0 =	sadd.s32 @!p0 $0x100000, s0  }
0x346: {  	[sflag:s0] =	ssyncadd.tile.s32 @!p0 $0x1;
	_ =	shalt  }
.Lfunc_end2:
_tile_overlayer_lowered:
.L_overlay_start_2:
0x347: {  	(tag) =	ssettag $0x2  }
0x348: {  	s0 =	rddreg [dreg:$0x0];
	s2 =	stileid.u32  }
0x349: {  	s1 =	rddreg [dreg:$0x1];
	p0 =	sne.s32 s2, $0x0  }
0x34a: {  	s3 =	rddreg [dreg:$0x2];
	[bflag:$0x3] =	sbarrier.arrive $0xFFFF;
	s2 =	simm.s32 @!p0 $0x1C05  }
0x34b: {  	[timem:s3], [sflag:s2] =	dma.local @!p0 [hbm:s0], s1  }
0x34c: {  	s0 =	simm.s32 @!p0 $0x5  }
0x34d: {  	_ =	swait.ge @!p0 [sflag:s0], s1  }
0x34e: {  	s1 =	ssub.s32 @!p0 $0x0, s1;
	[sflag:s0] =	ssyncset.done @!p0 $0x0  }
0x34f: {  	[sflag:s0] =	ssyncadd.s32 @!p0 s1  }
0x350: {  	[bflag:$0x3] =	sbarrier.arrive $0xFFFF  }
0x351: {  	_ =	shalt  }

</sc_bundles>
